<compile_context>
chip_gen: v7x
topology: tpu7x:2x2x1
jax: 0.10.2.dev20260603
libtpu: 0.0.44.dev20260713+nightly
codegen_flags: <defaults>
</compile_context>

<pallas_src>
import functools

import jax
import jax.numpy as jnp
from jax import lax
from jax.experimental import pallas as pl
from jax.experimental.pallas import tpu as pltpu
from jax.experimental.pallas import tpu_sc as plsc

N_NODES = 10000
N_EDGES = 320000
D_NODE = 128
D_EDGE = 16
HID = 128
N_GRAPHS = 64

F32 = jnp.float32
_P = lax.Precision.HIGHEST


def _mm(a, b):
    return lax.dot_general(a, b, (((1,), (0,)), ((), ())), precision=_P)


def _mmh(a, b):
    bf = jnp.bfloat16
    dn = (((1,), (0,)), ((), ()))
    a_hi = a.astype(bf)
    b_hi = b.astype(bf)
    a_lo = (a - a_hi.astype(F32)).astype(bf)
    b_lo = (b - b_hi.astype(F32)).astype(bf)
    d = lambda x, y: lax.dot_general(x, y, dn, preferred_element_type=F32)
    return d(a_hi, b_hi) + d(a_lo, b_hi) + d(a_hi, b_lo)


def _dense_prep_body(nf, lw, lb, rw, rb, left_out, right_out):
    x = nf[...]
    left_out[...] = _mm(x, lw[...]) + lb[...]
    right_out[...] = _mm(x, rw[...]) + rb[...]


def _dense_prep(node_feats, lw, lb, rw, rb):
    return pl.pallas_call(
        _dense_prep_body,
        out_shape=(
            jax.ShapeDtypeStruct((N_NODES, HID), F32),
            jax.ShapeDtypeStruct((N_NODES, HID), F32),
        ),
    )(node_feats, lw, lb, rw, rb)


_EBLK = 512


def _edge_chain_body(ef, gl, gr, we2e, be2e, we2n, be2n, wua, wub, bu,
                     w2e2n, b2e2n, out):
    e = ef[...]
    second = jnp.maximum(_mmh(e, we2e[...]) + be2e[...], 0.0)
    e2n = jnp.maximum(_mmh(e, we2n[...]) + be2n[...], 0.0)
    first = jnp.maximum(gl[...] + gr[...], 0.0)
    new_edge = jnp.maximum(_mmh(first, wua[...]) + _mmh(second, wub[...]) + bu[...], 0.0)
    z = jnp.maximum(_mmh(new_edge, w2e2n[...]) + b2e2n[...], 0.0)
    out[...] = jnp.concatenate([e2n, z], axis=1)


def _edge_chain(edge_feats, gl, gr, we2e, be2e, we2n, be2n, wua, wub, bu,
                w2e2n, b2e2n):
    nblk = N_EDGES // _EBLK
    full = lambda a: pl.BlockSpec(a.shape, lambda i: (0, 0))
    return pl.pallas_call(
        _edge_chain_body,
        grid=(nblk,),
        in_specs=[
            pl.BlockSpec((_EBLK, D_EDGE), lambda i: (i, 0)),
            pl.BlockSpec((_EBLK, HID), lambda i: (i, 0)),
            pl.BlockSpec((_EBLK, HID), lambda i: (i, 0)),
            full(we2e), full(be2e), full(we2n), full(be2n), full(wua),
            full(wub), full(bu), full(w2e2n), full(b2e2n),
        ],
        out_specs=pl.BlockSpec((_EBLK, 2 * HID), lambda i: (i, 0)),
        out_shape=jax.ShapeDtypeStruct((N_EDGES, 2 * HID), F32),
    )(edge_feats, gl, gr, we2e, be2e, we2n, be2n, wua, wub, bu, w2e2n, b2e2n)


_GCH = 80


def _sc_gather(left, right, src, dst):
    info = plsc.get_sparse_core_info()
    nc = info.num_cores
    nw = nc * info.num_subcores
    per_w = N_EDGES // nw
    nch = per_w // _GCH
    mesh = plsc.VectorSubcoreMesh(core_axis_name="c", subcore_axis_name="s")

    @functools.partial(
        pl.kernel, mesh=mesh,
        out_type=(jax.ShapeDtypeStruct((N_EDGES, HID), F32),
                  jax.ShapeDtypeStruct((N_EDGES, HID), F32)),
        scratch_types=[
            pltpu.VMEM((per_w,), jnp.int32),
            pltpu.VMEM((per_w,), jnp.int32),
        ] + [pltpu.VMEM((_GCH, HID), F32)] * 8
          + [pltpu.SemaphoreType.DMA] * 8)
    def gk(left_h, right_h, src_h, dst_h, outl_h, outr_h,
           srcv, dstv, bl0, br0, bl1, br1, bl2, br2, bl3, br3,
           g0, g1, g2, g3, w0, w1, w2, w3):
        wid = lax.axis_index("s") * nc + lax.axis_index("c")
        base = wid * per_w
        pltpu.sync_copy(src_h.at[pl.ds(base, per_w)], srcv)
        pltpu.sync_copy(dst_h.at[pl.ds(base, per_w)], dstv)
        slots = ((bl0, br0, g0, w0), (bl1, br1, g1, w1),
                 (bl2, br2, g2, w2), (bl3, br3, g3, w3))

        def issue(ci, k):
            bl, br, g, _ = slots[k]
            i = pl.ds(ci * _GCH, _GCH)
            pltpu.async_copy(left_h.at[srcv.at[i]], bl, g)
            pltpu.async_copy(right_h.at[dstv.at[i]], br, g)

        def wait_gather(k):
            bl, br, g, _ = slots[k]
            pltpu.make_async_copy(left_h.at[pl.ds(0, _GCH)], bl, g).wait()
            pltpu.make_async_copy(left_h.at[pl.ds(0, _GCH)], br, g).wait()

        def write(ci, k):
            bl, br, _, w = slots[k]
            o = pl.ds(base + ci * _GCH, _GCH)
            pltpu.async_copy(bl, outl_h.at[o], w)
            pltpu.async_copy(br, outr_h.at[o], w)

        def wait_write(k):
            bl, br, _, w = slots[k]
            pltpu.make_async_copy(bl, outl_h.at[pl.ds(0, _GCH)], w).wait()
            pltpu.make_async_copy(br, outl_h.at[pl.ds(0, _GCH)], w).wait()

        issue(0, 0)
        issue(1, 1)

        def body(q, carry):
            for k in range(4):
                ci = 4 * q + k
                wait_gather(k)
                write(ci, k)
                ci2 = ci + 2
                s2 = (k + 2) % 4

                @pl.when(ci >= 2)
                def _():
                    wait_write(s2)

                @pl.when(ci2 < nch)
                def _():
                    issue(ci2, s2)
            return carry

        lax.fori_loop(0, (nch - 1) // 4, body, 0)
        wait_gather(0)
        write(nch - 1, 0)
        for k in (2, 3, 0):
            wait_write(k)

    return gk(left, right, src, dst)


_SCH = 80


def _sc_scatter_half(scat, dst, col0):
    info = plsc.get_sparse_core_info()
    ns = info.num_subcores
    per_t = N_EDGES // ns
    nch = per_t // _SCH
    _RA = 640
    _RL = N_NODES - (ns - 1) * _RA
    mesh = plsc.VectorSubcoreMesh(core_axis_name="c", subcore_axis_name="s",
                                  num_cores=1)

    @functools.partial(
        pl.kernel, mesh=mesh,
        out_type=jax.ShapeDtypeStruct((N_NODES, HID), F32),
        scratch_types=[
            pltpu.VMEM((_SCH,), jnp.int32),
            pltpu.VMEM((_SCH,), jnp.int32),
            pltpu.VMEM((_SCH, HID), F32),
            pltpu.VMEM((_SCH, HID), F32),
            pltpu.VMEM((_SCH, HID), F32),
            pltpu.VMEM_SHARED((N_NODES, HID), F32),
        ] + [pltpu.SemaphoreType.DMA] * 4)
    def sk(scat_h, dst_h, out_h, di0, di1, b0, b1, zbuf, acc,
           l0, l1, a0, a1):
        s = lax.axis_index("s")

        def zinit(i, carry):
            zbuf[i // 8, pl.ds((i % 8) * 16, 16)] = jnp.zeros((16,), F32)
            return carry

        lax.fori_loop(0, _SCH * 8, zinit, 0)

        @pl.when(s < ns - 1)
        def _():
            for k in range(_RA // _SCH):
                pltpu.sync_copy(zbuf, acc.at[pl.ds(s * _RA + k * _SCH, _SCH)])

        @pl.when(s == ns - 1)
        def _():
            for k in range(_RL // _SCH):
                pltpu.sync_copy(
                    zbuf, acc.at[pl.ds((ns - 1) * _RA + k * _SCH, _SCH)])

        plsc.subcore_barrier()

        slots = ((di0, b0, l0, a0), (di1, b1, l1, a1))

        def load(ci, k):
            di, b, l, _ = slots[k]
            off = s * per_t + ci * _SCH
            pltpu.async_copy(dst_h.at[pl.ds(off, _SCH)], di, l)
            pltpu.async_copy(
                scat_h.at[pl.ds(off, _SCH), pl.ds(col0, HID)], b, l)

        def wait_load(k):
            di, b, l, _ = slots[k]
            pltpu.make_async_copy(dst_h.at[pl.ds(0, _SCH)], di, l).wait()
            pltpu.make_async_copy(
                scat_h.at[pl.ds(0, _SCH), pl.ds(0, HID)], b, l).wait()

        def add(k):
            di, b, _, a = slots[k]
            pltpu.async_copy(b, acc.at[di], a, add=True)

        def wait_add(k):
            di, b, _, a = slots[k]
            pltpu.make_async_copy(b, acc.at[pl.ds(0, _SCH)], a).wait()

        load(0, 0)
        load(1, 1)

        def body(p, carry):
            c = 2 * p
            wait_load(0)
            add(0)
            wait_load(1)
            add(1)

            @pl.when(c + 2 < nch)
            def _():
                wait_add(0)
                load(c + 2, 0)
                wait_add(1)
                load(c + 3, 1)
            return carry

        lax.fori_loop(0, nch // 2, body, 0)
        wait_add(0)
        wait_add(1)
        plsc.subcore_barrier()

        @pl.when(s < ns - 1)
        def _():
            pltpu.sync_copy(acc.at[pl.ds(s * _RA, _RA)],
                            out_h.at[pl.ds(s * _RA, _RA)])

        @pl.when(s == ns - 1)
        def _():
            pltpu.sync_copy(acc.at[pl.ds((ns - 1) * _RA, _RL)],
                            out_h.at[pl.ds((ns - 1) * _RA, _RL)])

    return sk(scat, dst)


def _finalize_body(nf, en, en2, gid, wn2n, bn2n, wu1a, wu1b, bu1,
                   w2n2n, b2n2n, wu2a, wu2b, bu2, aw, awb,
                   p1w, p1b, p2w, p2b, out, hm_ref):
    act = lambda x: jnp.maximum(x, 0.0)
    node_node = act(_mm(nf[...], wn2n[...]) + bn2n[...])
    new_node = act(_mm(node_node, wu1a[...]) + _mm(en[...], wu1b[...]) + bu1[...])
    node_node2 = act(_mm(new_node, w2n2n[...]) + b2n2n[...])
    h = act(_mm(node_node2, wu2a[...]) + _mm(en2[...], wu2b[...]) + bu2[...])
    s = _mm(h, aw[...]) + awb[...]
    atom_w = 1.0 / (1.0 + jnp.exp(-s))
    weighted = h * atom_w
    g = gid[...]
    onehot = (g == lax.broadcasted_iota(jnp.int32, (1, N_GRAPHS), 1)
              ).astype(F32)
    hsum = lax.dot_general(onehot, weighted, (((0,), (0,)), ((), ())), precision=_P)

    def mbody(i, _):
        m = g == i
        col = jnp.where(m, h, -jnp.inf).max(axis=0, keepdims=True)
        hm_ref[pl.ds(i, 1), :] = col
        return 0

    lax.fori_loop(0, N_GRAPHS, mbody, 0)
    g_feats = jnp.concatenate([hsum, hm_ref[...]], axis=1)
    out[...] = _mm(_mm(g_feats, p1w[...]) + p1b[...], p2w[...]) + p2b[...]


def _finalize(nf, en, en2, gid, wn2n, bn2n, wu1a, wu1b, bu1, w2n2n, b2n2n,
              wu2a, wu2b, bu2, aw, awb, p1w, p1b, p2w, p2b):
    return pl.pallas_call(
        _finalize_body,
        out_shape=jax.ShapeDtypeStruct((N_GRAPHS, 1), F32),
        scratch_shapes=[pltpu.VMEM((N_GRAPHS, HID), F32)],
    )(nf, en, en2, gid, wn2n, bn2n, wu1a, wu1b, bu1, w2n2n, b2n2n,
      wu2a, wu2b, bu2, aw, awb, p1w, p1b, p2w, p2b)


def kernel(node_feats, edge_feats, edge_index, node_graph_ids, params):
    src = edge_index[0]
    dst = edge_index[1]
    p = params
    row = lambda v: v.reshape(1, -1)

    lw, lb = p['l1_left']
    rw, rb = p['l1_right']
    left, right = _dense_prep(node_feats, lw, row(lb), rw, row(rb))

    gl, gr = _sc_gather(left, right, src, dst)

    we2e, be2e = p['l1_e2e']
    we2n, be2n = p['l1_e2n']
    wu, bu = p['l1_upde']
    w2e2n, b2e2n = p['l2_e2n']
    scat = _edge_chain(edge_feats, gl, gr, we2e, row(be2e), we2n, row(be2n),
                       wu[:HID], wu[HID:], row(bu), w2e2n, row(b2e2n))

    en = _sc_scatter_half(scat, dst, 0)
    en2 = _sc_scatter_half(scat, dst, HID)

    wn2n, bn2n = p['l1_n2n']
    wu1, bu1 = p['l1_updn']
    w2n2n, b2n2n = p['l2_n2n']
    wu2, bu2 = p['l2_updn']
    aw, awb = p['aw']
    p1w, p1b = p['pred1']
    p2w, p2b = p['pred2']
    return _finalize(node_feats, en, en2,
                     node_graph_ids.reshape(N_NODES, 1).astype(jnp.int32),
                     wn2n, row(bn2n), wu1[:HID], wu1[HID:], row(bu1),
                     w2n2n, row(b2n2n), wu2[:HID], wu2[HID:], row(bu2),
                     aw, row(awb), p1w, row(p1b), p2w, row(p2b))

# --- scband reference (transcript-rebuilt; emitter-appended) ---
"""Pipeline reference for scband-weave-predictor-90074054132514 (READ-ONLY COPY).

The authoritative reference and input builder live on the scoring server;
editing this copy changes nothing except your own understanding.
"""

import jax, jax.numpy as jnp
import numpy as np

N_NODES = 10000
N_EDGES = 320000
D_NODE = 128
D_EDGE = 16
HID = 128
N_GRAPHS = 64

def _lin(key, fi, fo):
    k1, k2 = jax.random.split(key)
    s = 1.0 / np.sqrt(fi)
    w = jax.random.uniform(k1, (fi, fo), minval=-s, maxval=s, dtype=jnp.float32)
    b = jax.random.uniform(k2, (fo,), minval=-s, maxval=s, dtype=jnp.float32)
    return (w, b)

def _make_params(key):
    ks = jax.random.split(key, 13)
    p = {}
    p['l1_n2n'] = _lin(ks[0], D_NODE, HID)
    p['l1_e2n'] = _lin(ks[1], D_EDGE, HID)
    p['l1_updn'] = _lin(ks[2], 2 * HID, HID)
    p['l1_left'] = _lin(ks[3], D_NODE, HID)
    p['l1_right'] = _lin(ks[4], D_NODE, HID)
    p['l1_e2e'] = _lin(ks[5], D_EDGE, HID)
    p['l1_upde'] = _lin(ks[6], 2 * HID, HID)
    p['l2_n2n'] = _lin(ks[7], HID, HID)
    p['l2_e2n'] = _lin(ks[8], HID, HID)
    p['l2_updn'] = _lin(ks[9], 2 * HID, HID)
    p['aw'] = _lin(ks[10], HID, 1)
    p['pred1'] = _lin(ks[11], 2 * HID, 64)
    p['pred2'] = _lin(ks[12], 64, 1)
    return p

def setup_inputs(seed: int = 0):
    key = jax.random.key(seed)
    k0, k1, k2, k3, k4 = jax.random.split(key, 5)
    node_feats = jax.random.normal(k0, (N_NODES, D_NODE), dtype=jnp.float32)
    edge_feats = jax.random.normal(k1, (N_EDGES, D_EDGE), dtype=jnp.float32)
    edge_index = jax.random.randint(k2, (2, N_EDGES), 0, N_NODES)
    node_graph_ids = jnp.sort(jax.random.randint(k3, (N_NODES,), 0, N_GRAPHS))
    params = _make_params(k4)
    return {"node_feats": node_feats, "edge_feats": edge_feats, "edge_index": edge_index, "node_graph_ids": node_graph_ids, "params": params}

def _weave_layer(node_feats, edge_feats, src, dst, w, node_only):
    act = jax.nn.relu
    nw, nb = w['n2n']
    ew, eb = w['e2n']
    uw, ub = w['updn']
    node_node = act(node_feats @ nw + nb)
    e2n = act(edge_feats @ ew + eb)
    edge_node = jax.ops.segment_sum(e2n, dst, num_segments=N_NODES)
    new_node = act(jnp.concatenate([node_node, edge_node], axis=1) @ uw + ub)
    if node_only:
        return new_node
    lw, lb = w['left']
    rw, rb = w['right']
    left = node_feats @ lw + lb
    right = node_feats @ rw + rb
    first = act(left[src] + right[dst])
    e2ew, e2eb = w['e2e']
    second = act(edge_feats @ e2ew + e2eb)
    uew, ueb = w['upde']
    new_edge = act(jnp.concatenate([first, second], axis=1) @ uew + ueb)
    return new_node, new_edge

def _forward(node_feats, edge_feats, params, src, dst, gids):
    l1 = {'n2n': params['l1_n2n'], 'e2n': params['l1_e2n'], 'updn': params['l1_updn'], 'left': params['l1_left'], 'right': params['l1_right'], 'e2e': params['l1_e2e'], 'upde': params['l1_upde']}
    h, e = _weave_layer(node_feats, edge_feats, src, dst, l1, False)
    l2 = {'n2n': params['l2_n2n'], 'e2n': params['l2_e2n'], 'updn': params['l2_updn']}
    h = _weave_layer(h, e, src, dst, l2, True)
    aww, awb = params['aw']
    atom_w = jax.nn.sigmoid(h @ aww + awb)
    h_sum = jax.ops.segment_sum(h * atom_w, gids, num_segments=N_GRAPHS)
    h_max = jax.ops.segment_max(h, gids, num_segments=N_GRAPHS)
    g_feats = jnp.concatenate([h_sum, h_max], axis=1)
    p1w, p1b = params['pred1']
    p2w, p2b = params['pred2']
    return (g_feats @ p1w + p1b) @ p2w + p2b

def reference(node_feats, edge_feats, edge_index, node_graph_ids, params):
    src = edge_index[0]
    dst = edge_index[1]
    return _forward(node_feats, edge_feats, params, src, dst, node_graph_ids)

if __name__ == "__main__":
    import jax
    _d = setup_inputs()
    print(jax.jit(kernel)(*tuple(_d.values())))

</pallas_src>

<mosaic_0001>
#map = affine_map<(d0, d1) -> (0, 0)>
#map1 = affine_map<(d0, d1) -> (0)>
module attributes {stable_mosaic.version = 14 : i64} {
  func.func @sk(%arg0: i32, %arg1: i32, %arg2: memref<320000x256xf32, #tpu.memory_space<hbm>>, %arg3: memref<320000xi32, #tpu.memory_space<hbm>>, %arg4: memref<10000x128xf32, #tpu.memory_space<hbm>>, %arg5: memref<80xi32, #tpu.memory_space<vmem>>, %arg6: memref<80xi32, #tpu.memory_space<vmem>>, %arg7: memref<80x128xf32, #tpu.memory_space<vmem>>, %arg8: memref<80x128xf32, #tpu.memory_space<vmem>>, %arg9: memref<80x128xf32, #tpu.memory_space<vmem>>, %arg10: memref<10000x128xf32, #tpu.memory_space<vmem_shared>>, %arg11: memref<!tpu.dma_semaphore, #tpu.memory_space<semaphore_mem>>, %arg12: memref<!tpu.dma_semaphore, #tpu.memory_space<semaphore_mem>>, %arg13: memref<!tpu.dma_semaphore, #tpu.memory_space<semaphore_mem>>, %arg14: memref<!tpu.dma_semaphore, #tpu.memory_space<semaphore_mem>>) attributes {dimension_semantics = [#tpu.dimension_semantics<core_parallel>, #tpu.dimension_semantics<subcore_parallel>], iteration_bounds = array<i64: 1, 16>, scalar_prefetch = 0 : i64, scratch_operands = 10 : i64, tpu.core_type = #tpu.core_type<sc_vector_subcore>, window_params = [{transform_indices = #map}, {transform_indices = #map1}, {transform_indices = #map}]} {
    %scan3A = arith.constant 0 : i32
    %scan3A_0 = arith.constant 0 : i32
    %scan3A_1 = arith.constant 640 : i32
    %scan3A_2 = arith.addi %scan3A_0, %scan3A_1 : i32
    %scan3A_3 = arith.constant 1 : i32
    scf.for %scan3A_56 = %scan3A_0 to %scan3A_2 step %scan3A_3  : i32 {
      %broadcast_in_dim3A = arith.constant 0.000000e+00 : f32
      %broadcast_in_dim3A_57 = vector.broadcast %broadcast_in_dim3A : f32 to vector<16xf32>
      %jit3A = arith.constant 8 : i32
      %div3A = arith.divsi %scan3A_56, %jit3A : i32
      %sign3A = arith.constant 0 : i32
      %sign3A_58 = arith.cmpi sgt, %scan3A_56, %sign3A : i32
      %sign3A_59 = arith.extui %sign3A_58 : i1 to i32
      %sign3A_60 = arith.constant 0 : i32
      %sign3A_61 = arith.cmpi slt, %scan3A_56, %sign3A_60 : i32
      %sign3A_62 = arith.extui %sign3A_61 : i1 to i32
      %sign3A_63 = arith.subi %sign3A_59, %sign3A_62 : i32
      %sign3A_64 = arith.constant 0 : i32
      %sign3A_65 = arith.cmpi sgt, %jit3A, %sign3A_64 : i32
      %sign3A_66 = arith.extui %sign3A_65 : i1 to i32
      %sign3A_67 = arith.constant 0 : i32
      %sign3A_68 = arith.cmpi slt, %jit3A, %sign3A_67 : i32
      %sign3A_69 = arith.extui %sign3A_68 : i1 to i32
      %sign3A_70 = arith.subi %sign3A_66, %sign3A_69 : i32
      %ne3A = arith.cmpi ne, %sign3A_63, %sign3A_70 : i32
      %rem3A = arith.remsi %scan3A_56, %jit3A : i32
      %ne3A_71 = arith.constant 0 : i32
      %ne3A_72 = arith.cmpi ne, %rem3A, %ne3A_71 : i32
      %and3A = arith.andi %ne3A, %ne3A_72 : i1
      %sub3A = arith.constant 1 : i32
      %sub3A_73 = arith.subi %div3A, %sub3A : i32
      %select_n3A = arith.select %and3A, %sub3A_73, %div3A : i32
      %jit3A_74 = arith.constant 8 : i32
      %eq3A_75 = arith.constant 0 : i32
      %eq3A_76 = arith.cmpi eq, %jit3A_74, %eq3A_75 : i32
      %jit3A_77 = arith.constant 1 : i32
      %select_n3A_78 = arith.select %eq3A_76, %jit3A_77, %jit3A_74 : i32
      %rem3A_79 = arith.remsi %scan3A_56, %select_n3A_78 : i32
      %ne3A_80 = arith.constant 0 : i32
      %ne3A_81 = arith.cmpi ne, %rem3A_79, %ne3A_80 : i32
      %lt3A_82 = arith.constant 0 : i32
      %lt3A_83 = arith.cmpi slt, %rem3A_79, %lt3A_82 : i32
      %lt3A_84 = arith.constant 0 : i32
      %lt3A_85 = arith.cmpi slt, %select_n3A_78, %lt3A_84 : i32
      %ne3A_86 = arith.xori %lt3A_83, %lt3A_85 : i1
      %and3A_87 = arith.andi %ne3A_86, %ne3A_81 : i1
      %add3A_88 = arith.addi %rem3A_79, %select_n3A_78 : i32
      %select_n3A_89 = arith.select %and3A_87, %add3A_88, %rem3A_79 : i32
      %mul3A_90 = arith.constant 16 : i32
      %mul3A_91 = arith.muli %select_n3A_89, %mul3A_90 : i32
      %swap3A = arith.index_cast %select_n3A : i32 to index
      %swap3A_92 = arith.index_cast %mul3A_91 : i32 to index
      %swap3A_93 = tpu.vector_load %arg9[%swap3A, %swap3A_92] {strides = array<i32>} : memref<80x128xf32, #tpu.memory_space<vmem>>, vector<1x16xf32>,
      %swap3A_94 = vector.shape_cast %swap3A_93 : vector<1x16xf32> to vector<16xf32>
      %swap3A_95 = vector.shape_cast %broadcast_in_dim3A_57 : vector<16xf32> to vector<1x16xf32>
      tpu.vector_store %arg9[%swap3A, %swap3A_92], %swap3A_95 {strides = array<i32>} : memref<80x128xf32, #tpu.memory_space<vmem>>, vector<1x16xf32>,
    }
    %scan3A_4 = arith.constant 640 : i32
    %lt3A = arith.constant 15 : i32
    %lt3A_5 = arith.cmpi slt, %arg1, %lt3A : i32
    %convert_element_type3A = arith.extui %lt3A_5 : i1 to i32
    %cond3A = arith.constant 0 : i32
    %cond3A_6 = arith.cmpi ne, %convert_element_type3A, %cond3A : i32
    scf.if %cond3A_6 {
      %mul3A_56 = arith.constant 640 : i32
      %mul3A_57 = arith.muli %arg1, %mul3A_56 : i32
      %add3A_58 = arith.constant 0 : i32
      %add3A_59 = arith.addi %mul3A_57, %add3A_58 : i32
      "tpu.region"() ({
        %run_scoped3A = tpu.sem_alloc : memref<!tpu.dma_semaphore, #tpu.memory_space<semaphore_mem>>
        %dma_start3A_88 = arith.constant 0 : i32
        %dma_start3A_89 = tpu.memref_slice %arg10[%add3A_59, %dma_start3A_88] : memref<10000x128xf32, #tpu.memory_space<vmem_shared>> -> memref<80x128xf32, #tpu.memory_space<vmem_shared>>
        %dma_start3A_90 = arith.constant 0 : i32
        %dma_start3A_91 = tpu.memref_slice %arg10[%add3A_59, %dma_start3A_90] : memref<10000x128xf32, #tpu.memory_space<vmem_shared>> -> memref<80x128xf32, #tpu.memory_space<vmem_shared>>
        tpu.enqueue_dma source(%arg9 : memref<80x128xf32, #tpu.memory_space<vmem>>) target(%dma_start3A_91 : memref<80x128xf32, #tpu.memory_space<vmem_shared>>) target_semaphore(%run_scoped3A : memref<!tpu.dma_semaphore, #tpu.memory_space<semaphore_mem>>)
        %dma_wait3A_92 = arith.constant 0 : i32
        %dma_wait3A_93 = tpu.memref_slice %arg10[%add3A_59, %dma_wait3A_92] : memref<10000x128xf32, #tpu.memory_space<vmem_shared>> -> memref<80x128xf32, #tpu.memory_space<vmem_shared>>
        %dma_wait3A_94 = arith.constant 0 : i32
        %dma_wait3A_95 = tpu.memref_slice %arg10[%add3A_59, %dma_wait3A_94] : memref<10000x128xf32, #tpu.memory_space<vmem_shared>> -> memref<80x128xf32, #tpu.memory_space<vmem_shared>>
        tpu.wait_dma2 semaphore(%run_scoped3A : memref<!tpu.dma_semaphore, #tpu.memory_space<semaphore_mem>>) src(%arg9 : memref<80x128xf32, #tpu.memory_space<vmem>>) dst(%dma_wait3A_95 : memref<80x128xf32, #tpu.memory_space<vmem_shared>>)
        tpu.yield
      }) : () -> ()
      %mul3A_60 = arith.constant 640 : i32
      %mul3A_61 = arith.muli %arg1, %mul3A_60 : i32
      %add3A_62 = arith.constant 80 : i32
      %add3A_63 = arith.addi %mul3A_61, %add3A_62 : i32
      "tpu.region"() ({
        %run_scoped3A = tpu.sem_alloc : memref<!tpu.dma_semaphore, #tpu.memory_space<semaphore_mem>>
        %dma_start3A_88 = arith.constant 0 : i32
        %dma_start3A_89 = tpu.memref_slice %arg10[%add3A_63, %dma_start3A_88] : memref<10000x128xf32, #tpu.memory_space<vmem_shared>> -> memref<80x128xf32, #tpu.memory_space<vmem_shared>>
        %dma_start3A_90 = arith.constant 0 : i32
        %dma_start3A_91 = tpu.memref_slice %arg10[%add3A_63, %dma_start3A_90] : memref<10000x128xf32, #tpu.memory_space<vmem_shared>> -> memref<80x128xf32, #tpu.memory_space<vmem_shared>>
        tpu.enqueue_dma source(%arg9 : memref<80x128xf32, #tpu.memory_space<vmem>>) target(%dma_start3A_91 : memref<80x128xf32, #tpu.memory_space<vmem_shared>>) target_semaphore(%run_scoped3A : memref<!tpu.dma_semaphore, #tpu.memory_space<semaphore_mem>>)
        %dma_wait3A_92 = arith.constant 0 : i32
        %dma_wait3A_93 = tpu.memref_slice %arg10[%add3A_63, %dma_wait3A_92] : memref<10000x128xf32, #tpu.memory_space<vmem_shared>> -> memref<80x128xf32, #tpu.memory_space<vmem_shared>>
        %dma_wait3A_94 = arith.constant 0 : i32
        %dma_wait3A_95 = tpu.memref_slice %arg10[%add3A_63, %dma_wait3A_94] : memref<10000x128xf32, #tpu.memory_space<vmem_shared>> -> memref<80x128xf32, #tpu.memory_space<vmem_shared>>
        tpu.wait_dma2 semaphore(%run_scoped3A : memref<!tpu.dma_semaphore, #tpu.memory_space<semaphore_mem>>) src(%arg9 : memref<80x128xf32, #tpu.memory_space<vmem>>) dst(%dma_wait3A_95 : memref<80x128xf32, #tpu.memory_space<vmem_shared>>)
        tpu.yield
      }) : () -> ()
      %mul3A_64 = arith.constant 640 : i32
      %mul3A_65 = arith.muli %arg1, %mul3A_64 : i32
      %add3A_66 = arith.constant 160 : i32
      %add3A_67 = arith.addi %mul3A_65, %add3A_66 : i32
      "tpu.region"() ({
        %run_scoped3A = tpu.sem_alloc : memref<!tpu.dma_semaphore, #tpu.memory_space<semaphore_mem>>
        %dma_start3A_88 = arith.constant 0 : i32
        %dma_start3A_89 = tpu.memref_slice %arg10[%add3A_67, %dma_start3A_88] : memref<10000x128xf32, #tpu.memory_space<vmem_shared>> -> memref<80x128xf32, #tpu.memory_space<vmem_shared>>
        %dma_start3A_90 = arith.constant 0 : i32
        %dma_start3A_91 = tpu.memref_slice %arg10[%add3A_67, %dma_start3A_90] : memref<10000x128xf32, #tpu.memory_space<vmem_shared>> -> memref<80x128xf32, #tpu.memory_space<vmem_shared>>
        tpu.enqueue_dma source(%arg9 : memref<80x128xf32, #tpu.memory_space<vmem>>) target(%dma_start3A_91 : memref<80x128xf32, #tpu.memory_space<vmem_shared>>) target_semaphore(%run_scoped3A : memref<!tpu.dma_semaphore, #tpu.memory_space<semaphore_mem>>)
        %dma_wait3A_92 = arith.constant 0 : i32
        %dma_wait3A_93 = tpu.memref_slice %arg10[%add3A_67, %dma_wait3A_92] : memref<10000x128xf32, #tpu.memory_space<vmem_shared>> -> memref<80x128xf32, #tpu.memory_space<vmem_shared>>
        %dma_wait3A_94 = arith.constant 0 : i32
        %dma_wait3A_95 = tpu.memref_slice %arg10[%add3A_67, %dma_wait3A_94] : memref<10000x128xf32, #tpu.memory_space<vmem_shared>> -> memref<80x128xf32, #tpu.memory_space<vmem_shared>>
        tpu.wait_dma2 semaphore(%run_scoped3A : memref<!tpu.dma_semaphore, #tpu.memory_space<semaphore_mem>>) src(%arg9 : memref<80x128xf32, #tpu.memory_space<vmem>>) dst(%dma_wait3A_95 : memref<80x128xf32, #tpu.memory_space<vmem_shared>>)
        tpu.yield
      }) : () -> ()
      %mul3A_68 = arith.constant 640 : i32
      %mul3A_69 = arith.muli %arg1, %mul3A_68 : i32
      %add3A_70 = arith.constant 240 : i32
      %add3A_71 = arith.addi %mul3A_69, %add3A_70 : i32
      "tpu.region"() ({
        %run_scoped3A = tpu.sem_alloc : memref<!tpu.dma_semaphore, #tpu.memory_space<semaphore_mem>>
        %dma_start3A_88 = arith.constant 0 : i32
        %dma_start3A_89 = tpu.memref_slice %arg10[%add3A_71, %dma_start3A_88] : memref<10000x128xf32, #tpu.memory_space<vmem_shared>> -> memref<80x128xf32, #tpu.memory_space<vmem_shared>>
        %dma_start3A_90 = arith.constant 0 : i32
        %dma_start3A_91 = tpu.memref_slice %arg10[%add3A_71, %dma_start3A_90] : memref<10000x128xf32, #tpu.memory_space<vmem_shared>> -> memref<80x128xf32, #tpu.memory_space<vmem_shared>>
        tpu.enqueue_dma source(%arg9 : memref<80x128xf32, #tpu.memory_space<vmem>>) target(%dma_start3A_91 : memref<80x128xf32, #tpu.memory_space<vmem_shared>>) target_semaphore(%run_scoped3A : memref<!tpu.dma_semaphore, #tpu.memory_space<semaphore_mem>>)
        %dma_wait3A_92 = arith.constant 0 : i32
        %dma_wait3A_93 = tpu.memref_slice %arg10[%add3A_71, %dma_wait3A_92] : memref<10000x128xf32, #tpu.memory_space<vmem_shared>> -> memref<80x128xf32, #tpu.memory_space<vmem_shared>>
        %dma_wait3A_94 = arith.constant 0 : i32
        %dma_wait3A_95 = tpu.memref_slice %arg10[%add3A_71, %dma_wait3A_94] : memref<10000x128xf32, #tpu.memory_space<vmem_shared>> -> memref<80x128xf32, #tpu.memory_space<vmem_shared>>
        tpu.wait_dma2 semaphore(%run_scoped3A : memref<!tpu.dma_semaphore, #tpu.memory_space<semaphore_mem>>) src(%arg9 : memref<80x128xf32, #tpu.memory_space<vmem>>) dst(%dma_wait3A_95 : memref<80x128xf32, #tpu.memory_space<vmem_shared>>)
        tpu.yield
      }) : () -> ()
      %mul3A_72 = arith.constant 640 : i32
      %mul3A_73 = arith.muli %arg1, %mul3A_72 : i32
      %add3A_74 = arith.constant 320 : i32
      %add3A_75 = arith.addi %mul3A_73, %add3A_74 : i32
      "tpu.region"() ({
        %run_scoped3A = tpu.sem_alloc : memref<!tpu.dma_semaphore, #tpu.memory_space<semaphore_mem>>
        %dma_start3A_88 = arith.constant 0 : i32
        %dma_start3A_89 = tpu.memref_slice %arg10[%add3A_75, %dma_start3A_88] : memref<10000x128xf32, #tpu.memory_space<vmem_shared>> -> memref<80x128xf32, #tpu.memory_space<vmem_shared>>
        %dma_start3A_90 = arith.constant 0 : i32
        %dma_start3A_91 = tpu.memref_slice %arg10[%add3A_75, %dma_start3A_90] : memref<10000x128xf32, #tpu.memory_space<vmem_shared>> -> memref<80x128xf32, #tpu.memory_space<vmem_shared>>
        tpu.enqueue_dma source(%arg9 : memref<80x128xf32, #tpu.memory_space<vmem>>) target(%dma_start3A_91 : memref<80x128xf32, #tpu.memory_space<vmem_shared>>) target_semaphore(%run_scoped3A : memref<!tpu.dma_semaphore, #tpu.memory_space<semaphore_mem>>)
        %dma_wait3A_92 = arith.constant 0 : i32
        %dma_wait3A_93 = tpu.memref_slice %arg10[%add3A_75, %dma_wait3A_92] : memref<10000x128xf32, #tpu.memory_space<vmem_shared>> -> memref<80x128xf32, #tpu.memory_space<vmem_shared>>
        %dma_wait3A_94 = arith.constant 0 : i32
        %dma_wait3A_95 = tpu.memref_slice %arg10[%add3A_75, %dma_wait3A_94] : memref<10000x128xf32, #tpu.memory_space<vmem_shared>> -> memref<80x128xf32, #tpu.memory_space<vmem_shared>>
        tpu.wait_dma2 semaphore(%run_scoped3A : memref<!tpu.dma_semaphore, #tpu.memory_space<semaphore_mem>>) src(%arg9 : memref<80x128xf32, #tpu.memory_space<vmem>>) dst(%dma_wait3A_95 : memref<80x128xf32, #tpu.memory_space<vmem_shared>>)
        tpu.yield
      }) : () -> ()
      %mul3A_76 = arith.constant 640 : i32
      %mul3A_77 = arith.muli %arg1, %mul3A_76 : i32
      %add3A_78 = arith.constant 400 : i32
      %add3A_79 = arith.addi %mul3A_77, %add3A_78 : i32
      "tpu.region"() ({
        %run_scoped3A = tpu.sem_alloc : memref<!tpu.dma_semaphore, #tpu.memory_space<semaphore_mem>>
        %dma_start3A_88 = arith.constant 0 : i32
        %dma_start3A_89 = tpu.memref_slice %arg10[%add3A_79, %dma_start3A_88] : memref<10000x128xf32, #tpu.memory_space<vmem_shared>> -> memref<80x128xf32, #tpu.memory_space<vmem_shared>>
        %dma_start3A_90 = arith.constant 0 : i32
        %dma_start3A_91 = tpu.memref_slice %arg10[%add3A_79, %dma_start3A_90] : memref<10000x128xf32, #tpu.memory_space<vmem_shared>> -> memref<80x128xf32, #tpu.memory_space<vmem_shared>>
        tpu.enqueue_dma source(%arg9 : memref<80x128xf32, #tpu.memory_space<vmem>>) target(%dma_start3A_91 : memref<80x128xf32, #tpu.memory_space<vmem_shared>>) target_semaphore(%run_scoped3A : memref<!tpu.dma_semaphore, #tpu.memory_space<semaphore_mem>>)
        %dma_wait3A_92 = arith.constant 0 : i32
        %dma_wait3A_93 = tpu.memref_slice %arg10[%add3A_79, %dma_wait3A_92] : memref<10000x128xf32, #tpu.memory_space<vmem_shared>> -> memref<80x128xf32, #tpu.memory_space<vmem_shared>>
        %dma_wait3A_94 = arith.constant 0 : i32
        %dma_wait3A_95 = tpu.memref_slice %arg10[%add3A_79, %dma_wait3A_94] : memref<10000x128xf32, #tpu.memory_space<vmem_shared>> -> memref<80x128xf32, #tpu.memory_space<vmem_shared>>
        tpu.wait_dma2 semaphore(%run_scoped3A : memref<!tpu.dma_semaphore, #tpu.memory_space<semaphore_mem>>) src(%arg9 : memref<80x128xf32, #tpu.memory_space<vmem>>) dst(%dma_wait3A_95 : memref<80x128xf32, #tpu.memory_space<vmem_shared>>)
        tpu.yield
      }) : () -> ()
      %mul3A_80 = arith.constant 640 : i32
      %mul3A_81 = arith.muli %arg1, %mul3A_80 : i32
      %add3A_82 = arith.constant 480 : i32
      %add3A_83 = arith.addi %mul3A_81, %add3A_82 : i32
      "tpu.region"() ({
        %run_scoped3A = tpu.sem_alloc : memref<!tpu.dma_semaphore, #tpu.memory_space<semaphore_mem>>
        %dma_start3A_88 = arith.constant 0 : i32
        %dma_start3A_89 = tpu.memref_slice %arg10[%add3A_83, %dma_start3A_88] : memref<10000x128xf32, #tpu.memory_space<vmem_shared>> -> memref<80x128xf32, #tpu.memory_space<vmem_shared>>
        %dma_start3A_90 = arith.constant 0 : i32
        %dma_start3A_91 = tpu.memref_slice %arg10[%add3A_83, %dma_start3A_90] : memref<10000x128xf32, #tpu.memory_space<vmem_shared>> -> memref<80x128xf32, #tpu.memory_space<vmem_shared>>
        tpu.enqueue_dma source(%arg9 : memref<80x128xf32, #tpu.memory_space<vmem>>) target(%dma_start3A_91 : memref<80x128xf32, #tpu.memory_space<vmem_shared>>) target_semaphore(%run_scoped3A : memref<!tpu.dma_semaphore, #tpu.memory_space<semaphore_mem>>)
        %dma_wait3A_92 = arith.constant 0 : i32
        %dma_wait3A_93 = tpu.memref_slice %arg10[%add3A_83, %dma_wait3A_92] : memref<10000x128xf32, #tpu.memory_space<vmem_shared>> -> memref<80x128xf32, #tpu.memory_space<vmem_shared>>
        %dma_wait3A_94 = arith.constant 0 : i32
        %dma_wait3A_95 = tpu.memref_slice %arg10[%add3A_83, %dma_wait3A_94] : memref<10000x128xf32, #tpu.memory_space<vmem_shared>> -> memref<80x128xf32, #tpu.memory_space<vmem_shared>>
        tpu.wait_dma2 semaphore(%run_scoped3A : memref<!tpu.dma_semaphore, #tpu.memory_space<semaphore_mem>>) src(%arg9 : memref<80x128xf32, #tpu.memory_space<vmem>>) dst(%dma_wait3A_95 : memref<80x128xf32, #tpu.memory_space<vmem_shared>>)
        tpu.yield
      }) : () -> ()
      %mul3A_84 = arith.constant 640 : i32
      %mul3A_85 = arith.muli %arg1, %mul3A_84 : i32
      %add3A_86 = arith.constant 560 : i32
      %add3A_87 = arith.addi %mul3A_85, %add3A_86 : i32
      "tpu.region"() ({
        %run_scoped3A = tpu.sem_alloc : memref<!tpu.dma_semaphore, #tpu.memory_space<semaphore_mem>>
        %dma_start3A_88 = arith.constant 0 : i32
        %dma_start3A_89 = tpu.memref_slice %arg10[%add3A_87, %dma_start3A_88] : memref<10000x128xf32, #tpu.memory_space<vmem_shared>> -> memref<80x128xf32, #tpu.memory_space<vmem_shared>>
        %dma_start3A_90 = arith.constant 0 : i32
        %dma_start3A_91 = tpu.memref_slice %arg10[%add3A_87, %dma_start3A_90] : memref<10000x128xf32, #tpu.memory_space<vmem_shared>> -> memref<80x128xf32, #tpu.memory_space<vmem_shared>>
        tpu.enqueue_dma source(%arg9 : memref<80x128xf32, #tpu.memory_space<vmem>>) target(%dma_start3A_91 : memref<80x128xf32, #tpu.memory_space<vmem_shared>>) target_semaphore(%run_scoped3A : memref<!tpu.dma_semaphore, #tpu.memory_space<semaphore_mem>>)
        %dma_wait3A_92 = arith.constant 0 : i32
        %dma_wait3A_93 = tpu.memref_slice %arg10[%add3A_87, %dma_wait3A_92] : memref<10000x128xf32, #tpu.memory_space<vmem_shared>> -> memref<80x128xf32, #tpu.memory_space<vmem_shared>>
        %dma_wait3A_94 = arith.constant 0 : i32
        %dma_wait3A_95 = tpu.memref_slice %arg10[%add3A_87, %dma_wait3A_94] : memref<10000x128xf32, #tpu.memory_space<vmem_shared>> -> memref<80x128xf32, #tpu.memory_space<vmem_shared>>
        tpu.wait_dma2 semaphore(%run_scoped3A : memref<!tpu.dma_semaphore, #tpu.memory_space<semaphore_mem>>) src(%arg9 : memref<80x128xf32, #tpu.memory_space<vmem>>) dst(%dma_wait3A_95 : memref<80x128xf32, #tpu.memory_space<vmem_shared>>)
        tpu.yield
      }) : () -> ()
    } else {
    }
    %eq3A = arith.constant 15 : i32
    %eq3A_7 = arith.cmpi eq, %arg1, %eq3A : i32
    %convert_element_type3A_8 = arith.extui %eq3A_7 : i1 to i32
    %cond3A_9 = arith.constant 0 : i32
    %cond3A_10 = arith.cmpi ne, %convert_element_type3A_8, %cond3A_9 : i32
    scf.if %cond3A_10 {
      "tpu.region"() ({
        %run_scoped3A = tpu.sem_alloc : memref<!tpu.dma_semaphore, #tpu.memory_space<semaphore_mem>>
        %dma_start3A_56 = arith.constant 9600 : i32
        %dma_start3A_57 = arith.constant 0 : i32
        %dma_start3A_58 = tpu.memref_slice %arg10[%dma_start3A_56, %dma_start3A_57] : memref<10000x128xf32, #tpu.memory_space<vmem_shared>> -> memref<80x128xf32, #tpu.memory_space<vmem_shared>>
        %dma_start3A_59 = arith.constant 9600 : i32
        %dma_start3A_60 = arith.constant 0 : i32
        %dma_start3A_61 = tpu.memref_slice %arg10[%dma_start3A_59, %dma_start3A_60] : memref<10000x128xf32, #tpu.memory_space<vmem_shared>> -> memref<80x128xf32, #tpu.memory_space<vmem_shared>>
        tpu.enqueue_dma source(%arg9 : memref<80x128xf32, #tpu.memory_space<vmem>>) target(%dma_start3A_61 : memref<80x128xf32, #tpu.memory_space<vmem_shared>>) target_semaphore(%run_scoped3A : memref<!tpu.dma_semaphore, #tpu.memory_space<semaphore_mem>>)
        %dma_wait3A_62 = arith.constant 9600 : i32
        %dma_wait3A_63 = arith.constant 0 : i32
        %dma_wait3A_64 = tpu.memref_slice %arg10[%dma_wait3A_62, %dma_wait3A_63] : memref<10000x128xf32, #tpu.memory_space<vmem_shared>> -> memref<80x128xf32, #tpu.memory_space<vmem_shared>>
        %dma_wait3A_65 = arith.constant 9600 : i32
        %dma_wait3A_66 = arith.constant 0 : i32
        %dma_wait3A_67 = tpu.memref_slice %arg10[%dma_wait3A_65, %dma_wait3A_66] : memref<10000x128xf32, #tpu.memory_space<vmem_shared>> -> memref<80x128xf32, #tpu.memory_space<vmem_shared>>
        tpu.wait_dma2 semaphore(%run_scoped3A : memref<!tpu.dma_semaphore, #tpu.memory_space<semaphore_mem>>) src(%arg9 : memref<80x128xf32, #tpu.memory_space<vmem>>) dst(%dma_wait3A_67 : memref<80x128xf32, #tpu.memory_space<vmem_shared>>)
        tpu.yield
      }) : () -> ()
      "tpu.region"() ({
        %run_scoped3A = tpu.sem_alloc : memref<!tpu.dma_semaphore, #tpu.memory_space<semaphore_mem>>
        %dma_start3A_56 = arith.constant 9680 : i32
        %dma_start3A_57 = arith.constant 0 : i32
        %dma_start3A_58 = tpu.memref_slice %arg10[%dma_start3A_56, %dma_start3A_57] : memref<10000x128xf32, #tpu.memory_space<vmem_shared>> -> memref<80x128xf32, #tpu.memory_space<vmem_shared>>
        %dma_start3A_59 = arith.constant 9680 : i32
        %dma_start3A_60 = arith.constant 0 : i32
        %dma_start3A_61 = tpu.memref_slice %arg10[%dma_start3A_59, %dma_start3A_60] : memref<10000x128xf32, #tpu.memory_space<vmem_shared>> -> memref<80x128xf32, #tpu.memory_space<vmem_shared>>
        tpu.enqueue_dma source(%arg9 : memref<80x128xf32, #tpu.memory_space<vmem>>) target(%dma_start3A_61 : memref<80x128xf32, #tpu.memory_space<vmem_shared>>) target_semaphore(%run_scoped3A : memref<!tpu.dma_semaphore, #tpu.memory_space<semaphore_mem>>)
        %dma_wait3A_62 = arith.constant 9680 : i32
        %dma_wait3A_63 = arith.constant 0 : i32
        %dma_wait3A_64 = tpu.memref_slice %arg10[%dma_wait3A_62, %dma_wait3A_63] : memref<10000x128xf32, #tpu.memory_space<vmem_shared>> -> memref<80x128xf32, #tpu.memory_space<vmem_shared>>
        %dma_wait3A_65 = arith.constant 9680 : i32
        %dma_wait3A_66 = arith.constant 0 : i32
        %dma_wait3A_67 = tpu.memref_slice %arg10[%dma_wait3A_65, %dma_wait3A_66] : memref<10000x128xf32, #tpu.memory_space<vmem_shared>> -> memref<80x128xf32, #tpu.memory_space<vmem_shared>>
        tpu.wait_dma2 semaphore(%run_scoped3A : memref<!tpu.dma_semaphore, #tpu.memory_space<semaphore_mem>>) src(%arg9 : memref<80x128xf32, #tpu.memory_space<vmem>>) dst(%dma_wait3A_67 : memref<80x128xf32, #tpu.memory_space<vmem_shared>>)
        tpu.yield
      }) : () -> ()
      "tpu.region"() ({
        %run_scoped3A = tpu.sem_alloc : memref<!tpu.dma_semaphore, #tpu.memory_space<semaphore_mem>>
        %dma_start3A_56 = arith.constant 9760 : i32
        %dma_start3A_57 = arith.constant 0 : i32
        %dma_start3A_58 = tpu.memref_slice %arg10[%dma_start3A_56, %dma_start3A_57] : memref<10000x128xf32, #tpu.memory_space<vmem_shared>> -> memref<80x128xf32, #tpu.memory_space<vmem_shared>>
        %dma_start3A_59 = arith.constant 9760 : i32
        %dma_start3A_60 = arith.constant 0 : i32
        %dma_start3A_61 = tpu.memref_slice %arg10[%dma_start3A_59, %dma_start3A_60] : memref<10000x128xf32, #tpu.memory_space<vmem_shared>> -> memref<80x128xf32, #tpu.memory_space<vmem_shared>>
        tpu.enqueue_dma source(%arg9 : memref<80x128xf32, #tpu.memory_space<vmem>>) target(%dma_start3A_61 : memref<80x128xf32, #tpu.memory_space<vmem_shared>>) target_semaphore(%run_scoped3A : memref<!tpu.dma_semaphore, #tpu.memory_space<semaphore_mem>>)
        %dma_wait3A_62 = arith.constant 9760 : i32
        %dma_wait3A_63 = arith.constant 0 : i32
        %dma_wait3A_64 = tpu.memref_slice %arg10[%dma_wait3A_62, %dma_wait3A_63] : memref<10000x128xf32, #tpu.memory_space<vmem_shared>> -> memref<80x128xf32, #tpu.memory_space<vmem_shared>>
        %dma_wait3A_65 = arith.constant 9760 : i32
        %dma_wait3A_66 = arith.constant 0 : i32
        %dma_wait3A_67 = tpu.memref_slice %arg10[%dma_wait3A_65, %dma_wait3A_66] : memref<10000x128xf32, #tpu.memory_space<vmem_shared>> -> memref<80x128xf32, #tpu.memory_space<vmem_shared>>
        tpu.wait_dma2 semaphore(%run_scoped3A : memref<!tpu.dma_semaphore, #tpu.memory_space<semaphore_mem>>) src(%arg9 : memref<80x128xf32, #tpu.memory_space<vmem>>) dst(%dma_wait3A_67 : memref<80x128xf32, #tpu.memory_space<vmem_shared>>)
        tpu.yield
      }) : () -> ()
      "tpu.region"() ({
        %run_scoped3A = tpu.sem_alloc : memref<!tpu.dma_semaphore, #tpu.memory_space<semaphore_mem>>
        %dma_start3A_56 = arith.constant 9840 : i32
        %dma_start3A_57 = arith.constant 0 : i32
        %dma_start3A_58 = tpu.memref_slice %arg10[%dma_start3A_56, %dma_start3A_57] : memref<10000x128xf32, #tpu.memory_space<vmem_shared>> -> memref<80x128xf32, #tpu.memory_space<vmem_shared>>
        %dma_start3A_59 = arith.constant 9840 : i32
        %dma_start3A_60 = arith.constant 0 : i32
        %dma_start3A_61 = tpu.memref_slice %arg10[%dma_start3A_59, %dma_start3A_60] : memref<10000x128xf32, #tpu.memory_space<vmem_shared>> -> memref<80x128xf32, #tpu.memory_space<vmem_shared>>
        tpu.enqueue_dma source(%arg9 : memref<80x128xf32, #tpu.memory_space<vmem>>) target(%dma_start3A_61 : memref<80x128xf32, #tpu.memory_space<vmem_shared>>) target_semaphore(%run_scoped3A : memref<!tpu.dma_semaphore, #tpu.memory_space<semaphore_mem>>)
        %dma_wait3A_62 = arith.constant 9840 : i32
        %dma_wait3A_63 = arith.constant 0 : i32
        %dma_wait3A_64 = tpu.memref_slice %arg10[%dma_wait3A_62, %dma_wait3A_63] : memref<10000x128xf32, #tpu.memory_space<vmem_shared>> -> memref<80x128xf32, #tpu.memory_space<vmem_shared>>
        %dma_wait3A_65 = arith.constant 9840 : i32
        %dma_wait3A_66 = arith.constant 0 : i32
        %dma_wait3A_67 = tpu.memref_slice %arg10[%dma_wait3A_65, %dma_wait3A_66] : memref<10000x128xf32, #tpu.memory_space<vmem_shared>> -> memref<80x128xf32, #tpu.memory_space<vmem_shared>>
        tpu.wait_dma2 semaphore(%run_scoped3A : memref<!tpu.dma_semaphore, #tpu.memory_space<semaphore_mem>>) src(%arg9 : memref<80x128xf32, #tpu.memory_space<vmem>>) dst(%dma_wait3A_67 : memref<80x128xf32, #tpu.memory_space<vmem_shared>>)
        tpu.yield
      }) : () -> ()
      "tpu.region"() ({
        %run_scoped3A = tpu.sem_alloc : memref<!tpu.dma_semaphore, #tpu.memory_space<semaphore_mem>>
        %dma_start3A_56 = arith.constant 9920 : i32
        %dma_start3A_57 = arith.constant 0 : i32
        %dma_start3A_58 = tpu.memref_slice %arg10[%dma_start3A_56, %dma_start3A_57] : memref<10000x128xf32, #tpu.memory_space<vmem_shared>> -> memref<80x128xf32, #tpu.memory_space<vmem_shared>>
        %dma_start3A_59 = arith.constant 9920 : i32
        %dma_start3A_60 = arith.constant 0 : i32
        %dma_start3A_61 = tpu.memref_slice %arg10[%dma_start3A_59, %dma_start3A_60] : memref<10000x128xf32, #tpu.memory_space<vmem_shared>> -> memref<80x128xf32, #tpu.memory_space<vmem_shared>>
        tpu.enqueue_dma source(%arg9 : memref<80x128xf32, #tpu.memory_space<vmem>>) target(%dma_start3A_61 : memref<80x128xf32, #tpu.memory_space<vmem_shared>>) target_semaphore(%run_scoped3A : memref<!tpu.dma_semaphore, #tpu.memory_space<semaphore_mem>>)
        %dma_wait3A_62 = arith.constant 9920 : i32
        %dma_wait3A_63 = arith.constant 0 : i32
        %dma_wait3A_64 = tpu.memref_slice %arg10[%dma_wait3A_62, %dma_wait3A_63] : memref<10000x128xf32, #tpu.memory_space<vmem_shared>> -> memref<80x128xf32, #tpu.memory_space<vmem_shared>>
        %dma_wait3A_65 = arith.constant 9920 : i32
        %dma_wait3A_66 = arith.constant 0 : i32
        %dma_wait3A_67 = tpu.memref_slice %arg10[%dma_wait3A_65, %dma_wait3A_66] : memref<10000x128xf32, #tpu.memory_space<vmem_shared>> -> memref<80x128xf32, #tpu.memory_space<vmem_shared>>
        tpu.wait_dma2 semaphore(%run_scoped3A : memref<!tpu.dma_semaphore, #tpu.memory_space<semaphore_mem>>) src(%arg9 : memref<80x128xf32, #tpu.memory_space<vmem>>) dst(%dma_wait3A_67 : memref<80x128xf32, #tpu.memory_space<vmem_shared>>)
        tpu.yield
      }) : () -> ()
    } else {
    }
    %barrier3A = arith.constant 0 : index
    tpu.barrier barrier_id(%barrier3A)
    %mul3A = arith.constant 20000 : i32
    %mul3A_11 = arith.muli %arg1, %mul3A : i32
    %add3A = arith.constant 0 : i32
    %add3A_12 = arith.addi %mul3A_11, %add3A : i32
    %dma_start3A = tpu.memref_slice %arg3[%add3A_12] : memref<320000xi32, #tpu.memory_space<hbm>> -> memref<80xi32, #tpu.memory_space<hbm>>
    %dma_start3A_13 = tpu.memref_slice %arg3[%add3A_12] : memref<320000xi32, #tpu.memory_space<hbm>> -> memref<80xi32, #tpu.memory_space<hbm>>
    tpu.enqueue_dma source(%dma_start3A_13 : memref<80xi32, #tpu.memory_space<hbm>>) target(%arg5 : memref<80xi32, #tpu.memory_space<vmem>>) target_semaphore(%arg11 : memref<!tpu.dma_semaphore, #tpu.memory_space<semaphore_mem>>)
    %dma_start3A_14 = arith.constant 128 : i32
    %dma_start3A_15 = tpu.memref_slice %arg2[%add3A_12, %dma_start3A_14] : memref<320000x256xf32, #tpu.memory_space<hbm>> -> memref<80x128xf32, #tpu.memory_space<hbm>>
    %dma_start3A_16 = arith.constant 128 : i32
    %dma_start3A_17 = tpu.memref_slice %arg2[%add3A_12, %dma_start3A_16] : memref<320000x256xf32, #tpu.memory_space<hbm>> -> memref<80x128xf32, #tpu.memory_space<hbm>>
    tpu.enqueue_dma source(%dma_start3A_17 : memref<80x128xf32, #tpu.memory_space<hbm>>) target(%arg7 : memref<80x128xf32, #tpu.memory_space<vmem>>) target_semaphore(%arg11 : memref<!tpu.dma_semaphore, #tpu.memory_space<semaphore_mem>>)
    %mul3A_18 = arith.constant 20000 : i32
    %mul3A_19 = arith.muli %arg1, %mul3A_18 : i32
    %add3A_20 = arith.constant 80 : i32
    %add3A_21 = arith.addi %mul3A_19, %add3A_20 : i32
    %dma_start3A_22 = tpu.memref_slice %arg3[%add3A_21] : memref<320000xi32, #tpu.memory_space<hbm>> -> memref<80xi32, #tpu.memory_space<hbm>>
    %dma_start3A_23 = tpu.memref_slice %arg3[%add3A_21] : memref<320000xi32, #tpu.memory_space<hbm>> -> memref<80xi32, #tpu.memory_space<hbm>>
    tpu.enqueue_dma source(%dma_start3A_23 : memref<80xi32, #tpu.memory_space<hbm>>) target(%arg6 : memref<80xi32, #tpu.memory_space<vmem>>) target_semaphore(%arg12 : memref<!tpu.dma_semaphore, #tpu.memory_space<semaphore_mem>>)
    %dma_start3A_24 = arith.constant 128 : i32
    %dma_start3A_25 = tpu.memref_slice %arg2[%add3A_21, %dma_start3A_24] : memref<320000x256xf32, #tpu.memory_space<hbm>> -> memref<80x128xf32, #tpu.memory_space<hbm>>
    %dma_start3A_26 = arith.constant 128 : i32
    %dma_start3A_27 = tpu.memref_slice %arg2[%add3A_21, %dma_start3A_26] : memref<320000x256xf32, #tpu.memory_space<hbm>> -> memref<80x128xf32, #tpu.memory_space<hbm>>
    tpu.enqueue_dma source(%dma_start3A_27 : memref<80x128xf32, #tpu.memory_space<hbm>>) target(%arg8 : memref<80x128xf32, #tpu.memory_space<vmem>>) target_semaphore(%arg12 : memref<!tpu.dma_semaphore, #tpu.memory_space<semaphore_mem>>)
    %scan3A_28 = arith.constant 0 : i32
    %scan3A_29 = arith.constant 0 : i32
    %scan3A_30 = arith.constant 125 : i32
    %scan3A_31 = arith.addi %scan3A_29, %scan3A_30 : i32
    %scan3A_32 = arith.constant 1 : i32
    scf.for %scan3A_56 = %scan3A_29 to %scan3A_31 step %scan3A_32  : i32 {
      %mul3A_57 = arith.constant 2 : i32
      %mul3A_58 = arith.muli %mul3A_57, %scan3A_56 : i32
      %dma_wait3A_59 = arith.constant 0 : i32
      %dma_wait3A_60 = tpu.memref_slice %arg3[%dma_wait3A_59] : memref<320000xi32, #tpu.memory_space<hbm>> -> memref<80xi32, #tpu.memory_space<hbm>>
      %dma_wait3A_61 = arith.constant 0 : i32
      %dma_wait3A_62 = tpu.memref_slice %arg3[%dma_wait3A_61] : memref<320000xi32, #tpu.memory_space<hbm>> -> memref<80xi32, #tpu.memory_space<hbm>>
      tpu.wait_dma2 semaphore(%arg11 : memref<!tpu.dma_semaphore, #tpu.memory_space<semaphore_mem>>) src(%dma_wait3A_62 : memref<80xi32, #tpu.memory_space<hbm>>) dst(%arg5 : memref<80xi32, #tpu.memory_space<vmem>>)
      %dma_wait3A_63 = arith.constant 0 : i32
      %dma_wait3A_64 = arith.constant 0 : i32
      %dma_wait3A_65 = tpu.memref_slice %arg2[%dma_wait3A_63, %dma_wait3A_64] : memref<320000x256xf32, #tpu.memory_space<hbm>> -> memref<80x128xf32, #tpu.memory_space<hbm>>
      %dma_wait3A_66 = arith.constant 0 : i32
      %dma_wait3A_67 = arith.constant 0 : i32
      %dma_wait3A_68 = tpu.memref_slice %arg2[%dma_wait3A_66, %dma_wait3A_67] : memref<320000x256xf32, #tpu.memory_space<hbm>> -> memref<80x128xf32, #tpu.memory_space<hbm>>
      tpu.wait_dma2 semaphore(%arg11 : memref<!tpu.dma_semaphore, #tpu.memory_space<semaphore_mem>>) src(%dma_wait3A_68 : memref<80x128xf32, #tpu.memory_space<hbm>>) dst(%arg7 : memref<80x128xf32, #tpu.memory_space<vmem>>)
      %dma_start3A_69 = arith.constant 0 : i32
      %dma_start3A_70 = arith.constant 0 : i32
      %dma_start3A_71 = tpu.memref_slice %arg10[%dma_start3A_69, %dma_start3A_70] : memref<10000x128xf32, #tpu.memory_space<vmem_shared>> -> memref<10000x128xf32, #tpu.memory_space<vmem_shared>>
      tpu.enqueue_indirect_dma source(%arg7 : memref<80x128xf32, #tpu.memory_space<vmem>>) target(%dma_start3A_71 : memref<10000x128xf32, #tpu.memory_space<vmem_shared>>) offsets(%arg5 : memref<80xi32, #tpu.memory_space<vmem>>) semaphore(%arg13 : memref<!tpu.dma_semaphore, #tpu.memory_space<semaphore_mem>>) {add = true}
      %dma_wait3A_72 = arith.constant 0 : i32
      %dma_wait3A_73 = tpu.memref_slice %arg3[%dma_wait3A_72] : memref<320000xi32, #tpu.memory_space<hbm>> -> memref<80xi32, #tpu.memory_space<hbm>>
      %dma_wait3A_74 = arith.constant 0 : i32
      %dma_wait3A_75 = tpu.memref_slice %arg3[%dma_wait3A_74] : memref<320000xi32, #tpu.memory_space<hbm>> -> memref<80xi32, #tpu.memory_space<hbm>>
      tpu.wait_dma2 semaphore(%arg12 : memref<!tpu.dma_semaphore, #tpu.memory_space<semaphore_mem>>) src(%dma_wait3A_75 : memref<80xi32, #tpu.memory_space<hbm>>) dst(%arg6 : memref<80xi32, #tpu.memory_space<vmem>>)
      %dma_wait3A_76 = arith.constant 0 : i32
      %dma_wait3A_77 = arith.constant 0 : i32
      %dma_wait3A_78 = tpu.memref_slice %arg2[%dma_wait3A_76, %dma_wait3A_77] : memref<320000x256xf32, #tpu.memory_space<hbm>> -> memref<80x128xf32, #tpu.memory_space<hbm>>
      %dma_wait3A_79 = arith.constant 0 : i32
      %dma_wait3A_80 = arith.constant 0 : i32
      %dma_wait3A_81 = tpu.memref_slice %arg2[%dma_wait3A_79, %dma_wait3A_80] : memref<320000x256xf32, #tpu.memory_space<hbm>> -> memref<80x128xf32, #tpu.memory_space<hbm>>
      tpu.wait_dma2 semaphore(%arg12 : memref<!tpu.dma_semaphore, #tpu.memory_space<semaphore_mem>>) src(%dma_wait3A_81 : memref<80x128xf32, #tpu.memory_space<hbm>>) dst(%arg8 : memref<80x128xf32, #tpu.memory_space<vmem>>)
      %dma_start3A_82 = arith.constant 0 : i32
      %dma_start3A_83 = arith.constant 0 : i32
      %dma_start3A_84 = tpu.memref_slice %arg10[%dma_start3A_82, %dma_start3A_83] : memref<10000x128xf32, #tpu.memory_space<vmem_shared>> -> memref<10000x128xf32, #tpu.memory_space<vmem_shared>>
      tpu.enqueue_indirect_dma source(%arg8 : memref<80x128xf32, #tpu.memory_space<vmem>>) target(%dma_start3A_84 : memref<10000x128xf32, #tpu.memory_space<vmem_shared>>) offsets(%arg6 : memref<80xi32, #tpu.memory_space<vmem>>) semaphore(%arg14 : memref<!tpu.dma_semaphore, #tpu.memory_space<semaphore_mem>>) {add = true}
      %add3A_85 = arith.constant 2 : i32
      %add3A_86 = arith.addi %mul3A_58, %add3A_85 : i32
      %lt3A_87 = arith.constant 250 : i32
      %lt3A_88 = arith.cmpi slt, %add3A_86, %lt3A_87 : i32
      %convert_element_type3A_89 = arith.extui %lt3A_88 : i1 to i32
      %cond3A_90 = arith.constant 0 : i32
      %cond3A_91 = arith.cmpi ne, %convert_element_type3A_89, %cond3A_90 : i32
      scf.if %cond3A_91 {
        %dma_wait3A_92 = arith.constant 0 : i32
        %dma_wait3A_93 = arith.constant 0 : i32
        %dma_wait3A_94 = tpu.memref_slice %arg10[%dma_wait3A_92, %dma_wait3A_93] : memref<10000x128xf32, #tpu.memory_space<vmem_shared>> -> memref<80x128xf32, #tpu.memory_space<vmem_shared>>
        %dma_wait3A_95 = arith.constant 0 : i32
        %dma_wait3A_96 = arith.constant 0 : i32
        %dma_wait3A_97 = tpu.memref_slice %arg10[%dma_wait3A_95, %dma_wait3A_96] : memref<10000x128xf32, #tpu.memory_space<vmem_shared>> -> memref<80x128xf32, #tpu.memory_space<vmem_shared>>
        tpu.wait_dma2 semaphore(%arg13 : memref<!tpu.dma_semaphore, #tpu.memory_space<semaphore_mem>>) src(%arg7 : memref<80x128xf32, #tpu.memory_space<vmem>>) dst(%dma_wait3A_97 : memref<80x128xf32, #tpu.memory_space<vmem_shared>>)
        %add3A_98 = arith.constant 2 : i32
        %add3A_99 = arith.addi %mul3A_58, %add3A_98 : i32
        %mul3A_100 = arith.constant 20000 : i32
        %mul3A_101 = arith.muli %arg1, %mul3A_100 : i32
        %mul3A_102 = arith.constant 80 : i32
        %mul3A_103 = arith.muli %add3A_99, %mul3A_102 : i32
        %add3A_104 = arith.addi %mul3A_101, %mul3A_103 : i32
        %dma_start3A_105 = tpu.memref_slice %arg3[%add3A_104] : memref<320000xi32, #tpu.memory_space<hbm>> -> memref<80xi32, #tpu.memory_space<hbm>>
        %dma_start3A_106 = tpu.memref_slice %arg3[%add3A_104] : memref<320000xi32, #tpu.memory_space<hbm>> -> memref<80xi32, #tpu.memory_space<hbm>>
        tpu.enqueue_dma source(%dma_start3A_106 : memref<80xi32, #tpu.memory_space<hbm>>) target(%arg5 : memref<80xi32, #tpu.memory_space<vmem>>) target_semaphore(%arg11 : memref<!tpu.dma_semaphore, #tpu.memory_space<semaphore_mem>>)
        %dma_start3A_107 = arith.constant 128 : i32
        %dma_start3A_108 = tpu.memref_slice %arg2[%add3A_104, %dma_start3A_107] : memref<320000x256xf32, #tpu.memory_space<hbm>> -> memref<80x128xf32, #tpu.memory_space<hbm>>
        %dma_start3A_109 = arith.constant 128 : i32
        %dma_start3A_110 = tpu.memref_slice %arg2[%add3A_104, %dma_start3A_109] : memref<320000x256xf32, #tpu.memory_space<hbm>> -> memref<80x128xf32, #tpu.memory_space<hbm>>
        tpu.enqueue_dma source(%dma_start3A_110 : memref<80x128xf32, #tpu.memory_space<hbm>>) target(%arg7 : memref<80x128xf32, #tpu.memory_space<vmem>>) target_semaphore(%arg11 : memref<!tpu.dma_semaphore, #tpu.memory_space<semaphore_mem>>)
        %dma_wait3A_111 = arith.constant 0 : i32
        %dma_wait3A_112 = arith.constant 0 : i32
        %dma_wait3A_113 = tpu.memref_slice %arg10[%dma_wait3A_111, %dma_wait3A_112] : memref<10000x128xf32, #tpu.memory_space<vmem_shared>> -> memref<80x128xf32, #tpu.memory_space<vmem_shared>>
        %dma_wait3A_114 = arith.constant 0 : i32
        %dma_wait3A_115 = arith.constant 0 : i32
        %dma_wait3A_116 = tpu.memref_slice %arg10[%dma_wait3A_114, %dma_wait3A_115] : memref<10000x128xf32, #tpu.memory_space<vmem_shared>> -> memref<80x128xf32, #tpu.memory_space<vmem_shared>>
        tpu.wait_dma2 semaphore(%arg14 : memref<!tpu.dma_semaphore, #tpu.memory_space<semaphore_mem>>) src(%arg8 : memref<80x128xf32, #tpu.memory_space<vmem>>) dst(%dma_wait3A_116 : memref<80x128xf32, #tpu.memory_space<vmem_shared>>)
        %add3A_117 = arith.constant 3 : i32
        %add3A_118 = arith.addi %mul3A_58, %add3A_117 : i32
        %mul3A_119 = arith.constant 20000 : i32
        %mul3A_120 = arith.muli %arg1, %mul3A_119 : i32
        %mul3A_121 = arith.constant 80 : i32
        %mul3A_122 = arith.muli %add3A_118, %mul3A_121 : i32
        %add3A_123 = arith.addi %mul3A_120, %mul3A_122 : i32
        %dma_start3A_124 = tpu.memref_slice %arg3[%add3A_123] : memref<320000xi32, #tpu.memory_space<hbm>> -> memref<80xi32, #tpu.memory_space<hbm>>
        %dma_start3A_125 = tpu.memref_slice %arg3[%add3A_123] : memref<320000xi32, #tpu.memory_space<hbm>> -> memref<80xi32, #tpu.memory_space<hbm>>
        tpu.enqueue_dma source(%dma_start3A_125 : memref<80xi32, #tpu.memory_space<hbm>>) target(%arg6 : memref<80xi32, #tpu.memory_space<vmem>>) target_semaphore(%arg12 : memref<!tpu.dma_semaphore, #tpu.memory_space<semaphore_mem>>)
        %dma_start3A_126 = arith.constant 128 : i32
        %dma_start3A_127 = tpu.memref_slice %arg2[%add3A_123, %dma_start3A_126] : memref<320000x256xf32, #tpu.memory_space<hbm>> -> memref<80x128xf32, #tpu.memory_space<hbm>>
        %dma_start3A_128 = arith.constant 128 : i32
        %dma_start3A_129 = tpu.memref_slice %arg2[%add3A_123, %dma_start3A_128] : memref<320000x256xf32, #tpu.memory_space<hbm>> -> memref<80x128xf32, #tpu.memory_space<hbm>>
        tpu.enqueue_dma source(%dma_start3A_129 : memref<80x128xf32, #tpu.memory_space<hbm>>) target(%arg8 : memref<80x128xf32, #tpu.memory_space<vmem>>) target_semaphore(%arg12 : memref<!tpu.dma_semaphore, #tpu.memory_space<semaphore_mem>>)
      } else {
      }
    }
    %scan3A_33 = arith.constant 125 : i32
    %dma_wait3A = arith.constant 0 : i32
    %dma_wait3A_34 = arith.constant 0 : i32
    %dma_wait3A_35 = tpu.memref_slice %arg10[%dma_wait3A, %dma_wait3A_34] : memref<10000x128xf32, #tpu.memory_space<vmem_shared>> -> memref<80x128xf32, #tpu.memory_space<vmem_shared>>
    %dma_wait3A_36 = arith.constant 0 : i32
    %dma_wait3A_37 = arith.constant 0 : i32
    %dma_wait3A_38 = tpu.memref_slice %arg10[%dma_wait3A_36, %dma_wait3A_37] : memref<10000x128xf32, #tpu.memory_space<vmem_shared>> -> memref<80x128xf32, #tpu.memory_space<vmem_shared>>
    tpu.wait_dma2 semaphore(%arg13 : memref<!tpu.dma_semaphore, #tpu.memory_space<semaphore_mem>>) src(%arg7 : memref<80x128xf32, #tpu.memory_space<vmem>>) dst(%dma_wait3A_38 : memref<80x128xf32, #tpu.memory_space<vmem_shared>>)
    %dma_wait3A_39 = arith.constant 0 : i32
    %dma_wait3A_40 = arith.constant 0 : i32
    %dma_wait3A_41 = tpu.memref_slice %arg10[%dma_wait3A_39, %dma_wait3A_40] : memref<10000x128xf32, #tpu.memory_space<vmem_shared>> -> memref<80x128xf32, #tpu.memory_space<vmem_shared>>
    %dma_wait3A_42 = arith.constant 0 : i32
    %dma_wait3A_43 = arith.constant 0 : i32
    %dma_wait3A_44 = tpu.memref_slice %arg10[%dma_wait3A_42, %dma_wait3A_43] : memref<10000x128xf32, #tpu.memory_space<vmem_shared>> -> memref<80x128xf32, #tpu.memory_space<vmem_shared>>
    tpu.wait_dma2 semaphore(%arg14 : memref<!tpu.dma_semaphore, #tpu.memory_space<semaphore_mem>>) src(%arg8 : memref<80x128xf32, #tpu.memory_space<vmem>>) dst(%dma_wait3A_44 : memref<80x128xf32, #tpu.memory_space<vmem_shared>>)
    %barrier3A_45 = arith.constant 0 : index
    tpu.barrier barrier_id(%barrier3A_45)
    %lt3A_46 = arith.constant 15 : i32
    %lt3A_47 = arith.cmpi slt, %arg1, %lt3A_46 : i32
    %convert_element_type3A_48 = arith.extui %lt3A_47 : i1 to i32
    %cond3A_49 = arith.constant 0 : i32
    %cond3A_50 = arith.cmpi ne, %convert_element_type3A_48, %cond3A_49 : i32
    scf.if %cond3A_50 {
      %mul3A_56 = arith.constant 640 : i32
      %mul3A_57 = arith.muli %arg1, %mul3A_56 : i32
      %mul3A_58 = arith.constant 640 : i32
      %mul3A_59 = arith.muli %arg1, %mul3A_58 : i32
      "tpu.region"() ({
        %run_scoped3A = tpu.sem_alloc : memref<!tpu.dma_semaphore, #tpu.memory_space<semaphore_mem>>
        %dma_start3A_60 = arith.constant 0 : i32
        %dma_start3A_61 = tpu.memref_slice %arg4[%mul3A_59, %dma_start3A_60] : memref<10000x128xf32, #tpu.memory_space<hbm>> -> memref<640x128xf32, #tpu.memory_space<hbm>>
        %dma_start3A_62 = arith.constant 0 : i32
        %dma_start3A_63 = tpu.memref_slice %arg10[%mul3A_57, %dma_start3A_62] : memref<10000x128xf32, #tpu.memory_space<vmem_shared>> -> memref<640x128xf32, #tpu.memory_space<vmem_shared>>
        tpu.enqueue_dma source(%dma_start3A_63 : memref<640x128xf32, #tpu.memory_space<vmem_shared>>) target(%dma_start3A_61 : memref<640x128xf32, #tpu.memory_space<hbm>>) target_semaphore(%run_scoped3A : memref<!tpu.dma_semaphore, #tpu.memory_space<semaphore_mem>>)
        %dma_wait3A_64 = arith.constant 0 : i32
        %dma_wait3A_65 = tpu.memref_slice %arg4[%mul3A_59, %dma_wait3A_64] : memref<10000x128xf32, #tpu.memory_space<hbm>> -> memref<640x128xf32, #tpu.memory_space<hbm>>
        %dma_wait3A_66 = arith.constant 0 : i32
        %dma_wait3A_67 = tpu.memref_slice %arg10[%mul3A_57, %dma_wait3A_66] : memref<10000x128xf32, #tpu.memory_space<vmem_shared>> -> memref<640x128xf32, #tpu.memory_space<vmem_shared>>
        tpu.wait_dma2 semaphore(%run_scoped3A : memref<!tpu.dma_semaphore, #tpu.memory_space<semaphore_mem>>) src(%dma_wait3A_67 : memref<640x128xf32, #tpu.memory_space<vmem_shared>>) dst(%dma_wait3A_65 : memref<640x128xf32, #tpu.memory_space<hbm>>)
        tpu.yield
      }) : () -> ()
    } else {
    }
    %eq3A_51 = arith.constant 15 : i32
    %eq3A_52 = arith.cmpi eq, %arg1, %eq3A_51 : i32
    %convert_element_type3A_53 = arith.extui %eq3A_52 : i1 to i32
    %cond3A_54 = arith.constant 0 : i32
    %cond3A_55 = arith.cmpi ne, %convert_element_type3A_53, %cond3A_54 : i32
    scf.if %cond3A_55 {
      "tpu.region"() ({
        %run_scoped3A = tpu.sem_alloc : memref<!tpu.dma_semaphore, #tpu.memory_space<semaphore_mem>>
        %dma_start3A_56 = arith.constant 9600 : i32
        %dma_start3A_57 = arith.constant 0 : i32
        %dma_start3A_58 = tpu.memref_slice %arg4[%dma_start3A_56, %dma_start3A_57] : memref<10000x128xf32, #tpu.memory_space<hbm>> -> memref<400x128xf32, #tpu.memory_space<hbm>>
        %dma_start3A_59 = arith.constant 9600 : i32
        %dma_start3A_60 = arith.constant 0 : i32
        %dma_start3A_61 = tpu.memref_slice %arg10[%dma_start3A_59, %dma_start3A_60] : memref<10000x128xf32, #tpu.memory_space<vmem_shared>> -> memref<400x128xf32, #tpu.memory_space<vmem_shared>>
        tpu.enqueue_dma source(%dma_start3A_61 : memref<400x128xf32, #tpu.memory_space<vmem_shared>>) target(%dma_start3A_58 : memref<400x128xf32, #tpu.memory_space<hbm>>) target_semaphore(%run_scoped3A : memref<!tpu.dma_semaphore, #tpu.memory_space<semaphore_mem>>)
        %dma_wait3A_62 = arith.constant 9600 : i32
        %dma_wait3A_63 = arith.constant 0 : i32
        %dma_wait3A_64 = tpu.memref_slice %arg4[%dma_wait3A_62, %dma_wait3A_63] : memref<10000x128xf32, #tpu.memory_space<hbm>> -> memref<400x128xf32, #tpu.memory_space<hbm>>
        %dma_wait3A_65 = arith.constant 9600 : i32
        %dma_wait3A_66 = arith.constant 0 : i32
        %dma_wait3A_67 = tpu.memref_slice %arg10[%dma_wait3A_65, %dma_wait3A_66] : memref<10000x128xf32, #tpu.memory_space<vmem_shared>> -> memref<400x128xf32, #tpu.memory_space<vmem_shared>>
        tpu.wait_dma2 semaphore(%run_scoped3A : memref<!tpu.dma_semaphore, #tpu.memory_space<semaphore_mem>>) src(%dma_wait3A_67 : memref<400x128xf32, #tpu.memory_space<vmem_shared>>) dst(%dma_wait3A_64 : memref<400x128xf32, #tpu.memory_space<hbm>>)
        tpu.yield
      }) : () -> ()
    } else {
    }
    return
  }
}

#map = affine_map<(d0, d1) -> (0, 0)>
#map1 = affine_map<(d0, d1) -> (0)>
module attributes {stable_mosaic.version = 14 : i64} {
  func.func @gk(%arg0: i32, %arg1: i32, %arg2: memref<10000x128xf32, #tpu.memory_space<hbm>>, %arg3: memref<10000x128xf32, #tpu.memory_space<hbm>>, %arg4: memref<320000xi32, #tpu.memory_space<hbm>>, %arg5: memref<320000xi32, #tpu.memory_space<hbm>>, %arg6: memref<320000x128xf32, #tpu.memory_space<hbm>>, %arg7: memref<320000x128xf32, #tpu.memory_space<hbm>>, %arg8: memref<10000xi32, #tpu.memory_space<vmem>>, %arg9: memref<10000xi32, #tpu.memory_space<vmem>>, %arg10: memref<80x128xf32, #tpu.memory_space<vmem>>, %arg11: memref<80x128xf32, #tpu.memory_space<vmem>>, %arg12: memref<80x128xf32, #tpu.memory_space<vmem>>, %arg13: memref<80x128xf32, #tpu.memory_space<vmem>>, %arg14: memref<80x128xf32, #tpu.memory_space<vmem>>, %arg15: memref<80x128xf32, #tpu.memory_space<vmem>>, %arg16: memref<80x128xf32, #tpu.memory_space<vmem>>, %arg17: memref<80x128xf32, #tpu.memory_space<vmem>>, %arg18: memref<!tpu.dma_semaphore, #tpu.memory_space<semaphore_mem>>, %arg19: memref<!tpu.dma_semaphore, #tpu.memory_space<semaphore_mem>>, %arg20: memref<!tpu.dma_semaphore, #tpu.memory_space<semaphore_mem>>, %arg21: memref<!tpu.dma_semaphore, #tpu.memory_space<semaphore_mem>>, %arg22: memref<!tpu.dma_semaphore, #tpu.memory_space<semaphore_mem>>, %arg23: memref<!tpu.dma_semaphore, #tpu.memory_space<semaphore_mem>>, %arg24: memref<!tpu.dma_semaphore, #tpu.memory_space<semaphore_mem>>, %arg25: memref<!tpu.dma_semaphore, #tpu.memory_space<semaphore_mem>>) attributes {dimension_semantics = [#tpu.dimension_semantics<core_parallel>, #tpu.dimension_semantics<subcore_parallel>], iteration_bounds = array<i64: 2, 16>, scalar_prefetch = 0 : i64, scratch_operands = 18 : i64, tpu.core_type = #tpu.core_type<sc_vector_subcore>, window_params = [{transform_indices = #map}, {transform_indices = #map}, {transform_indices = #map1}, {transform_indices = #map1}, {transform_indices = #map}, {transform_indices = #map}]} {
    %mul3A = arith.constant 2 : i32
    %mul3A_0 = arith.muli %arg1, %mul3A : i32
    %add3A = arith.addi %mul3A_0, %arg0 : i32
    %mul3A_1 = arith.constant 10000 : i32
    %mul3A_2 = arith.muli %add3A, %mul3A_1 : i32
    "tpu.region"() ({
      %run_scoped3A = tpu.sem_alloc : memref<!tpu.dma_semaphore, #tpu.memory_space<semaphore_mem>>
      %dma_start3A_84 = tpu.memref_slice %arg4[%mul3A_2] : memref<320000xi32, #tpu.memory_space<hbm>> -> memref<10000xi32, #tpu.memory_space<hbm>>
      %dma_start3A_85 = tpu.memref_slice %arg4[%mul3A_2] : memref<320000xi32, #tpu.memory_space<hbm>> -> memref<10000xi32, #tpu.memory_space<hbm>>
      tpu.enqueue_dma source(%dma_start3A_85 : memref<10000xi32, #tpu.memory_space<hbm>>) target(%arg8 : memref<10000xi32, #tpu.memory_space<vmem>>) target_semaphore(%run_scoped3A : memref<!tpu.dma_semaphore, #tpu.memory_space<semaphore_mem>>)
      %dma_wait3A_86 = tpu.memref_slice %arg4[%mul3A_2] : memref<320000xi32, #tpu.memory_space<hbm>> -> memref<10000xi32, #tpu.memory_space<hbm>>
      %dma_wait3A_87 = tpu.memref_slice %arg4[%mul3A_2] : memref<320000xi32, #tpu.memory_space<hbm>> -> memref<10000xi32, #tpu.memory_space<hbm>>
      tpu.wait_dma2 semaphore(%run_scoped3A : memref<!tpu.dma_semaphore, #tpu.memory_space<semaphore_mem>>) src(%dma_wait3A_87 : memref<10000xi32, #tpu.memory_space<hbm>>) dst(%arg8 : memref<10000xi32, #tpu.memory_space<vmem>>)
      tpu.yield
    }) : () -> ()
    "tpu.region"() ({
      %run_scoped3A = tpu.sem_alloc : memref<!tpu.dma_semaphore, #tpu.memory_space<semaphore_mem>>
      %dma_start3A_84 = tpu.memref_slice %arg5[%mul3A_2] : memref<320000xi32, #tpu.memory_space<hbm>> -> memref<10000xi32, #tpu.memory_space<hbm>>
      %dma_start3A_85 = tpu.memref_slice %arg5[%mul3A_2] : memref<320000xi32, #tpu.memory_space<hbm>> -> memref<10000xi32, #tpu.memory_space<hbm>>
      tpu.enqueue_dma source(%dma_start3A_85 : memref<10000xi32, #tpu.memory_space<hbm>>) target(%arg9 : memref<10000xi32, #tpu.memory_space<vmem>>) target_semaphore(%run_scoped3A : memref<!tpu.dma_semaphore, #tpu.memory_space<semaphore_mem>>)
      %dma_wait3A_86 = tpu.memref_slice %arg5[%mul3A_2] : memref<320000xi32, #tpu.memory_space<hbm>> -> memref<10000xi32, #tpu.memory_space<hbm>>
      %dma_wait3A_87 = tpu.memref_slice %arg5[%mul3A_2] : memref<320000xi32, #tpu.memory_space<hbm>> -> memref<10000xi32, #tpu.memory_space<hbm>>
      tpu.wait_dma2 semaphore(%run_scoped3A : memref<!tpu.dma_semaphore, #tpu.memory_space<semaphore_mem>>) src(%dma_wait3A_87 : memref<10000xi32, #tpu.memory_space<hbm>>) dst(%arg9 : memref<10000xi32, #tpu.memory_space<vmem>>)
      tpu.yield
    }) : () -> ()
    %dma_start3A = arith.constant 0 : i32
    %dma_start3A_3 = tpu.memref_slice %arg8[%dma_start3A] : memref<10000xi32, #tpu.memory_space<vmem>> -> memref<80xi32, #tpu.memory_space<vmem>>
    %dma_start3A_4 = arith.constant 0 : i32
    %dma_start3A_5 = arith.constant 0 : i32
    %dma_start3A_6 = tpu.memref_slice %arg2[%dma_start3A_4, %dma_start3A_5] : memref<10000x128xf32, #tpu.memory_space<hbm>> -> memref<10000x128xf32, #tpu.memory_space<hbm>>
    tpu.enqueue_indirect_dma source(%dma_start3A_6 : memref<10000x128xf32, #tpu.memory_space<hbm>>) target(%arg10 : memref<80x128xf32, #tpu.memory_space<vmem>>) offsets(%dma_start3A_3 : memref<80xi32, #tpu.memory_space<vmem>>) semaphore(%arg18 : memref<!tpu.dma_semaphore, #tpu.memory_space<semaphore_mem>>)
    %dma_start3A_7 = arith.constant 0 : i32
    %dma_start3A_8 = tpu.memref_slice %arg9[%dma_start3A_7] : memref<10000xi32, #tpu.memory_space<vmem>> -> memref<80xi32, #tpu.memory_space<vmem>>
    %dma_start3A_9 = arith.constant 0 : i32
    %dma_start3A_10 = arith.constant 0 : i32
    %dma_start3A_11 = tpu.memref_slice %arg3[%dma_start3A_9, %dma_start3A_10] : memref<10000x128xf32, #tpu.memory_space<hbm>> -> memref<10000x128xf32, #tpu.memory_space<hbm>>
    tpu.enqueue_indirect_dma source(%dma_start3A_11 : memref<10000x128xf32, #tpu.memory_space<hbm>>) target(%arg11 : memref<80x128xf32, #tpu.memory_space<vmem>>) offsets(%dma_start3A_8 : memref<80xi32, #tpu.memory_space<vmem>>) semaphore(%arg18 : memref<!tpu.dma_semaphore, #tpu.memory_space<semaphore_mem>>)
    %dma_start3A_12 = arith.constant 80 : i32
    %dma_start3A_13 = tpu.memref_slice %arg8[%dma_start3A_12] : memref<10000xi32, #tpu.memory_space<vmem>> -> memref<80xi32, #tpu.memory_space<vmem>>
    %dma_start3A_14 = arith.constant 0 : i32
    %dma_start3A_15 = arith.constant 0 : i32
    %dma_start3A_16 = tpu.memref_slice %arg2[%dma_start3A_14, %dma_start3A_15] : memref<10000x128xf32, #tpu.memory_space<hbm>> -> memref<10000x128xf32, #tpu.memory_space<hbm>>
    tpu.enqueue_indirect_dma source(%dma_start3A_16 : memref<10000x128xf32, #tpu.memory_space<hbm>>) target(%arg12 : memref<80x128xf32, #tpu.memory_space<vmem>>) offsets(%dma_start3A_13 : memref<80xi32, #tpu.memory_space<vmem>>) semaphore(%arg19 : memref<!tpu.dma_semaphore, #tpu.memory_space<semaphore_mem>>)
    %dma_start3A_17 = arith.constant 80 : i32
    %dma_start3A_18 = tpu.memref_slice %arg9[%dma_start3A_17] : memref<10000xi32, #tpu.memory_space<vmem>> -> memref<80xi32, #tpu.memory_space<vmem>>
    %dma_start3A_19 = arith.constant 0 : i32
    %dma_start3A_20 = arith.constant 0 : i32
    %dma_start3A_21 = tpu.memref_slice %arg3[%dma_start3A_19, %dma_start3A_20] : memref<10000x128xf32, #tpu.memory_space<hbm>> -> memref<10000x128xf32, #tpu.memory_space<hbm>>
    tpu.enqueue_indirect_dma source(%dma_start3A_21 : memref<10000x128xf32, #tpu.memory_space<hbm>>) target(%arg13 : memref<80x128xf32, #tpu.memory_space<vmem>>) offsets(%dma_start3A_18 : memref<80xi32, #tpu.memory_space<vmem>>) semaphore(%arg19 : memref<!tpu.dma_semaphore, #tpu.memory_space<semaphore_mem>>)
    %scan3A = arith.constant 0 : i32
    %scan3A_22 = arith.constant 0 : i32
    %scan3A_23 = arith.constant 31 : i32
    %scan3A_24 = arith.addi %scan3A_22, %scan3A_23 : i32
    %scan3A_25 = arith.constant 1 : i32
    scf.for %scan3A_84 = %scan3A_22 to %scan3A_24 step %scan3A_25  : i32 {
      %mul3A_85 = arith.constant 4 : i32
      %mul3A_86 = arith.muli %mul3A_85, %scan3A_84 : i32
      %add3A_87 = arith.constant 0 : i32
      %add3A_88 = arith.addi %mul3A_86, %add3A_87 : i32
      %dma_wait3A_89 = arith.constant 0 : i32
      %dma_wait3A_90 = arith.constant 0 : i32
      %dma_wait3A_91 = tpu.memref_slice %arg2[%dma_wait3A_89, %dma_wait3A_90] : memref<10000x128xf32, #tpu.memory_space<hbm>> -> memref<80x128xf32, #tpu.memory_space<hbm>>
      %dma_wait3A_92 = arith.constant 0 : i32
      %dma_wait3A_93 = arith.constant 0 : i32
      %dma_wait3A_94 = tpu.memref_slice %arg2[%dma_wait3A_92, %dma_wait3A_93] : memref<10000x128xf32, #tpu.memory_space<hbm>> -> memref<80x128xf32, #tpu.memory_space<hbm>>
      tpu.wait_dma2 semaphore(%arg18 : memref<!tpu.dma_semaphore, #tpu.memory_space<semaphore_mem>>) src(%dma_wait3A_94 : memref<80x128xf32, #tpu.memory_space<hbm>>) dst(%arg10 : memref<80x128xf32, #tpu.memory_space<vmem>>)
      %dma_wait3A_95 = arith.constant 0 : i32
      %dma_wait3A_96 = arith.constant 0 : i32
      %dma_wait3A_97 = tpu.memref_slice %arg2[%dma_wait3A_95, %dma_wait3A_96] : memref<10000x128xf32, #tpu.memory_space<hbm>> -> memref<80x128xf32, #tpu.memory_space<hbm>>
      %dma_wait3A_98 = arith.constant 0 : i32
      %dma_wait3A_99 = arith.constant 0 : i32
      %dma_wait3A_100 = tpu.memref_slice %arg2[%dma_wait3A_98, %dma_wait3A_99] : memref<10000x128xf32, #tpu.memory_space<hbm>> -> memref<80x128xf32, #tpu.memory_space<hbm>>
      tpu.wait_dma2 semaphore(%arg18 : memref<!tpu.dma_semaphore, #tpu.memory_space<semaphore_mem>>) src(%dma_wait3A_100 : memref<80x128xf32, #tpu.memory_space<hbm>>) dst(%arg11 : memref<80x128xf32, #tpu.memory_space<vmem>>)
      %mul3A_101 = arith.constant 80 : i32
      %mul3A_102 = arith.muli %add3A_88, %mul3A_101 : i32
      %add3A_103 = arith.addi %mul3A_2, %mul3A_102 : i32
      %dma_start3A_104 = arith.constant 0 : i32
      %dma_start3A_105 = tpu.memref_slice %arg6[%add3A_103, %dma_start3A_104] : memref<320000x128xf32, #tpu.memory_space<hbm>> -> memref<80x128xf32, #tpu.memory_space<hbm>>
      %dma_start3A_106 = arith.constant 0 : i32
      %dma_start3A_107 = tpu.memref_slice %arg6[%add3A_103, %dma_start3A_106] : memref<320000x128xf32, #tpu.memory_space<hbm>> -> memref<80x128xf32, #tpu.memory_space<hbm>>
      tpu.enqueue_dma source(%arg10 : memref<80x128xf32, #tpu.memory_space<vmem>>) target(%dma_start3A_107 : memref<80x128xf32, #tpu.memory_space<hbm>>) target_semaphore(%arg22 : memref<!tpu.dma_semaphore, #tpu.memory_space<semaphore_mem>>)
      %dma_start3A_108 = arith.constant 0 : i32
      %dma_start3A_109 = tpu.memref_slice %arg7[%add3A_103, %dma_start3A_108] : memref<320000x128xf32, #tpu.memory_space<hbm>> -> memref<80x128xf32, #tpu.memory_space<hbm>>
      %dma_start3A_110 = arith.constant 0 : i32
      %dma_start3A_111 = tpu.memref_slice %arg7[%add3A_103, %dma_start3A_110] : memref<320000x128xf32, #tpu.memory_space<hbm>> -> memref<80x128xf32, #tpu.memory_space<hbm>>
      tpu.enqueue_dma source(%arg11 : memref<80x128xf32, #tpu.memory_space<vmem>>) target(%dma_start3A_111 : memref<80x128xf32, #tpu.memory_space<hbm>>) target_semaphore(%arg22 : memref<!tpu.dma_semaphore, #tpu.memory_space<semaphore_mem>>)
      %add3A_112 = arith.constant 2 : i32
      %add3A_113 = arith.addi %add3A_88, %add3A_112 : i32
      %ge3A = arith.constant 2 : i32
      %ge3A_114 = arith.cmpi sge, %add3A_88, %ge3A : i32
      %convert_element_type3A = arith.extui %ge3A_114 : i1 to i32
      %cond3A = arith.constant 0 : i32
      %cond3A_115 = arith.cmpi ne, %convert_element_type3A, %cond3A : i32
      scf.if %cond3A_115 {
        %dma_wait3A_237 = arith.constant 0 : i32
        %dma_wait3A_238 = arith.constant 0 : i32
        %dma_wait3A_239 = tpu.memref_slice %arg6[%dma_wait3A_237, %dma_wait3A_238] : memref<320000x128xf32, #tpu.memory_space<hbm>> -> memref<80x128xf32, #tpu.memory_space<hbm>>
        %dma_wait3A_240 = arith.constant 0 : i32
        %dma_wait3A_241 = arith.constant 0 : i32
        %dma_wait3A_242 = tpu.memref_slice %arg6[%dma_wait3A_240, %dma_wait3A_241] : memref<320000x128xf32, #tpu.memory_space<hbm>> -> memref<80x128xf32, #tpu.memory_space<hbm>>
        tpu.wait_dma2 semaphore(%arg24 : memref<!tpu.dma_semaphore, #tpu.memory_space<semaphore_mem>>) src(%arg14 : memref<80x128xf32, #tpu.memory_space<vmem>>) dst(%dma_wait3A_242 : memref<80x128xf32, #tpu.memory_space<hbm>>)
        %dma_wait3A_243 = arith.constant 0 : i32
        %dma_wait3A_244 = arith.constant 0 : i32
        %dma_wait3A_245 = tpu.memref_slice %arg6[%dma_wait3A_243, %dma_wait3A_244] : memref<320000x128xf32, #tpu.memory_space<hbm>> -> memref<80x128xf32, #tpu.memory_space<hbm>>
        %dma_wait3A_246 = arith.constant 0 : i32
        %dma_wait3A_247 = arith.constant 0 : i32
        %dma_wait3A_248 = tpu.memref_slice %arg6[%dma_wait3A_246, %dma_wait3A_247] : memref<320000x128xf32, #tpu.memory_space<hbm>> -> memref<80x128xf32, #tpu.memory_space<hbm>>
        tpu.wait_dma2 semaphore(%arg24 : memref<!tpu.dma_semaphore, #tpu.memory_space<semaphore_mem>>) src(%arg15 : memref<80x128xf32, #tpu.memory_space<vmem>>) dst(%dma_wait3A_248 : memref<80x128xf32, #tpu.memory_space<hbm>>)
      } else {
      }
      %lt3A = arith.constant 125 : i32
      %lt3A_116 = arith.cmpi slt, %add3A_113, %lt3A : i32
      %convert_element_type3A_117 = arith.extui %lt3A_116 : i1 to i32
      %cond3A_118 = arith.constant 0 : i32
      %cond3A_119 = arith.cmpi ne, %convert_element_type3A_117, %cond3A_118 : i32
      scf.if %cond3A_119 {
        %mul3A_237 = arith.constant 80 : i32
        %mul3A_238 = arith.muli %add3A_113, %mul3A_237 : i32
        %dma_start3A_239 = tpu.memref_slice %arg8[%mul3A_238] : memref<10000xi32, #tpu.memory_space<vmem>> -> memref<80xi32, #tpu.memory_space<vmem>>
        %dma_start3A_240 = arith.constant 0 : i32
        %dma_start3A_241 = arith.constant 0 : i32
        %dma_start3A_242 = tpu.memref_slice %arg2[%dma_start3A_240, %dma_start3A_241] : memref<10000x128xf32, #tpu.memory_space<hbm>> -> memref<10000x128xf32, #tpu.memory_space<hbm>>
        tpu.enqueue_indirect_dma source(%dma_start3A_242 : memref<10000x128xf32, #tpu.memory_space<hbm>>) target(%arg14 : memref<80x128xf32, #tpu.memory_space<vmem>>) offsets(%dma_start3A_239 : memref<80xi32, #tpu.memory_space<vmem>>) semaphore(%arg20 : memref<!tpu.dma_semaphore, #tpu.memory_space<semaphore_mem>>)
        %dma_start3A_243 = tpu.memref_slice %arg9[%mul3A_238] : memref<10000xi32, #tpu.memory_space<vmem>> -> memref<80xi32, #tpu.memory_space<vmem>>
        %dma_start3A_244 = arith.constant 0 : i32
        %dma_start3A_245 = arith.constant 0 : i32
        %dma_start3A_246 = tpu.memref_slice %arg3[%dma_start3A_244, %dma_start3A_245] : memref<10000x128xf32, #tpu.memory_space<hbm>> -> memref<10000x128xf32, #tpu.memory_space<hbm>>
        tpu.enqueue_indirect_dma source(%dma_start3A_246 : memref<10000x128xf32, #tpu.memory_space<hbm>>) target(%arg15 : memref<80x128xf32, #tpu.memory_space<vmem>>) offsets(%dma_start3A_243 : memref<80xi32, #tpu.memory_space<vmem>>) semaphore(%arg20 : memref<!tpu.dma_semaphore, #tpu.memory_space<semaphore_mem>>)
      } else {
      }
      %mul3A_120 = arith.constant 4 : i32
      %mul3A_121 = arith.muli %mul3A_120, %scan3A_84 : i32
      %add3A_122 = arith.constant 1 : i32
      %add3A_123 = arith.addi %mul3A_121, %add3A_122 : i32
      %dma_wait3A_124 = arith.constant 0 : i32
      %dma_wait3A_125 = arith.constant 0 : i32
      %dma_wait3A_126 = tpu.memref_slice %arg2[%dma_wait3A_124, %dma_wait3A_125] : memref<10000x128xf32, #tpu.memory_space<hbm>> -> memref<80x128xf32, #tpu.memory_space<hbm>>
      %dma_wait3A_127 = arith.constant 0 : i32
      %dma_wait3A_128 = arith.constant 0 : i32
      %dma_wait3A_129 = tpu.memref_slice %arg2[%dma_wait3A_127, %dma_wait3A_128] : memref<10000x128xf32, #tpu.memory_space<hbm>> -> memref<80x128xf32, #tpu.memory_space<hbm>>
      tpu.wait_dma2 semaphore(%arg19 : memref<!tpu.dma_semaphore, #tpu.memory_space<semaphore_mem>>) src(%dma_wait3A_129 : memref<80x128xf32, #tpu.memory_space<hbm>>) dst(%arg12 : memref<80x128xf32, #tpu.memory_space<vmem>>)
      %dma_wait3A_130 = arith.constant 0 : i32
      %dma_wait3A_131 = arith.constant 0 : i32
      %dma_wait3A_132 = tpu.memref_slice %arg2[%dma_wait3A_130, %dma_wait3A_131] : memref<10000x128xf32, #tpu.memory_space<hbm>> -> memref<80x128xf32, #tpu.memory_space<hbm>>
      %dma_wait3A_133 = arith.constant 0 : i32
      %dma_wait3A_134 = arith.constant 0 : i32
      %dma_wait3A_135 = tpu.memref_slice %arg2[%dma_wait3A_133, %dma_wait3A_134] : memref<10000x128xf32, #tpu.memory_space<hbm>> -> memref<80x128xf32, #tpu.memory_space<hbm>>
      tpu.wait_dma2 semaphore(%arg19 : memref<!tpu.dma_semaphore, #tpu.memory_space<semaphore_mem>>) src(%dma_wait3A_135 : memref<80x128xf32, #tpu.memory_space<hbm>>) dst(%arg13 : memref<80x128xf32, #tpu.memory_space<vmem>>)
      %mul3A_136 = arith.constant 80 : i32
      %mul3A_137 = arith.muli %add3A_123, %mul3A_136 : i32
      %add3A_138 = arith.addi %mul3A_2, %mul3A_137 : i32
      %dma_start3A_139 = arith.constant 0 : i32
      %dma_start3A_140 = tpu.memref_slice %arg6[%add3A_138, %dma_start3A_139] : memref<320000x128xf32, #tpu.memory_space<hbm>> -> memref<80x128xf32, #tpu.memory_space<hbm>>
      %dma_start3A_141 = arith.constant 0 : i32
      %dma_start3A_142 = tpu.memref_slice %arg6[%add3A_138, %dma_start3A_141] : memref<320000x128xf32, #tpu.memory_space<hbm>> -> memref<80x128xf32, #tpu.memory_space<hbm>>
      tpu.enqueue_dma source(%arg12 : memref<80x128xf32, #tpu.memory_space<vmem>>) target(%dma_start3A_142 : memref<80x128xf32, #tpu.memory_space<hbm>>) target_semaphore(%arg23 : memref<!tpu.dma_semaphore, #tpu.memory_space<semaphore_mem>>)
      %dma_start3A_143 = arith.constant 0 : i32
      %dma_start3A_144 = tpu.memref_slice %arg7[%add3A_138, %dma_start3A_143] : memref<320000x128xf32, #tpu.memory_space<hbm>> -> memref<80x128xf32, #tpu.memory_space<hbm>>
      %dma_start3A_145 = arith.constant 0 : i32
      %dma_start3A_146 = tpu.memref_slice %arg7[%add3A_138, %dma_start3A_145] : memref<320000x128xf32, #tpu.memory_space<hbm>> -> memref<80x128xf32, #tpu.memory_space<hbm>>
      tpu.enqueue_dma source(%arg13 : memref<80x128xf32, #tpu.memory_space<vmem>>) target(%dma_start3A_146 : memref<80x128xf32, #tpu.memory_space<hbm>>) target_semaphore(%arg23 : memref<!tpu.dma_semaphore, #tpu.memory_space<semaphore_mem>>)
      %add3A_147 = arith.constant 2 : i32
      %add3A_148 = arith.addi %add3A_123, %add3A_147 : i32
      %ge3A_149 = arith.constant 2 : i32
      %ge3A_150 = arith.cmpi sge, %add3A_123, %ge3A_149 : i32
      %convert_element_type3A_151 = arith.extui %ge3A_150 : i1 to i32
      %cond3A_152 = arith.constant 0 : i32
      %cond3A_153 = arith.cmpi ne, %convert_element_type3A_151, %cond3A_152 : i32
      scf.if %cond3A_153 {
        %dma_wait3A_237 = arith.constant 0 : i32
        %dma_wait3A_238 = arith.constant 0 : i32
        %dma_wait3A_239 = tpu.memref_slice %arg6[%dma_wait3A_237, %dma_wait3A_238] : memref<320000x128xf32, #tpu.memory_space<hbm>> -> memref<80x128xf32, #tpu.memory_space<hbm>>
        %dma_wait3A_240 = arith.constant 0 : i32
        %dma_wait3A_241 = arith.constant 0 : i32
        %dma_wait3A_242 = tpu.memref_slice %arg6[%dma_wait3A_240, %dma_wait3A_241] : memref<320000x128xf32, #tpu.memory_space<hbm>> -> memref<80x128xf32, #tpu.memory_space<hbm>>
        tpu.wait_dma2 semaphore(%arg25 : memref<!tpu.dma_semaphore, #tpu.memory_space<semaphore_mem>>) src(%arg16 : memref<80x128xf32, #tpu.memory_space<vmem>>) dst(%dma_wait3A_242 : memref<80x128xf32, #tpu.memory_space<hbm>>)
        %dma_wait3A_243 = arith.constant 0 : i32
        %dma_wait3A_244 = arith.constant 0 : i32
        %dma_wait3A_245 = tpu.memref_slice %arg6[%dma_wait3A_243, %dma_wait3A_244] : memref<320000x128xf32, #tpu.memory_space<hbm>> -> memref<80x128xf32, #tpu.memory_space<hbm>>
        %dma_wait3A_246 = arith.constant 0 : i32
        %dma_wait3A_247 = arith.constant 0 : i32
        %dma_wait3A_248 = tpu.memref_slice %arg6[%dma_wait3A_246, %dma_wait3A_247] : memref<320000x128xf32, #tpu.memory_space<hbm>> -> memref<80x128xf32, #tpu.memory_space<hbm>>
        tpu.wait_dma2 semaphore(%arg25 : memref<!tpu.dma_semaphore, #tpu.memory_space<semaphore_mem>>) src(%arg17 : memref<80x128xf32, #tpu.memory_space<vmem>>) dst(%dma_wait3A_248 : memref<80x128xf32, #tpu.memory_space<hbm>>)
      } else {
      }
      %lt3A_154 = arith.constant 125 : i32
      %lt3A_155 = arith.cmpi slt, %add3A_148, %lt3A_154 : i32
      %convert_element_type3A_156 = arith.extui %lt3A_155 : i1 to i32
      %cond3A_157 = arith.constant 0 : i32
      %cond3A_158 = arith.cmpi ne, %convert_element_type3A_156, %cond3A_157 : i32
      scf.if %cond3A_158 {
        %mul3A_237 = arith.constant 80 : i32
        %mul3A_238 = arith.muli %add3A_148, %mul3A_237 : i32
        %dma_start3A_239 = tpu.memref_slice %arg8[%mul3A_238] : memref<10000xi32, #tpu.memory_space<vmem>> -> memref<80xi32, #tpu.memory_space<vmem>>
        %dma_start3A_240 = arith.constant 0 : i32
        %dma_start3A_241 = arith.constant 0 : i32
        %dma_start3A_242 = tpu.memref_slice %arg2[%dma_start3A_240, %dma_start3A_241] : memref<10000x128xf32, #tpu.memory_space<hbm>> -> memref<10000x128xf32, #tpu.memory_space<hbm>>
        tpu.enqueue_indirect_dma source(%dma_start3A_242 : memref<10000x128xf32, #tpu.memory_space<hbm>>) target(%arg16 : memref<80x128xf32, #tpu.memory_space<vmem>>) offsets(%dma_start3A_239 : memref<80xi32, #tpu.memory_space<vmem>>) semaphore(%arg21 : memref<!tpu.dma_semaphore, #tpu.memory_space<semaphore_mem>>)
        %dma_start3A_243 = tpu.memref_slice %arg9[%mul3A_238] : memref<10000xi32, #tpu.memory_space<vmem>> -> memref<80xi32, #tpu.memory_space<vmem>>
        %dma_start3A_244 = arith.constant 0 : i32
        %dma_start3A_245 = arith.constant 0 : i32
        %dma_start3A_246 = tpu.memref_slice %arg3[%dma_start3A_244, %dma_start3A_245] : memref<10000x128xf32, #tpu.memory_space<hbm>> -> memref<10000x128xf32, #tpu.memory_space<hbm>>
        tpu.enqueue_indirect_dma source(%dma_start3A_246 : memref<10000x128xf32, #tpu.memory_space<hbm>>) target(%arg17 : memref<80x128xf32, #tpu.memory_space<vmem>>) offsets(%dma_start3A_243 : memref<80xi32, #tpu.memory_space<vmem>>) semaphore(%arg21 : memref<!tpu.dma_semaphore, #tpu.memory_space<semaphore_mem>>)
      } else {
      }
      %mul3A_159 = arith.constant 4 : i32
      %mul3A_160 = arith.muli %mul3A_159, %scan3A_84 : i32
      %add3A_161 = arith.constant 2 : i32
      %add3A_162 = arith.addi %mul3A_160, %add3A_161 : i32
      %dma_wait3A_163 = arith.constant 0 : i32
      %dma_wait3A_164 = arith.constant 0 : i32
      %dma_wait3A_165 = tpu.memref_slice %arg2[%dma_wait3A_163, %dma_wait3A_164] : memref<10000x128xf32, #tpu.memory_space<hbm>> -> memref<80x128xf32, #tpu.memory_space<hbm>>
      %dma_wait3A_166 = arith.constant 0 : i32
      %dma_wait3A_167 = arith.constant 0 : i32
      %dma_wait3A_168 = tpu.memref_slice %arg2[%dma_wait3A_166, %dma_wait3A_167] : memref<10000x128xf32, #tpu.memory_space<hbm>> -> memref<80x128xf32, #tpu.memory_space<hbm>>
      tpu.wait_dma2 semaphore(%arg20 : memref<!tpu.dma_semaphore, #tpu.memory_space<semaphore_mem>>) src(%dma_wait3A_168 : memref<80x128xf32, #tpu.memory_space<hbm>>) dst(%arg14 : memref<80x128xf32, #tpu.memory_space<vmem>>)
      %dma_wait3A_169 = arith.constant 0 : i32
      %dma_wait3A_170 = arith.constant 0 : i32
      %dma_wait3A_171 = tpu.memref_slice %arg2[%dma_wait3A_169, %dma_wait3A_170] : memref<10000x128xf32, #tpu.memory_space<hbm>> -> memref<80x128xf32, #tpu.memory_space<hbm>>
      %dma_wait3A_172 = arith.constant 0 : i32
      %dma_wait3A_173 = arith.constant 0 : i32
      %dma_wait3A_174 = tpu.memref_slice %arg2[%dma_wait3A_172, %dma_wait3A_173] : memref<10000x128xf32, #tpu.memory_space<hbm>> -> memref<80x128xf32, #tpu.memory_space<hbm>>
      tpu.wait_dma2 semaphore(%arg20 : memref<!tpu.dma_semaphore, #tpu.memory_space<semaphore_mem>>) src(%dma_wait3A_174 : memref<80x128xf32, #tpu.memory_space<hbm>>) dst(%arg15 : memref<80x128xf32, #tpu.memory_space<vmem>>)
      %mul3A_175 = arith.constant 80 : i32
      %mul3A_176 = arith.muli %add3A_162, %mul3A_175 : i32
      %add3A_177 = arith.addi %mul3A_2, %mul3A_176 : i32
      %dma_start3A_178 = arith.constant 0 : i32
      %dma_start3A_179 = tpu.memref_slice %arg6[%add3A_177, %dma_start3A_178] : memref<320000x128xf32, #tpu.memory_space<hbm>> -> memref<80x128xf32, #tpu.memory_space<hbm>>
      %dma_start3A_180 = arith.constant 0 : i32
      %dma_start3A_181 = tpu.memref_slice %arg6[%add3A_177, %dma_start3A_180] : memref<320000x128xf32, #tpu.memory_space<hbm>> -> memref<80x128xf32, #tpu.memory_space<hbm>>
      tpu.enqueue_dma source(%arg14 : memref<80x128xf32, #tpu.memory_space<vmem>>) target(%dma_start3A_181 : memref<80x128xf32, #tpu.memory_space<hbm>>) target_semaphore(%arg24 : memref<!tpu.dma_semaphore, #tpu.memory_space<semaphore_mem>>)
      %dma_start3A_182 = arith.constant 0 : i32
      %dma_start3A_183 = tpu.memref_slice %arg7[%add3A_177, %dma_start3A_182] : memref<320000x128xf32, #tpu.memory_space<hbm>> -> memref<80x128xf32, #tpu.memory_space<hbm>>
      %dma_start3A_184 = arith.constant 0 : i32
      %dma_start3A_185 = tpu.memref_slice %arg7[%add3A_177, %dma_start3A_184] : memref<320000x128xf32, #tpu.memory_space<hbm>> -> memref<80x128xf32, #tpu.memory_space<hbm>>
      tpu.enqueue_dma source(%arg15 : memref<80x128xf32, #tpu.memory_space<vmem>>) target(%dma_start3A_185 : memref<80x128xf32, #tpu.memory_space<hbm>>) target_semaphore(%arg24 : memref<!tpu.dma_semaphore, #tpu.memory_space<semaphore_mem>>)
      %add3A_186 = arith.constant 2 : i32
      %add3A_187 = arith.addi %add3A_162, %add3A_186 : i32
      %ge3A_188 = arith.constant 2 : i32
      %ge3A_189 = arith.cmpi sge, %add3A_162, %ge3A_188 : i32
      %convert_element_type3A_190 = arith.extui %ge3A_189 : i1 to i32
      %cond3A_191 = arith.constant 0 : i32
      %cond3A_192 = arith.cmpi ne, %convert_element_type3A_190, %cond3A_191 : i32
      scf.if %cond3A_192 {
        %dma_wait3A_237 = arith.constant 0 : i32
        %dma_wait3A_238 = arith.constant 0 : i32
        %dma_wait3A_239 = tpu.memref_slice %arg6[%dma_wait3A_237, %dma_wait3A_238] : memref<320000x128xf32, #tpu.memory_space<hbm>> -> memref<80x128xf32, #tpu.memory_space<hbm>>
        %dma_wait3A_240 = arith.constant 0 : i32
        %dma_wait3A_241 = arith.constant 0 : i32
        %dma_wait3A_242 = tpu.memref_slice %arg6[%dma_wait3A_240, %dma_wait3A_241] : memref<320000x128xf32, #tpu.memory_space<hbm>> -> memref<80x128xf32, #tpu.memory_space<hbm>>
        tpu.wait_dma2 semaphore(%arg22 : memref<!tpu.dma_semaphore, #tpu.memory_space<semaphore_mem>>) src(%arg10 : memref<80x128xf32, #tpu.memory_space<vmem>>) dst(%dma_wait3A_242 : memref<80x128xf32, #tpu.memory_space<hbm>>)
        %dma_wait3A_243 = arith.constant 0 : i32
        %dma_wait3A_244 = arith.constant 0 : i32
        %dma_wait3A_245 = tpu.memref_slice %arg6[%dma_wait3A_243, %dma_wait3A_244] : memref<320000x128xf32, #tpu.memory_space<hbm>> -> memref<80x128xf32, #tpu.memory_space<hbm>>
        %dma_wait3A_246 = arith.constant 0 : i32
        %dma_wait3A_247 = arith.constant 0 : i32
        %dma_wait3A_248 = tpu.memref_slice %arg6[%dma_wait3A_246, %dma_wait3A_247] : memref<320000x128xf32, #tpu.memory_space<hbm>> -> memref<80x128xf32, #tpu.memory_space<hbm>>
        tpu.wait_dma2 semaphore(%arg22 : memref<!tpu.dma_semaphore, #tpu.memory_space<semaphore_mem>>) src(%arg11 : memref<80x128xf32, #tpu.memory_space<vmem>>) dst(%dma_wait3A_248 : memref<80x128xf32, #tpu.memory_space<hbm>>)
      } else {
      }
      %lt3A_193 = arith.constant 125 : i32
      %lt3A_194 = arith.cmpi slt, %add3A_187, %lt3A_193 : i32
      %convert_element_type3A_195 = arith.extui %lt3A_194 : i1 to i32
      %cond3A_196 = arith.constant 0 : i32
      %cond3A_197 = arith.cmpi ne, %convert_element_type3A_195, %cond3A_196 : i32
      scf.if %cond3A_197 {
        %mul3A_237 = arith.constant 80 : i32
        %mul3A_238 = arith.muli %add3A_187, %mul3A_237 : i32
        %dma_start3A_239 = tpu.memref_slice %arg8[%mul3A_238] : memref<10000xi32, #tpu.memory_space<vmem>> -> memref<80xi32, #tpu.memory_space<vmem>>
        %dma_start3A_240 = arith.constant 0 : i32
        %dma_start3A_241 = arith.constant 0 : i32
        %dma_start3A_242 = tpu.memref_slice %arg2[%dma_start3A_240, %dma_start3A_241] : memref<10000x128xf32, #tpu.memory_space<hbm>> -> memref<10000x128xf32, #tpu.memory_space<hbm>>
        tpu.enqueue_indirect_dma source(%dma_start3A_242 : memref<10000x128xf32, #tpu.memory_space<hbm>>) target(%arg10 : memref<80x128xf32, #tpu.memory_space<vmem>>) offsets(%dma_start3A_239 : memref<80xi32, #tpu.memory_space<vmem>>) semaphore(%arg18 : memref<!tpu.dma_semaphore, #tpu.memory_space<semaphore_mem>>)
        %dma_start3A_243 = tpu.memref_slice %arg9[%mul3A_238] : memref<10000xi32, #tpu.memory_space<vmem>> -> memref<80xi32, #tpu.memory_space<vmem>>
        %dma_start3A_244 = arith.constant 0 : i32
        %dma_start3A_245 = arith.constant 0 : i32
        %dma_start3A_246 = tpu.memref_slice %arg3[%dma_start3A_244, %dma_start3A_245] : memref<10000x128xf32, #tpu.memory_space<hbm>> -> memref<10000x128xf32, #tpu.memory_space<hbm>>
        tpu.enqueue_indirect_dma source(%dma_start3A_246 : memref<10000x128xf32, #tpu.memory_space<hbm>>) target(%arg11 : memref<80x128xf32, #tpu.memory_space<vmem>>) offsets(%dma_start3A_243 : memref<80xi32, #tpu.memory_space<vmem>>) semaphore(%arg18 : memref<!tpu.dma_semaphore, #tpu.memory_space<semaphore_mem>>)
      } else {
      }
      %mul3A_198 = arith.constant 4 : i32
      %mul3A_199 = arith.muli %mul3A_198, %scan3A_84 : i32
      %add3A_200 = arith.constant 3 : i32
      %add3A_201 = arith.addi %mul3A_199, %add3A_200 : i32
      %dma_wait3A_202 = arith.constant 0 : i32
      %dma_wait3A_203 = arith.constant 0 : i32
      %dma_wait3A_204 = tpu.memref_slice %arg2[%dma_wait3A_202, %dma_wait3A_203] : memref<10000x128xf32, #tpu.memory_space<hbm>> -> memref<80x128xf32, #tpu.memory_space<hbm>>
      %dma_wait3A_205 = arith.constant 0 : i32
      %dma_wait3A_206 = arith.constant 0 : i32
      %dma_wait3A_207 = tpu.memref_slice %arg2[%dma_wait3A_205, %dma_wait3A_206] : memref<10000x128xf32, #tpu.memory_space<hbm>> -> memref<80x128xf32, #tpu.memory_space<hbm>>
      tpu.wait_dma2 semaphore(%arg21 : memref<!tpu.dma_semaphore, #tpu.memory_space<semaphore_mem>>) src(%dma_wait3A_207 : memref<80x128xf32, #tpu.memory_space<hbm>>) dst(%arg16 : memref<80x128xf32, #tpu.memory_space<vmem>>)
      %dma_wait3A_208 = arith.constant 0 : i32
      %dma_wait3A_209 = arith.constant 0 : i32
      %dma_wait3A_210 = tpu.memref_slice %arg2[%dma_wait3A_208, %dma_wait3A_209] : memref<10000x128xf32, #tpu.memory_space<hbm>> -> memref<80x128xf32, #tpu.memory_space<hbm>>
      %dma_wait3A_211 = arith.constant 0 : i32
      %dma_wait3A_212 = arith.constant 0 : i32
      %dma_wait3A_213 = tpu.memref_slice %arg2[%dma_wait3A_211, %dma_wait3A_212] : memref<10000x128xf32, #tpu.memory_space<hbm>> -> memref<80x128xf32, #tpu.memory_space<hbm>>
      tpu.wait_dma2 semaphore(%arg21 : memref<!tpu.dma_semaphore, #tpu.memory_space<semaphore_mem>>) src(%dma_wait3A_213 : memref<80x128xf32, #tpu.memory_space<hbm>>) dst(%arg17 : memref<80x128xf32, #tpu.memory_space<vmem>>)
      %mul3A_214 = arith.constant 80 : i32
      %mul3A_215 = arith.muli %add3A_201, %mul3A_214 : i32
      %add3A_216 = arith.addi %mul3A_2, %mul3A_215 : i32
      %dma_start3A_217 = arith.constant 0 : i32
      %dma_start3A_218 = tpu.memref_slice %arg6[%add3A_216, %dma_start3A_217] : memref<320000x128xf32, #tpu.memory_space<hbm>> -> memref<80x128xf32, #tpu.memory_space<hbm>>
      %dma_start3A_219 = arith.constant 0 : i32
      %dma_start3A_220 = tpu.memref_slice %arg6[%add3A_216, %dma_start3A_219] : memref<320000x128xf32, #tpu.memory_space<hbm>> -> memref<80x128xf32, #tpu.memory_space<hbm>>
      tpu.enqueue_dma source(%arg16 : memref<80x128xf32, #tpu.memory_space<vmem>>) target(%dma_start3A_220 : memref<80x128xf32, #tpu.memory_space<hbm>>) target_semaphore(%arg25 : memref<!tpu.dma_semaphore, #tpu.memory_space<semaphore_mem>>)
      %dma_start3A_221 = arith.constant 0 : i32
      %dma_start3A_222 = tpu.memref_slice %arg7[%add3A_216, %dma_start3A_221] : memref<320000x128xf32, #tpu.memory_space<hbm>> -> memref<80x128xf32, #tpu.memory_space<hbm>>
      %dma_start3A_223 = arith.constant 0 : i32
      %dma_start3A_224 = tpu.memref_slice %arg7[%add3A_216, %dma_start3A_223] : memref<320000x128xf32, #tpu.memory_space<hbm>> -> memref<80x128xf32, #tpu.memory_space<hbm>>
      tpu.enqueue_dma source(%arg17 : memref<80x128xf32, #tpu.memory_space<vmem>>) target(%dma_start3A_224 : memref<80x128xf32, #tpu.memory_space<hbm>>) target_semaphore(%arg25 : memref<!tpu.dma_semaphore, #tpu.memory_space<semaphore_mem>>)
      %add3A_225 = arith.constant 2 : i32
      %add3A_226 = arith.addi %add3A_201, %add3A_225 : i32
      %ge3A_227 = arith.constant 2 : i32
      %ge3A_228 = arith.cmpi sge, %add3A_201, %ge3A_227 : i32
      %convert_element_type3A_229 = arith.extui %ge3A_228 : i1 to i32
      %cond3A_230 = arith.constant 0 : i32
      %cond3A_231 = arith.cmpi ne, %convert_element_type3A_229, %cond3A_230 : i32
      scf.if %cond3A_231 {
        %dma_wait3A_237 = arith.constant 0 : i32
        %dma_wait3A_238 = arith.constant 0 : i32
        %dma_wait3A_239 = tpu.memref_slice %arg6[%dma_wait3A_237, %dma_wait3A_238] : memref<320000x128xf32, #tpu.memory_space<hbm>> -> memref<80x128xf32, #tpu.memory_space<hbm>>
        %dma_wait3A_240 = arith.constant 0 : i32
        %dma_wait3A_241 = arith.constant 0 : i32
        %dma_wait3A_242 = tpu.memref_slice %arg6[%dma_wait3A_240, %dma_wait3A_241] : memref<320000x128xf32, #tpu.memory_space<hbm>> -> memref<80x128xf32, #tpu.memory_space<hbm>>
        tpu.wait_dma2 semaphore(%arg23 : memref<!tpu.dma_semaphore, #tpu.memory_space<semaphore_mem>>) src(%arg12 : memref<80x128xf32, #tpu.memory_space<vmem>>) dst(%dma_wait3A_242 : memref<80x128xf32, #tpu.memory_space<hbm>>)
        %dma_wait3A_243 = arith.constant 0 : i32
        %dma_wait3A_244 = arith.constant 0 : i32
        %dma_wait3A_245 = tpu.memref_slice %arg6[%dma_wait3A_243, %dma_wait3A_244] : memref<320000x128xf32, #tpu.memory_space<hbm>> -> memref<80x128xf32, #tpu.memory_space<hbm>>
        %dma_wait3A_246 = arith.constant 0 : i32
        %dma_wait3A_247 = arith.constant 0 : i32
        %dma_wait3A_248 = tpu.memref_slice %arg6[%dma_wait3A_246, %dma_wait3A_247] : memref<320000x128xf32, #tpu.memory_space<hbm>> -> memref<80x128xf32, #tpu.memory_space<hbm>>
        tpu.wait_dma2 semaphore(%arg23 : memref<!tpu.dma_semaphore, #tpu.memory_space<semaphore_mem>>) src(%arg13 : memref<80x128xf32, #tpu.memory_space<vmem>>) dst(%dma_wait3A_248 : memref<80x128xf32, #tpu.memory_space<hbm>>)
      } else {
      }
      %lt3A_232 = arith.constant 125 : i32
      %lt3A_233 = arith.cmpi slt, %add3A_226, %lt3A_232 : i32
      %convert_element_type3A_234 = arith.extui %lt3A_233 : i1 to i32
      %cond3A_235 = arith.constant 0 : i32
      %cond3A_236 = arith.cmpi ne, %convert_element_type3A_234, %cond3A_235 : i32
      scf.if %cond3A_236 {
        %mul3A_237 = arith.constant 80 : i32
        %mul3A_238 = arith.muli %add3A_226, %mul3A_237 : i32
        %dma_start3A_239 = tpu.memref_slice %arg8[%mul3A_238] : memref<10000xi32, #tpu.memory_space<vmem>> -> memref<80xi32, #tpu.memory_space<vmem>>
        %dma_start3A_240 = arith.constant 0 : i32
        %dma_start3A_241 = arith.constant 0 : i32
        %dma_start3A_242 = tpu.memref_slice %arg2[%dma_start3A_240, %dma_start3A_241] : memref<10000x128xf32, #tpu.memory_space<hbm>> -> memref<10000x128xf32, #tpu.memory_space<hbm>>
        tpu.enqueue_indirect_dma source(%dma_start3A_242 : memref<10000x128xf32, #tpu.memory_space<hbm>>) target(%arg12 : memref<80x128xf32, #tpu.memory_space<vmem>>) offsets(%dma_start3A_239 : memref<80xi32, #tpu.memory_space<vmem>>) semaphore(%arg19 : memref<!tpu.dma_semaphore, #tpu.memory_space<semaphore_mem>>)
        %dma_start3A_243 = tpu.memref_slice %arg9[%mul3A_238] : memref<10000xi32, #tpu.memory_space<vmem>> -> memref<80xi32, #tpu.memory_space<vmem>>
        %dma_start3A_244 = arith.constant 0 : i32
        %dma_start3A_245 = arith.constant 0 : i32
        %dma_start3A_246 = tpu.memref_slice %arg3[%dma_start3A_244, %dma_start3A_245] : memref<10000x128xf32, #tpu.memory_space<hbm>> -> memref<10000x128xf32, #tpu.memory_space<hbm>>
        tpu.enqueue_indirect_dma source(%dma_start3A_246 : memref<10000x128xf32, #tpu.memory_space<hbm>>) target(%arg13 : memref<80x128xf32, #tpu.memory_space<vmem>>) offsets(%dma_start3A_243 : memref<80xi32, #tpu.memory_space<vmem>>) semaphore(%arg19 : memref<!tpu.dma_semaphore, #tpu.memory_space<semaphore_mem>>)
      } else {
      }
    }
    %scan3A_26 = arith.constant 31 : i32
    %dma_wait3A = arith.constant 0 : i32
    %dma_wait3A_27 = arith.constant 0 : i32
    %dma_wait3A_28 = tpu.memref_slice %arg2[%dma_wait3A, %dma_wait3A_27] : memref<10000x128xf32, #tpu.memory_space<hbm>> -> memref<80x128xf32, #tpu.memory_space<hbm>>
    %dma_wait3A_29 = arith.constant 0 : i32
    %dma_wait3A_30 = arith.constant 0 : i32
    %dma_wait3A_31 = tpu.memref_slice %arg2[%dma_wait3A_29, %dma_wait3A_30] : memref<10000x128xf32, #tpu.memory_space<hbm>> -> memref<80x128xf32, #tpu.memory_space<hbm>>
    tpu.wait_dma2 semaphore(%arg18 : memref<!tpu.dma_semaphore, #tpu.memory_space<semaphore_mem>>) src(%dma_wait3A_31 : memref<80x128xf32, #tpu.memory_space<hbm>>) dst(%arg10 : memref<80x128xf32, #tpu.memory_space<vmem>>)
    %dma_wait3A_32 = arith.constant 0 : i32
    %dma_wait3A_33 = arith.constant 0 : i32
    %dma_wait3A_34 = tpu.memref_slice %arg2[%dma_wait3A_32, %dma_wait3A_33] : memref<10000x128xf32, #tpu.memory_space<hbm>> -> memref<80x128xf32, #tpu.memory_space<hbm>>
    %dma_wait3A_35 = arith.constant 0 : i32
    %dma_wait3A_36 = arith.constant 0 : i32
    %dma_wait3A_37 = tpu.memref_slice %arg2[%dma_wait3A_35, %dma_wait3A_36] : memref<10000x128xf32, #tpu.memory_space<hbm>> -> memref<80x128xf32, #tpu.memory_space<hbm>>
    tpu.wait_dma2 semaphore(%arg18 : memref<!tpu.dma_semaphore, #tpu.memory_space<semaphore_mem>>) src(%dma_wait3A_37 : memref<80x128xf32, #tpu.memory_space<hbm>>) dst(%arg11 : memref<80x128xf32, #tpu.memory_space<vmem>>)
    %add3A_38 = arith.constant 9920 : i32
    %add3A_39 = arith.addi %mul3A_2, %add3A_38 : i32
    %dma_start3A_40 = arith.constant 0 : i32
    %dma_start3A_41 = tpu.memref_slice %arg6[%add3A_39, %dma_start3A_40] : memref<320000x128xf32, #tpu.memory_space<hbm>> -> memref<80x128xf32, #tpu.memory_space<hbm>>
    %dma_start3A_42 = arith.constant 0 : i32
    %dma_start3A_43 = tpu.memref_slice %arg6[%add3A_39, %dma_start3A_42] : memref<320000x128xf32, #tpu.memory_space<hbm>> -> memref<80x128xf32, #tpu.memory_space<hbm>>
    tpu.enqueue_dma source(%arg10 : memref<80x128xf32, #tpu.memory_space<vmem>>) target(%dma_start3A_43 : memref<80x128xf32, #tpu.memory_space<hbm>>) target_semaphore(%arg22 : memref<!tpu.dma_semaphore, #tpu.memory_space<semaphore_mem>>)
    %dma_start3A_44 = arith.constant 0 : i32
    %dma_start3A_45 = tpu.memref_slice %arg7[%add3A_39, %dma_start3A_44] : memref<320000x128xf32, #tpu.memory_space<hbm>> -> memref<80x128xf32, #tpu.memory_space<hbm>>
    %dma_start3A_46 = arith.constant 0 : i32
    %dma_start3A_47 = tpu.memref_slice %arg7[%add3A_39, %dma_start3A_46] : memref<320000x128xf32, #tpu.memory_space<hbm>> -> memref<80x128xf32, #tpu.memory_space<hbm>>
    tpu.enqueue_dma source(%arg11 : memref<80x128xf32, #tpu.memory_space<vmem>>) target(%dma_start3A_47 : memref<80x128xf32, #tpu.memory_space<hbm>>) target_semaphore(%arg22 : memref<!tpu.dma_semaphore, #tpu.memory_space<semaphore_mem>>)
    %dma_wait3A_48 = arith.constant 0 : i32
    %dma_wait3A_49 = arith.constant 0 : i32
    %dma_wait3A_50 = tpu.memref_slice %arg6[%dma_wait3A_48, %dma_wait3A_49] : memref<320000x128xf32, #tpu.memory_space<hbm>> -> memref<80x128xf32, #tpu.memory_space<hbm>>
    %dma_wait3A_51 = arith.constant 0 : i32
    %dma_wait3A_52 = arith.constant 0 : i32
    %dma_wait3A_53 = tpu.memref_slice %arg6[%dma_wait3A_51, %dma_wait3A_52] : memref<320000x128xf32, #tpu.memory_space<hbm>> -> memref<80x128xf32, #tpu.memory_space<hbm>>
    tpu.wait_dma2 semaphore(%arg24 : memref<!tpu.dma_semaphore, #tpu.memory_space<semaphore_mem>>) src(%arg14 : memref<80x128xf32, #tpu.memory_space<vmem>>) dst(%dma_wait3A_53 : memref<80x128xf32, #tpu.memory_space<hbm>>)
    %dma_wait3A_54 = arith.constant 0 : i32
    %dma_wait3A_55 = arith.constant 0 : i32
    %dma_wait3A_56 = tpu.memref_slice %arg6[%dma_wait3A_54, %dma_wait3A_55] : memref<320000x128xf32, #tpu.memory_space<hbm>> -> memref<80x128xf32, #tpu.memory_space<hbm>>
    %dma_wait3A_57 = arith.constant 0 : i32
    %dma_wait3A_58 = arith.constant 0 : i32
    %dma_wait3A_59 = tpu.memref_slice %arg6[%dma_wait3A_57, %dma_wait3A_58] : memref<320000x128xf32, #tpu.memory_space<hbm>> -> memref<80x128xf32, #tpu.memory_space<hbm>>
    tpu.wait_dma2 semaphore(%arg24 : memref<!tpu.dma_semaphore, #tpu.memory_space<semaphore_mem>>) src(%arg15 : memref<80x128xf32, #tpu.memory_space<vmem>>) dst(%dma_wait3A_59 : memref<80x128xf32, #tpu.memory_space<hbm>>)
    %dma_wait3A_60 = arith.constant 0 : i32
    %dma_wait3A_61 = arith.constant 0 : i32
    %dma_wait3A_62 = tpu.memref_slice %arg6[%dma_wait3A_60, %dma_wait3A_61] : memref<320000x128xf32, #tpu.memory_space<hbm>> -> memref<80x128xf32, #tpu.memory_space<hbm>>
    %dma_wait3A_63 = arith.constant 0 : i32
    %dma_wait3A_64 = arith.constant 0 : i32
    %dma_wait3A_65 = tpu.memref_slice %arg6[%dma_wait3A_63, %dma_wait3A_64] : memref<320000x128xf32, #tpu.memory_space<hbm>> -> memref<80x128xf32, #tpu.memory_space<hbm>>
    tpu.wait_dma2 semaphore(%arg25 : memref<!tpu.dma_semaphore, #tpu.memory_space<semaphore_mem>>) src(%arg16 : memref<80x128xf32, #tpu.memory_space<vmem>>) dst(%dma_wait3A_65 : memref<80x128xf32, #tpu.memory_space<hbm>>)
    %dma_wait3A_66 = arith.constant 0 : i32
    %dma_wait3A_67 = arith.constant 0 : i32
    %dma_wait3A_68 = tpu.memref_slice %arg6[%dma_wait3A_66, %dma_wait3A_67] : memref<320000x128xf32, #tpu.memory_space<hbm>> -> memref<80x128xf32, #tpu.memory_space<hbm>>
    %dma_wait3A_69 = arith.constant 0 : i32
    %dma_wait3A_70 = arith.constant 0 : i32
    %dma_wait3A_71 = tpu.memref_slice %arg6[%dma_wait3A_69, %dma_wait3A_70] : memref<320000x128xf32, #tpu.memory_space<hbm>> -> memref<80x128xf32, #tpu.memory_space<hbm>>
    tpu.wait_dma2 semaphore(%arg25 : memref<!tpu.dma_semaphore, #tpu.memory_space<semaphore_mem>>) src(%arg17 : memref<80x128xf32, #tpu.memory_space<vmem>>) dst(%dma_wait3A_71 : memref<80x128xf32, #tpu.memory_space<hbm>>)
    %dma_wait3A_72 = arith.constant 0 : i32
    %dma_wait3A_73 = arith.constant 0 : i32
    %dma_wait3A_74 = tpu.memref_slice %arg6[%dma_wait3A_72, %dma_wait3A_73] : memref<320000x128xf32, #tpu.memory_space<hbm>> -> memref<80x128xf32, #tpu.memory_space<hbm>>
    %dma_wait3A_75 = arith.constant 0 : i32
    %dma_wait3A_76 = arith.constant 0 : i32
    %dma_wait3A_77 = tpu.memref_slice %arg6[%dma_wait3A_75, %dma_wait3A_76] : memref<320000x128xf32, #tpu.memory_space<hbm>> -> memref<80x128xf32, #tpu.memory_space<hbm>>
    tpu.wait_dma2 semaphore(%arg22 : memref<!tpu.dma_semaphore, #tpu.memory_space<semaphore_mem>>) src(%arg10 : memref<80x128xf32, #tpu.memory_space<vmem>>) dst(%dma_wait3A_77 : memref<80x128xf32, #tpu.memory_space<hbm>>)
    %dma_wait3A_78 = arith.constant 0 : i32
    %dma_wait3A_79 = arith.constant 0 : i32
    %dma_wait3A_80 = tpu.memref_slice %arg6[%dma_wait3A_78, %dma_wait3A_79] : memref<320000x128xf32, #tpu.memory_space<hbm>> -> memref<80x128xf32, #tpu.memory_space<hbm>>
    %dma_wait3A_81 = arith.constant 0 : i32
    %dma_wait3A_82 = arith.constant 0 : i32
    %dma_wait3A_83 = tpu.memref_slice %arg6[%dma_wait3A_81, %dma_wait3A_82] : memref<320000x128xf32, #tpu.memory_space<hbm>> -> memref<80x128xf32, #tpu.memory_space<hbm>>
    tpu.wait_dma2 semaphore(%arg22 : memref<!tpu.dma_semaphore, #tpu.memory_space<semaphore_mem>>) src(%arg11 : memref<80x128xf32, #tpu.memory_space<vmem>>) dst(%dma_wait3A_83 : memref<80x128xf32, #tpu.memory_space<hbm>>)
    return
  }
}

#map = affine_map<(d0, d1) -> (0, 0)>
#map1 = affine_map<(d0, d1) -> (0)>
module attributes {stable_mosaic.version = 14 : i64} {
  func.func @sk(%arg0: i32, %arg1: i32, %arg2: memref<320000x256xf32, #tpu.memory_space<hbm>>, %arg3: memref<320000xi32, #tpu.memory_space<hbm>>, %arg4: memref<10000x128xf32, #tpu.memory_space<hbm>>, %arg5: memref<80xi32, #tpu.memory_space<vmem>>, %arg6: memref<80xi32, #tpu.memory_space<vmem>>, %arg7: memref<80x128xf32, #tpu.memory_space<vmem>>, %arg8: memref<80x128xf32, #tpu.memory_space<vmem>>, %arg9: memref<80x128xf32, #tpu.memory_space<vmem>>, %arg10: memref<10000x128xf32, #tpu.memory_space<vmem_shared>>, %arg11: memref<!tpu.dma_semaphore, #tpu.memory_space<semaphore_mem>>, %arg12: memref<!tpu.dma_semaphore, #tpu.memory_space<semaphore_mem>>, %arg13: memref<!tpu.dma_semaphore, #tpu.memory_space<semaphore_mem>>, %arg14: memref<!tpu.dma_semaphore, #tpu.memory_space<semaphore_mem>>) attributes {dimension_semantics = [#tpu.dimension_semantics<core_parallel>, #tpu.dimension_semantics<subcore_parallel>], iteration_bounds = array<i64: 1, 16>, scalar_prefetch = 0 : i64, scratch_operands = 10 : i64, tpu.core_type = #tpu.core_type<sc_vector_subcore>, window_params = [{transform_indices = #map}, {transform_indices = #map1}, {transform_indices = #map}]} {
    %scan3A = arith.constant 0 : i32
    %scan3A_0 = arith.constant 0 : i32
    %scan3A_1 = arith.constant 640 : i32
    %scan3A_2 = arith.addi %scan3A_0, %scan3A_1 : i32
    %scan3A_3 = arith.constant 1 : i32
    scf.for %scan3A_56 = %scan3A_0 to %scan3A_2 step %scan3A_3  : i32 {
      %broadcast_in_dim3A = arith.constant 0.000000e+00 : f32
      %broadcast_in_dim3A_57 = vector.broadcast %broadcast_in_dim3A : f32 to vector<16xf32>
      %jit3A = arith.constant 8 : i32
      %div3A = arith.divsi %scan3A_56, %jit3A : i32
      %sign3A = arith.constant 0 : i32
      %sign3A_58 = arith.cmpi sgt, %scan3A_56, %sign3A : i32
      %sign3A_59 = arith.extui %sign3A_58 : i1 to i32
      %sign3A_60 = arith.constant 0 : i32
      %sign3A_61 = arith.cmpi slt, %scan3A_56, %sign3A_60 : i32
      %sign3A_62 = arith.extui %sign3A_61 : i1 to i32
      %sign3A_63 = arith.subi %sign3A_59, %sign3A_62 : i32
      %sign3A_64 = arith.constant 0 : i32
      %sign3A_65 = arith.cmpi sgt, %jit3A, %sign3A_64 : i32
      %sign3A_66 = arith.extui %sign3A_65 : i1 to i32
      %sign3A_67 = arith.constant 0 : i32
      %sign3A_68 = arith.cmpi slt, %jit3A, %sign3A_67 : i32
      %sign3A_69 = arith.extui %sign3A_68 : i1 to i32
      %sign3A_70 = arith.subi %sign3A_66, %sign3A_69 : i32
      %ne3A = arith.cmpi ne, %sign3A_63, %sign3A_70 : i32
      %rem3A = arith.remsi %scan3A_56, %jit3A : i32
      %ne3A_71 = arith.constant 0 : i32
      %ne3A_72 = arith.cmpi ne, %rem3A, %ne3A_71 : i32
      %and3A = arith.andi %ne3A, %ne3A_72 : i1
      %sub3A = arith.constant 1 : i32
      %sub3A_73 = arith.subi %div3A, %sub3A : i32
      %select_n3A = arith.select %and3A, %sub3A_73, %div3A : i32
      %jit3A_74 = arith.constant 8 : i32
      %eq3A_75 = arith.constant 0 : i32
      %eq3A_76 = arith.cmpi eq, %jit3A_74, %eq3A_75 : i32
      %jit3A_77 = arith.constant 1 : i32
      %select_n3A_78 = arith.select %eq3A_76, %jit3A_77, %jit3A_74 : i32
      %rem3A_79 = arith.remsi %scan3A_56, %select_n3A_78 : i32
      %ne3A_80 = arith.constant 0 : i32
      %ne3A_81 = arith.cmpi ne, %rem3A_79, %ne3A_80 : i32
      %lt3A_82 = arith.constant 0 : i32
      %lt3A_83 = arith.cmpi slt, %rem3A_79, %lt3A_82 : i32
      %lt3A_84 = arith.constant 0 : i32
      %lt3A_85 = arith.cmpi slt, %select_n3A_78, %lt3A_84 : i32
      %ne3A_86 = arith.xori %lt3A_83, %lt3A_85 : i1
      %and3A_87 = arith.andi %ne3A_86, %ne3A_81 : i1
      %add3A_88 = arith.addi %rem3A_79, %select_n3A_78 : i32
      %select_n3A_89 = arith.select %and3A_87, %add3A_88, %rem3A_79 : i32
      %mul3A_90 = arith.constant 16 : i32
      %mul3A_91 = arith.muli %select_n3A_89, %mul3A_90 : i32
      %swap3A = arith.index_cast %select_n3A : i32 to index
      %swap3A_92 = arith.index_cast %mul3A_91 : i32 to index
      %swap3A_93 = tpu.vector_load %arg9[%swap3A, %swap3A_92] {strides = array<i32>} : memref<80x128xf32, #tpu.memory_space<vmem>>, vector<1x16xf32>,
      %swap3A_94 = vector.shape_cast %swap3A_93 : vector<1x16xf32> to vector<16xf32>
      %swap3A_95 = vector.shape_cast %broadcast_in_dim3A_57 : vector<16xf32> to vector<1x16xf32>
      tpu.vector_store %arg9[%swap3A, %swap3A_92], %swap3A_95 {strides = array<i32>} : memref<80x128xf32, #tpu.memory_space<vmem>>, vector<1x16xf32>,
    }
    %scan3A_4 = arith.constant 640 : i32
    %lt3A = arith.constant 15 : i32
    %lt3A_5 = arith.cmpi slt, %arg1, %lt3A : i32
    %convert_element_type3A = arith.extui %lt3A_5 : i1 to i32
    %cond3A = arith.constant 0 : i32
    %cond3A_6 = arith.cmpi ne, %convert_element_type3A, %cond3A : i32
    scf.if %cond3A_6 {
      %mul3A_56 = arith.constant 640 : i32
      %mul3A_57 = arith.muli %arg1, %mul3A_56 : i32
      %add3A_58 = arith.constant 0 : i32
      %add3A_59 = arith.addi %mul3A_57, %add3A_58 : i32
      "tpu.region"() ({
        %run_scoped3A = tpu.sem_alloc : memref<!tpu.dma_semaphore, #tpu.memory_space<semaphore_mem>>
        %dma_start3A_88 = arith.constant 0 : i32
        %dma_start3A_89 = tpu.memref_slice %arg10[%add3A_59, %dma_start3A_88] : memref<10000x128xf32, #tpu.memory_space<vmem_shared>> -> memref<80x128xf32, #tpu.memory_space<vmem_shared>>
        %dma_start3A_90 = arith.constant 0 : i32
        %dma_start3A_91 = tpu.memref_slice %arg10[%add3A_59, %dma_start3A_90] : memref<10000x128xf32, #tpu.memory_space<vmem_shared>> -> memref<80x128xf32, #tpu.memory_space<vmem_shared>>
        tpu.enqueue_dma source(%arg9 : memref<80x128xf32, #tpu.memory_space<vmem>>) target(%dma_start3A_91 : memref<80x128xf32, #tpu.memory_space<vmem_shared>>) target_semaphore(%run_scoped3A : memref<!tpu.dma_semaphore, #tpu.memory_space<semaphore_mem>>)
        %dma_wait3A_92 = arith.constant 0 : i32
        %dma_wait3A_93 = tpu.memref_slice %arg10[%add3A_59, %dma_wait3A_92] : memref<10000x128xf32, #tpu.memory_space<vmem_shared>> -> memref<80x128xf32, #tpu.memory_space<vmem_shared>>
        %dma_wait3A_94 = arith.constant 0 : i32
        %dma_wait3A_95 = tpu.memref_slice %arg10[%add3A_59, %dma_wait3A_94] : memref<10000x128xf32, #tpu.memory_space<vmem_shared>> -> memref<80x128xf32, #tpu.memory_space<vmem_shared>>
        tpu.wait_dma2 semaphore(%run_scoped3A : memref<!tpu.dma_semaphore, #tpu.memory_space<semaphore_mem>>) src(%arg9 : memref<80x128xf32, #tpu.memory_space<vmem>>) dst(%dma_wait3A_95 : memref<80x128xf32, #tpu.memory_space<vmem_shared>>)
        tpu.yield
      }) : () -> ()
      %mul3A_60 = arith.constant 640 : i32
      %mul3A_61 = arith.muli %arg1, %mul3A_60 : i32
      %add3A_62 = arith.constant 80 : i32
      %add3A_63 = arith.addi %mul3A_61, %add3A_62 : i32
      "tpu.region"() ({
        %run_scoped3A = tpu.sem_alloc : memref<!tpu.dma_semaphore, #tpu.memory_space<semaphore_mem>>
        %dma_start3A_88 = arith.constant 0 : i32
        %dma_start3A_89 = tpu.memref_slice %arg10[%add3A_63, %dma_start3A_88] : memref<10000x128xf32, #tpu.memory_space<vmem_shared>> -> memref<80x128xf32, #tpu.memory_space<vmem_shared>>
        %dma_start3A_90 = arith.constant 0 : i32
        %dma_start3A_91 = tpu.memref_slice %arg10[%add3A_63, %dma_start3A_90] : memref<10000x128xf32, #tpu.memory_space<vmem_shared>> -> memref<80x128xf32, #tpu.memory_space<vmem_shared>>
        tpu.enqueue_dma source(%arg9 : memref<80x128xf32, #tpu.memory_space<vmem>>) target(%dma_start3A_91 : memref<80x128xf32, #tpu.memory_space<vmem_shared>>) target_semaphore(%run_scoped3A : memref<!tpu.dma_semaphore, #tpu.memory_space<semaphore_mem>>)
        %dma_wait3A_92 = arith.constant 0 : i32
        %dma_wait3A_93 = tpu.memref_slice %arg10[%add3A_63, %dma_wait3A_92] : memref<10000x128xf32, #tpu.memory_space<vmem_shared>> -> memref<80x128xf32, #tpu.memory_space<vmem_shared>>
        %dma_wait3A_94 = arith.constant 0 : i32
        %dma_wait3A_95 = tpu.memref_slice %arg10[%add3A_63, %dma_wait3A_94] : memref<10000x128xf32, #tpu.memory_space<vmem_shared>> -> memref<80x128xf32, #tpu.memory_space<vmem_shared>>
        tpu.wait_dma2 semaphore(%run_scoped3A : memref<!tpu.dma_semaphore, #tpu.memory_space<semaphore_mem>>) src(%arg9 : memref<80x128xf32, #tpu.memory_space<vmem>>) dst(%dma_wait3A_95 : memref<80x128xf32, #tpu.memory_space<vmem_shared>>)
        tpu.yield
      }) : () -> ()
      %mul3A_64 = arith.constant 640 : i32
      %mul3A_65 = arith.muli %arg1, %mul3A_64 : i32
      %add3A_66 = arith.constant 160 : i32
      %add3A_67 = arith.addi %mul3A_65, %add3A_66 : i32
      "tpu.region"() ({
        %run_scoped3A = tpu.sem_alloc : memref<!tpu.dma_semaphore, #tpu.memory_space<semaphore_mem>>
        %dma_start3A_88 = arith.constant 0 : i32
        %dma_start3A_89 = tpu.memref_slice %arg10[%add3A_67, %dma_start3A_88] : memref<10000x128xf32, #tpu.memory_space<vmem_shared>> -> memref<80x128xf32, #tpu.memory_space<vmem_shared>>
        %dma_start3A_90 = arith.constant 0 : i32
        %dma_start3A_91 = tpu.memref_slice %arg10[%add3A_67, %dma_start3A_90] : memref<10000x128xf32, #tpu.memory_space<vmem_shared>> -> memref<80x128xf32, #tpu.memory_space<vmem_shared>>
        tpu.enqueue_dma source(%arg9 : memref<80x128xf32, #tpu.memory_space<vmem>>) target(%dma_start3A_91 : memref<80x128xf32, #tpu.memory_space<vmem_shared>>) target_semaphore(%run_scoped3A : memref<!tpu.dma_semaphore, #tpu.memory_space<semaphore_mem>>)
        %dma_wait3A_92 = arith.constant 0 : i32
        %dma_wait3A_93 = tpu.memref_slice %arg10[%add3A_67, %dma_wait3A_92] : memref<10000x128xf32, #tpu.memory_space<vmem_shared>> -> memref<80x128xf32, #tpu.memory_space<vmem_shared>>
        %dma_wait3A_94 = arith.constant 0 : i32
        %dma_wait3A_95 = tpu.memref_slice %arg10[%add3A_67, %dma_wait3A_94] : memref<10000x128xf32, #tpu.memory_space<vmem_shared>> -> memref<80x128xf32, #tpu.memory_space<vmem_shared>>
        tpu.wait_dma2 semaphore(%run_scoped3A : memref<!tpu.dma_semaphore, #tpu.memory_space<semaphore_mem>>) src(%arg9 : memref<80x128xf32, #tpu.memory_space<vmem>>) dst(%dma_wait3A_95 : memref<80x128xf32, #tpu.memory_space<vmem_shared>>)
        tpu.yield
      }) : () -> ()
      %mul3A_68 = arith.constant 640 : i32
      %mul3A_69 = arith.muli %arg1, %mul3A_68 : i32
      %add3A_70 = arith.constant 240 : i32
      %add3A_71 = arith.addi %mul3A_69, %add3A_70 : i32
      "tpu.region"() ({
        %run_scoped3A = tpu.sem_alloc : memref<!tpu.dma_semaphore, #tpu.memory_space<semaphore_mem>>
        %dma_start3A_88 = arith.constant 0 : i32
        %dma_start3A_89 = tpu.memref_slice %arg10[%add3A_71, %dma_start3A_88] : memref<10000x128xf32, #tpu.memory_space<vmem_shared>> -> memref<80x128xf32, #tpu.memory_space<vmem_shared>>
        %dma_start3A_90 = arith.constant 0 : i32
        %dma_start3A_91 = tpu.memref_slice %arg10[%add3A_71, %dma_start3A_90] : memref<10000x128xf32, #tpu.memory_space<vmem_shared>> -> memref<80x128xf32, #tpu.memory_space<vmem_shared>>
        tpu.enqueue_dma source(%arg9 : memref<80x128xf32, #tpu.memory_space<vmem>>) target(%dma_start3A_91 : memref<80x128xf32, #tpu.memory_space<vmem_shared>>) target_semaphore(%run_scoped3A : memref<!tpu.dma_semaphore, #tpu.memory_space<semaphore_mem>>)
        %dma_wait3A_92 = arith.constant 0 : i32
        %dma_wait3A_93 = tpu.memref_slice %arg10[%add3A_71, %dma_wait3A_92] : memref<10000x128xf32, #tpu.memory_space<vmem_shared>> -> memref<80x128xf32, #tpu.memory_space<vmem_shared>>
        %dma_wait3A_94 = arith.constant 0 : i32
        %dma_wait3A_95 = tpu.memref_slice %arg10[%add3A_71, %dma_wait3A_94] : memref<10000x128xf32, #tpu.memory_space<vmem_shared>> -> memref<80x128xf32, #tpu.memory_space<vmem_shared>>
        tpu.wait_dma2 semaphore(%run_scoped3A : memref<!tpu.dma_semaphore, #tpu.memory_space<semaphore_mem>>) src(%arg9 : memref<80x128xf32, #tpu.memory_space<vmem>>) dst(%dma_wait3A_95 : memref<80x128xf32, #tpu.memory_space<vmem_shared>>)
        tpu.yield
      }) : () -> ()
      %mul3A_72 = arith.constant 640 : i32
      %mul3A_73 = arith.muli %arg1, %mul3A_72 : i32
      %add3A_74 = arith.constant 320 : i32
      %add3A_75 = arith.addi %mul3A_73, %add3A_74 : i32
      "tpu.region"() ({
        %run_scoped3A = tpu.sem_alloc : memref<!tpu.dma_semaphore, #tpu.memory_space<semaphore_mem>>
        %dma_start3A_88 = arith.constant 0 : i32
        %dma_start3A_89 = tpu.memref_slice %arg10[%add3A_75, %dma_start3A_88] : memref<10000x128xf32, #tpu.memory_space<vmem_shared>> -> memref<80x128xf32, #tpu.memory_space<vmem_shared>>
        %dma_start3A_90 = arith.constant 0 : i32
        %dma_start3A_91 = tpu.memref_slice %arg10[%add3A_75, %dma_start3A_90] : memref<10000x128xf32, #tpu.memory_space<vmem_shared>> -> memref<80x128xf32, #tpu.memory_space<vmem_shared>>
        tpu.enqueue_dma source(%arg9 : memref<80x128xf32, #tpu.memory_space<vmem>>) target(%dma_start3A_91 : memref<80x128xf32, #tpu.memory_space<vmem_shared>>) target_semaphore(%run_scoped3A : memref<!tpu.dma_semaphore, #tpu.memory_space<semaphore_mem>>)
        %dma_wait3A_92 = arith.constant 0 : i32
        %dma_wait3A_93 = tpu.memref_slice %arg10[%add3A_75, %dma_wait3A_92] : memref<10000x128xf32, #tpu.memory_space<vmem_shared>> -> memref<80x128xf32, #tpu.memory_space<vmem_shared>>
        %dma_wait3A_94 = arith.constant 0 : i32
        %dma_wait3A_95 = tpu.memref_slice %arg10[%add3A_75, %dma_wait3A_94] : memref<10000x128xf32, #tpu.memory_space<vmem_shared>> -> memref<80x128xf32, #tpu.memory_space<vmem_shared>>
        tpu.wait_dma2 semaphore(%run_scoped3A : memref<!tpu.dma_semaphore, #tpu.memory_space<semaphore_mem>>) src(%arg9 : memref<80x128xf32, #tpu.memory_space<vmem>>) dst(%dma_wait3A_95 : memref<80x128xf32, #tpu.memory_space<vmem_shared>>)
        tpu.yield
      }) : () -> ()
      %mul3A_76 = arith.constant 640 : i32
      %mul3A_77 = arith.muli %arg1, %mul3A_76 : i32
      %add3A_78 = arith.constant 400 : i32
      %add3A_79 = arith.addi %mul3A_77, %add3A_78 : i32
      "tpu.region"() ({
        %run_scoped3A = tpu.sem_alloc : memref<!tpu.dma_semaphore, #tpu.memory_space<semaphore_mem>>
        %dma_start3A_88 = arith.constant 0 : i32
        %dma_start3A_89 = tpu.memref_slice %arg10[%add3A_79, %dma_start3A_88] : memref<10000x128xf32, #tpu.memory_space<vmem_shared>> -> memref<80x128xf32, #tpu.memory_space<vmem_shared>>
        %dma_start3A_90 = arith.constant 0 : i32
        %dma_start3A_91 = tpu.memref_slice %arg10[%add3A_79, %dma_start3A_90] : memref<10000x128xf32, #tpu.memory_space<vmem_shared>> -> memref<80x128xf32, #tpu.memory_space<vmem_shared>>
        tpu.enqueue_dma source(%arg9 : memref<80x128xf32, #tpu.memory_space<vmem>>) target(%dma_start3A_91 : memref<80x128xf32, #tpu.memory_space<vmem_shared>>) target_semaphore(%run_scoped3A : memref<!tpu.dma_semaphore, #tpu.memory_space<semaphore_mem>>)
        %dma_wait3A_92 = arith.constant 0 : i32
        %dma_wait3A_93 = tpu.memref_slice %arg10[%add3A_79, %dma_wait3A_92] : memref<10000x128xf32, #tpu.memory_space<vmem_shared>> -> memref<80x128xf32, #tpu.memory_space<vmem_shared>>
        %dma_wait3A_94 = arith.constant 0 : i32
        %dma_wait3A_95 = tpu.memref_slice %arg10[%add3A_79, %dma_wait3A_94] : memref<10000x128xf32, #tpu.memory_space<vmem_shared>> -> memref<80x128xf32, #tpu.memory_space<vmem_shared>>
        tpu.wait_dma2 semaphore(%run_scoped3A : memref<!tpu.dma_semaphore, #tpu.memory_space<semaphore_mem>>) src(%arg9 : memref<80x128xf32, #tpu.memory_space<vmem>>) dst(%dma_wait3A_95 : memref<80x128xf32, #tpu.memory_space<vmem_shared>>)
        tpu.yield
      }) : () -> ()
      %mul3A_80 = arith.constant 640 : i32
      %mul3A_81 = arith.muli %arg1, %mul3A_80 : i32
      %add3A_82 = arith.constant 480 : i32
      %add3A_83 = arith.addi %mul3A_81, %add3A_82 : i32
      "tpu.region"() ({
        %run_scoped3A = tpu.sem_alloc : memref<!tpu.dma_semaphore, #tpu.memory_space<semaphore_mem>>
        %dma_start3A_88 = arith.constant 0 : i32
        %dma_start3A_89 = tpu.memref_slice %arg10[%add3A_83, %dma_start3A_88] : memref<10000x128xf32, #tpu.memory_space<vmem_shared>> -> memref<80x128xf32, #tpu.memory_space<vmem_shared>>
        %dma_start3A_90 = arith.constant 0 : i32
        %dma_start3A_91 = tpu.memref_slice %arg10[%add3A_83, %dma_start3A_90] : memref<10000x128xf32, #tpu.memory_space<vmem_shared>> -> memref<80x128xf32, #tpu.memory_space<vmem_shared>>
        tpu.enqueue_dma source(%arg9 : memref<80x128xf32, #tpu.memory_space<vmem>>) target(%dma_start3A_91 : memref<80x128xf32, #tpu.memory_space<vmem_shared>>) target_semaphore(%run_scoped3A : memref<!tpu.dma_semaphore, #tpu.memory_space<semaphore_mem>>)
        %dma_wait3A_92 = arith.constant 0 : i32
        %dma_wait3A_93 = tpu.memref_slice %arg10[%add3A_83, %dma_wait3A_92] : memref<10000x128xf32, #tpu.memory_space<vmem_shared>> -> memref<80x128xf32, #tpu.memory_space<vmem_shared>>
        %dma_wait3A_94 = arith.constant 0 : i32
        %dma_wait3A_95 = tpu.memref_slice %arg10[%add3A_83, %dma_wait3A_94] : memref<10000x128xf32, #tpu.memory_space<vmem_shared>> -> memref<80x128xf32, #tpu.memory_space<vmem_shared>>
        tpu.wait_dma2 semaphore(%run_scoped3A : memref<!tpu.dma_semaphore, #tpu.memory_space<semaphore_mem>>) src(%arg9 : memref<80x128xf32, #tpu.memory_space<vmem>>) dst(%dma_wait3A_95 : memref<80x128xf32, #tpu.memory_space<vmem_shared>>)
        tpu.yield
      }) : () -> ()
      %mul3A_84 = arith.constant 640 : i32
      %mul3A_85 = arith.muli %arg1, %mul3A_84 : i32
      %add3A_86 = arith.constant 560 : i32
      %add3A_87 = arith.addi %mul3A_85, %add3A_86 : i32
      "tpu.region"() ({
        %run_scoped3A = tpu.sem_alloc : memref<!tpu.dma_semaphore, #tpu.memory_space<semaphore_mem>>
        %dma_start3A_88 = arith.constant 0 : i32
        %dma_start3A_89 = tpu.memref_slice %arg10[%add3A_87, %dma_start3A_88] : memref<10000x128xf32, #tpu.memory_space<vmem_shared>> -> memref<80x128xf32, #tpu.memory_space<vmem_shared>>
        %dma_start3A_90 = arith.constant 0 : i32
        %dma_start3A_91 = tpu.memref_slice %arg10[%add3A_87, %dma_start3A_90] : memref<10000x128xf32, #tpu.memory_space<vmem_shared>> -> memref<80x128xf32, #tpu.memory_space<vmem_shared>>
        tpu.enqueue_dma source(%arg9 : memref<80x128xf32, #tpu.memory_space<vmem>>) target(%dma_start3A_91 : memref<80x128xf32, #tpu.memory_space<vmem_shared>>) target_semaphore(%run_scoped3A : memref<!tpu.dma_semaphore, #tpu.memory_space<semaphore_mem>>)
        %dma_wait3A_92 = arith.constant 0 : i32
        %dma_wait3A_93 = tpu.memref_slice %arg10[%add3A_87, %dma_wait3A_92] : memref<10000x128xf32, #tpu.memory_space<vmem_shared>> -> memref<80x128xf32, #tpu.memory_space<vmem_shared>>
        %dma_wait3A_94 = arith.constant 0 : i32
        %dma_wait3A_95 = tpu.memref_slice %arg10[%add3A_87, %dma_wait3A_94] : memref<10000x128xf32, #tpu.memory_space<vmem_shared>> -> memref<80x128xf32, #tpu.memory_space<vmem_shared>>
        tpu.wait_dma2 semaphore(%run_scoped3A : memref<!tpu.dma_semaphore, #tpu.memory_space<semaphore_mem>>) src(%arg9 : memref<80x128xf32, #tpu.memory_space<vmem>>) dst(%dma_wait3A_95 : memref<80x128xf32, #tpu.memory_space<vmem_shared>>)
        tpu.yield
      }) : () -> ()
    } else {
    }
    %eq3A = arith.constant 15 : i32
    %eq3A_7 = arith.cmpi eq, %arg1, %eq3A : i32
    %convert_element_type3A_8 = arith.extui %eq3A_7 : i1 to i32
    %cond3A_9 = arith.constant 0 : i32
    %cond3A_10 = arith.cmpi ne, %convert_element_type3A_8, %cond3A_9 : i32
    scf.if %cond3A_10 {
      "tpu.region"() ({
        %run_scoped3A = tpu.sem_alloc : memref<!tpu.dma_semaphore, #tpu.memory_space<semaphore_mem>>
        %dma_start3A_56 = arith.constant 9600 : i32
        %dma_start3A_57 = arith.constant 0 : i32
        %dma_start3A_58 = tpu.memref_slice %arg10[%dma_start3A_56, %dma_start3A_57] : memref<10000x128xf32, #tpu.memory_space<vmem_shared>> -> memref<80x128xf32, #tpu.memory_space<vmem_shared>>
        %dma_start3A_59 = arith.constant 9600 : i32
        %dma_start3A_60 = arith.constant 0 : i32
        %dma_start3A_61 = tpu.memref_slice %arg10[%dma_start3A_59, %dma_start3A_60] : memref<10000x128xf32, #tpu.memory_space<vmem_shared>> -> memref<80x128xf32, #tpu.memory_space<vmem_shared>>
        tpu.enqueue_dma source(%arg9 : memref<80x128xf32, #tpu.memory_space<vmem>>) target(%dma_start3A_61 : memref<80x128xf32, #tpu.memory_space<vmem_shared>>) target_semaphore(%run_scoped3A : memref<!tpu.dma_semaphore, #tpu.memory_space<semaphore_mem>>)
        %dma_wait3A_62 = arith.constant 9600 : i32
        %dma_wait3A_63 = arith.constant 0 : i32
        %dma_wait3A_64 = tpu.memref_slice %arg10[%dma_wait3A_62, %dma_wait3A_63] : memref<10000x128xf32, #tpu.memory_space<vmem_shared>> -> memref<80x128xf32, #tpu.memory_space<vmem_shared>>
        %dma_wait3A_65 = arith.constant 9600 : i32
        %dma_wait3A_66 = arith.constant 0 : i32
        %dma_wait3A_67 = tpu.memref_slice %arg10[%dma_wait3A_65, %dma_wait3A_66] : memref<10000x128xf32, #tpu.memory_space<vmem_shared>> -> memref<80x128xf32, #tpu.memory_space<vmem_shared>>
        tpu.wait_dma2 semaphore(%run_scoped3A : memref<!tpu.dma_semaphore, #tpu.memory_space<semaphore_mem>>) src(%arg9 : memref<80x128xf32, #tpu.memory_space<vmem>>) dst(%dma_wait3A_67 : memref<80x128xf32, #tpu.memory_space<vmem_shared>>)
        tpu.yield
      }) : () -> ()
      "tpu.region"() ({
        %run_scoped3A = tpu.sem_alloc : memref<!tpu.dma_semaphore, #tpu.memory_space<semaphore_mem>>
        %dma_start3A_56 = arith.constant 9680 : i32
        %dma_start3A_57 = arith.constant 0 : i32
        %dma_start3A_58 = tpu.memref_slice %arg10[%dma_start3A_56, %dma_start3A_57] : memref<10000x128xf32, #tpu.memory_space<vmem_shared>> -> memref<80x128xf32, #tpu.memory_space<vmem_shared>>
        %dma_start3A_59 = arith.constant 9680 : i32
        %dma_start3A_60 = arith.constant 0 : i32
        %dma_start3A_61 = tpu.memref_slice %arg10[%dma_start3A_59, %dma_start3A_60] : memref<10000x128xf32, #tpu.memory_space<vmem_shared>> -> memref<80x128xf32, #tpu.memory_space<vmem_shared>>
        tpu.enqueue_dma source(%arg9 : memref<80x128xf32, #tpu.memory_space<vmem>>) target(%dma_start3A_61 : memref<80x128xf32, #tpu.memory_space<vmem_shared>>) target_semaphore(%run_scoped3A : memref<!tpu.dma_semaphore, #tpu.memory_space<semaphore_mem>>)
        %dma_wait3A_62 = arith.constant 9680 : i32
        %dma_wait3A_63 = arith.constant 0 : i32
        %dma_wait3A_64 = tpu.memref_slice %arg10[%dma_wait3A_62, %dma_wait3A_63] : memref<10000x128xf32, #tpu.memory_space<vmem_shared>> -> memref<80x128xf32, #tpu.memory_space<vmem_shared>>
        %dma_wait3A_65 = arith.constant 9680 : i32
        %dma_wait3A_66 = arith.constant 0 : i32
        %dma_wait3A_67 = tpu.memref_slice %arg10[%dma_wait3A_65, %dma_wait3A_66] : memref<10000x128xf32, #tpu.memory_space<vmem_shared>> -> memref<80x128xf32, #tpu.memory_space<vmem_shared>>
        tpu.wait_dma2 semaphore(%run_scoped3A : memref<!tpu.dma_semaphore, #tpu.memory_space<semaphore_mem>>) src(%arg9 : memref<80x128xf32, #tpu.memory_space<vmem>>) dst(%dma_wait3A_67 : memref<80x128xf32, #tpu.memory_space<vmem_shared>>)
        tpu.yield
      }) : () -> ()
      "tpu.region"() ({
        %run_scoped3A = tpu.sem_alloc : memref<!tpu.dma_semaphore, #tpu.memory_space<semaphore_mem>>
        %dma_start3A_56 = arith.constant 9760 : i32
        %dma_start3A_57 = arith.constant 0 : i32
        %dma_start3A_58 = tpu.memref_slice %arg10[%dma_start3A_56, %dma_start3A_57] : memref<10000x128xf32, #tpu.memory_space<vmem_shared>> -> memref<80x128xf32, #tpu.memory_space<vmem_shared>>
        %dma_start3A_59 = arith.constant 9760 : i32
        %dma_start3A_60 = arith.constant 0 : i32
        %dma_start3A_61 = tpu.memref_slice %arg10[%dma_start3A_59, %dma_start3A_60] : memref<10000x128xf32, #tpu.memory_space<vmem_shared>> -> memref<80x128xf32, #tpu.memory_space<vmem_shared>>
        tpu.enqueue_dma source(%arg9 : memref<80x128xf32, #tpu.memory_space<vmem>>) target(%dma_start3A_61 : memref<80x128xf32, #tpu.memory_space<vmem_shared>>) target_semaphore(%run_scoped3A : memref<!tpu.dma_semaphore, #tpu.memory_space<semaphore_mem>>)
        %dma_wait3A_62 = arith.constant 9760 : i32
        %dma_wait3A_63 = arith.constant 0 : i32
        %dma_wait3A_64 = tpu.memref_slice %arg10[%dma_wait3A_62, %dma_wait3A_63] : memref<10000x128xf32, #tpu.memory_space<vmem_shared>> -> memref<80x128xf32, #tpu.memory_space<vmem_shared>>
        %dma_wait3A_65 = arith.constant 9760 : i32
        %dma_wait3A_66 = arith.constant 0 : i32
        %dma_wait3A_67 = tpu.memref_slice %arg10[%dma_wait3A_65, %dma_wait3A_66] : memref<10000x128xf32, #tpu.memory_space<vmem_shared>> -> memref<80x128xf32, #tpu.memory_space<vmem_shared>>
        tpu.wait_dma2 semaphore(%run_scoped3A : memref<!tpu.dma_semaphore, #tpu.memory_space<semaphore_mem>>) src(%arg9 : memref<80x128xf32, #tpu.memory_space<vmem>>) dst(%dma_wait3A_67 : memref<80x128xf32, #tpu.memory_space<vmem_shared>>)
        tpu.yield
      }) : () -> ()
      "tpu.region"() ({
        %run_scoped3A = tpu.sem_alloc : memref<!tpu.dma_semaphore, #tpu.memory_space<semaphore_mem>>
        %dma_start3A_56 = arith.constant 9840 : i32
        %dma_start3A_57 = arith.constant 0 : i32
        %dma_start3A_58 = tpu.memref_slice %arg10[%dma_start3A_56, %dma_start3A_57] : memref<10000x128xf32, #tpu.memory_space<vmem_shared>> -> memref<80x128xf32, #tpu.memory_space<vmem_shared>>
        %dma_start3A_59 = arith.constant 9840 : i32
        %dma_start3A_60 = arith.constant 0 : i32
        %dma_start3A_61 = tpu.memref_slice %arg10[%dma_start3A_59, %dma_start3A_60] : memref<10000x128xf32, #tpu.memory_space<vmem_shared>> -> memref<80x128xf32, #tpu.memory_space<vmem_shared>>
        tpu.enqueue_dma source(%arg9 : memref<80x128xf32, #tpu.memory_space<vmem>>) target(%dma_start3A_61 : memref<80x128xf32, #tpu.memory_space<vmem_shared>>) target_semaphore(%run_scoped3A : memref<!tpu.dma_semaphore, #tpu.memory_space<semaphore_mem>>)
        %dma_wait3A_62 = arith.constant 9840 : i32
        %dma_wait3A_63 = arith.constant 0 : i32
        %dma_wait3A_64 = tpu.memref_slice %arg10[%dma_wait3A_62, %dma_wait3A_63] : memref<10000x128xf32, #tpu.memory_space<vmem_shared>> -> memref<80x128xf32, #tpu.memory_space<vmem_shared>>
        %dma_wait3A_65 = arith.constant 9840 : i32
        %dma_wait3A_66 = arith.constant 0 : i32
        %dma_wait3A_67 = tpu.memref_slice %arg10[%dma_wait3A_65, %dma_wait3A_66] : memref<10000x128xf32, #tpu.memory_space<vmem_shared>> -> memref<80x128xf32, #tpu.memory_space<vmem_shared>>
        tpu.wait_dma2 semaphore(%run_scoped3A : memref<!tpu.dma_semaphore, #tpu.memory_space<semaphore_mem>>) src(%arg9 : memref<80x128xf32, #tpu.memory_space<vmem>>) dst(%dma_wait3A_67 : memref<80x128xf32, #tpu.memory_space<vmem_shared>>)
        tpu.yield
      }) : () -> ()
      "tpu.region"() ({
        %run_scoped3A = tpu.sem_alloc : memref<!tpu.dma_semaphore, #tpu.memory_space<semaphore_mem>>
        %dma_start3A_56 = arith.constant 9920 : i32
        %dma_start3A_57 = arith.constant 0 : i32
        %dma_start3A_58 = tpu.memref_slice %arg10[%dma_start3A_56, %dma_start3A_57] : memref<10000x128xf32, #tpu.memory_space<vmem_shared>> -> memref<80x128xf32, #tpu.memory_space<vmem_shared>>
        %dma_start3A_59 = arith.constant 9920 : i32
        %dma_start3A_60 = arith.constant 0 : i32
        %dma_start3A_61 = tpu.memref_slice %arg10[%dma_start3A_59, %dma_start3A_60] : memref<10000x128xf32, #tpu.memory_space<vmem_shared>> -> memref<80x128xf32, #tpu.memory_space<vmem_shared>>
        tpu.enqueue_dma source(%arg9 : memref<80x128xf32, #tpu.memory_space<vmem>>) target(%dma_start3A_61 : memref<80x128xf32, #tpu.memory_space<vmem_shared>>) target_semaphore(%run_scoped3A : memref<!tpu.dma_semaphore, #tpu.memory_space<semaphore_mem>>)
        %dma_wait3A_62 = arith.constant 9920 : i32
        %dma_wait3A_63 = arith.constant 0 : i32
        %dma_wait3A_64 = tpu.memref_slice %arg10[%dma_wait3A_62, %dma_wait3A_63] : memref<10000x128xf32, #tpu.memory_space<vmem_shared>> -> memref<80x128xf32, #tpu.memory_space<vmem_shared>>
        %dma_wait3A_65 = arith.constant 9920 : i32
        %dma_wait3A_66 = arith.constant 0 : i32
        %dma_wait3A_67 = tpu.memref_slice %arg10[%dma_wait3A_65, %dma_wait3A_66] : memref<10000x128xf32, #tpu.memory_space<vmem_shared>> -> memref<80x128xf32, #tpu.memory_space<vmem_shared>>
        tpu.wait_dma2 semaphore(%run_scoped3A : memref<!tpu.dma_semaphore, #tpu.memory_space<semaphore_mem>>) src(%arg9 : memref<80x128xf32, #tpu.memory_space<vmem>>) dst(%dma_wait3A_67 : memref<80x128xf32, #tpu.memory_space<vmem_shared>>)
        tpu.yield
      }) : () -> ()
    } else {
    }
    %barrier3A = arith.constant 0 : index
    tpu.barrier barrier_id(%barrier3A)
    %mul3A = arith.constant 20000 : i32
    %mul3A_11 = arith.muli %arg1, %mul3A : i32
    %add3A = arith.constant 0 : i32
    %add3A_12 = arith.addi %mul3A_11, %add3A : i32
    %dma_start3A = tpu.memref_slice %arg3[%add3A_12] : memref<320000xi32, #tpu.memory_space<hbm>> -> memref<80xi32, #tpu.memory_space<hbm>>
    %dma_start3A_13 = tpu.memref_slice %arg3[%add3A_12] : memref<320000xi32, #tpu.memory_space<hbm>> -> memref<80xi32, #tpu.memory_space<hbm>>
    tpu.enqueue_dma source(%dma_start3A_13 : memref<80xi32, #tpu.memory_space<hbm>>) target(%arg5 : memref<80xi32, #tpu.memory_space<vmem>>) target_semaphore(%arg11 : memref<!tpu.dma_semaphore, #tpu.memory_space<semaphore_mem>>)
    %dma_start3A_14 = arith.constant 0 : i32
    %dma_start3A_15 = tpu.memref_slice %arg2[%add3A_12, %dma_start3A_14] : memref<320000x256xf32, #tpu.memory_space<hbm>> -> memref<80x128xf32, #tpu.memory_space<hbm>>
    %dma_start3A_16 = arith.constant 0 : i32
    %dma_start3A_17 = tpu.memref_slice %arg2[%add3A_12, %dma_start3A_16] : memref<320000x256xf32, #tpu.memory_space<hbm>> -> memref<80x128xf32, #tpu.memory_space<hbm>>
    tpu.enqueue_dma source(%dma_start3A_17 : memref<80x128xf32, #tpu.memory_space<hbm>>) target(%arg7 : memref<80x128xf32, #tpu.memory_space<vmem>>) target_semaphore(%arg11 : memref<!tpu.dma_semaphore, #tpu.memory_space<semaphore_mem>>)
    %mul3A_18 = arith.constant 20000 : i32
    %mul3A_19 = arith.muli %arg1, %mul3A_18 : i32
    %add3A_20 = arith.constant 80 : i32
    %add3A_21 = arith.addi %mul3A_19, %add3A_20 : i32
    %dma_start3A_22 = tpu.memref_slice %arg3[%add3A_21] : memref<320000xi32, #tpu.memory_space<hbm>> -> memref<80xi32, #tpu.memory_space<hbm>>
    %dma_start3A_23 = tpu.memref_slice %arg3[%add3A_21] : memref<320000xi32, #tpu.memory_space<hbm>> -> memref<80xi32, #tpu.memory_space<hbm>>
    tpu.enqueue_dma source(%dma_start3A_23 : memref<80xi32, #tpu.memory_space<hbm>>) target(%arg6 : memref<80xi32, #tpu.memory_space<vmem>>) target_semaphore(%arg12 : memref<!tpu.dma_semaphore, #tpu.memory_space<semaphore_mem>>)
    %dma_start3A_24 = arith.constant 0 : i32
    %dma_start3A_25 = tpu.memref_slice %arg2[%add3A_21, %dma_start3A_24] : memref<320000x256xf32, #tpu.memory_space<hbm>> -> memref<80x128xf32, #tpu.memory_space<hbm>>
    %dma_start3A_26 = arith.constant 0 : i32
    %dma_start3A_27 = tpu.memref_slice %arg2[%add3A_21, %dma_start3A_26] : memref<320000x256xf32, #tpu.memory_space<hbm>> -> memref<80x128xf32, #tpu.memory_space<hbm>>
    tpu.enqueue_dma source(%dma_start3A_27 : memref<80x128xf32, #tpu.memory_space<hbm>>) target(%arg8 : memref<80x128xf32, #tpu.memory_space<vmem>>) target_semaphore(%arg12 : memref<!tpu.dma_semaphore, #tpu.memory_space<semaphore_mem>>)
    %scan3A_28 = arith.constant 0 : i32
    %scan3A_29 = arith.constant 0 : i32
    %scan3A_30 = arith.constant 125 : i32
    %scan3A_31 = arith.addi %scan3A_29, %scan3A_30 : i32
    %scan3A_32 = arith.constant 1 : i32
    scf.for %scan3A_56 = %scan3A_29 to %scan3A_31 step %scan3A_32  : i32 {
      %mul3A_57 = arith.constant 2 : i32
      %mul3A_58 = arith.muli %mul3A_57, %scan3A_56 : i32
      %dma_wait3A_59 = arith.constant 0 : i32
      %dma_wait3A_60 = tpu.memref_slice %arg3[%dma_wait3A_59] : memref<320000xi32, #tpu.memory_space<hbm>> -> memref<80xi32, #tpu.memory_space<hbm>>
      %dma_wait3A_61 = arith.constant 0 : i32
      %dma_wait3A_62 = tpu.memref_slice %arg3[%dma_wait3A_61] : memref<320000xi32, #tpu.memory_space<hbm>> -> memref<80xi32, #tpu.memory_space<hbm>>
      tpu.wait_dma2 semaphore(%arg11 : memref<!tpu.dma_semaphore, #tpu.memory_space<semaphore_mem>>) src(%dma_wait3A_62 : memref<80xi32, #tpu.memory_space<hbm>>) dst(%arg5 : memref<80xi32, #tpu.memory_space<vmem>>)
      %dma_wait3A_63 = arith.constant 0 : i32
      %dma_wait3A_64 = arith.constant 0 : i32
      %dma_wait3A_65 = tpu.memref_slice %arg2[%dma_wait3A_63, %dma_wait3A_64] : memref<320000x256xf32, #tpu.memory_space<hbm>> -> memref<80x128xf32, #tpu.memory_space<hbm>>
      %dma_wait3A_66 = arith.constant 0 : i32
      %dma_wait3A_67 = arith.constant 0 : i32
      %dma_wait3A_68 = tpu.memref_slice %arg2[%dma_wait3A_66, %dma_wait3A_67] : memref<320000x256xf32, #tpu.memory_space<hbm>> -> memref<80x128xf32, #tpu.memory_space<hbm>>
      tpu.wait_dma2 semaphore(%arg11 : memref<!tpu.dma_semaphore, #tpu.memory_space<semaphore_mem>>) src(%dma_wait3A_68 : memref<80x128xf32, #tpu.memory_space<hbm>>) dst(%arg7 : memref<80x128xf32, #tpu.memory_space<vmem>>)
      %dma_start3A_69 = arith.constant 0 : i32
      %dma_start3A_70 = arith.constant 0 : i32
      %dma_start3A_71 = tpu.memref_slice %arg10[%dma_start3A_69, %dma_start3A_70] : memref<10000x128xf32, #tpu.memory_space<vmem_shared>> -> memref<10000x128xf32, #tpu.memory_space<vmem_shared>>
      tpu.enqueue_indirect_dma source(%arg7 : memref<80x128xf32, #tpu.memory_space<vmem>>) target(%dma_start3A_71 : memref<10000x128xf32, #tpu.memory_space<vmem_shared>>) offsets(%arg5 : memref<80xi32, #tpu.memory_space<vmem>>) semaphore(%arg13 : memref<!tpu.dma_semaphore, #tpu.memory_space<semaphore_mem>>) {add = true}
      %dma_wait3A_72 = arith.constant 0 : i32
      %dma_wait3A_73 = tpu.memref_slice %arg3[%dma_wait3A_72] : memref<320000xi32, #tpu.memory_space<hbm>> -> memref<80xi32, #tpu.memory_space<hbm>>
      %dma_wait3A_74 = arith.constant 0 : i32
      %dma_wait3A_75 = tpu.memref_slice %arg3[%dma_wait3A_74] : memref<320000xi32, #tpu.memory_space<hbm>> -> memref<80xi32, #tpu.memory_space<hbm>>
      tpu.wait_dma2 semaphore(%arg12 : memref<!tpu.dma_semaphore, #tpu.memory_space<semaphore_mem>>) src(%dma_wait3A_75 : memref<80xi32, #tpu.memory_space<hbm>>) dst(%arg6 : memref<80xi32, #tpu.memory_space<vmem>>)
      %dma_wait3A_76 = arith.constant 0 : i32
      %dma_wait3A_77 = arith.constant 0 : i32
      %dma_wait3A_78 = tpu.memref_slice %arg2[%dma_wait3A_76, %dma_wait3A_77] : memref<320000x256xf32, #tpu.memory_space<hbm>> -> memref<80x128xf32, #tpu.memory_space<hbm>>
      %dma_wait3A_79 = arith.constant 0 : i32
      %dma_wait3A_80 = arith.constant 0 : i32
      %dma_wait3A_81 = tpu.memref_slice %arg2[%dma_wait3A_79, %dma_wait3A_80] : memref<320000x256xf32, #tpu.memory_space<hbm>> -> memref<80x128xf32, #tpu.memory_space<hbm>>
      tpu.wait_dma2 semaphore(%arg12 : memref<!tpu.dma_semaphore, #tpu.memory_space<semaphore_mem>>) src(%dma_wait3A_81 : memref<80x128xf32, #tpu.memory_space<hbm>>) dst(%arg8 : memref<80x128xf32, #tpu.memory_space<vmem>>)
      %dma_start3A_82 = arith.constant 0 : i32
      %dma_start3A_83 = arith.constant 0 : i32
      %dma_start3A_84 = tpu.memref_slice %arg10[%dma_start3A_82, %dma_start3A_83] : memref<10000x128xf32, #tpu.memory_space<vmem_shared>> -> memref<10000x128xf32, #tpu.memory_space<vmem_shared>>
      tpu.enqueue_indirect_dma source(%arg8 : memref<80x128xf32, #tpu.memory_space<vmem>>) target(%dma_start3A_84 : memref<10000x128xf32, #tpu.memory_space<vmem_shared>>) offsets(%arg6 : memref<80xi32, #tpu.memory_space<vmem>>) semaphore(%arg14 : memref<!tpu.dma_semaphore, #tpu.memory_space<semaphore_mem>>) {add = true}
      %add3A_85 = arith.constant 2 : i32
      %add3A_86 = arith.addi %mul3A_58, %add3A_85 : i32
      %lt3A_87 = arith.constant 250 : i32
      %lt3A_88 = arith.cmpi slt, %add3A_86, %lt3A_87 : i32
      %convert_element_type3A_89 = arith.extui %lt3A_88 : i1 to i32
      %cond3A_90 = arith.constant 0 : i32
      %cond3A_91 = arith.cmpi ne, %convert_element_type3A_89, %cond3A_90 : i32
      scf.if %cond3A_91 {
        %dma_wait3A_92 = arith.constant 0 : i32
        %dma_wait3A_93 = arith.constant 0 : i32
        %dma_wait3A_94 = tpu.memref_slice %arg10[%dma_wait3A_92, %dma_wait3A_93] : memref<10000x128xf32, #tpu.memory_space<vmem_shared>> -> memref<80x128xf32, #tpu.memory_space<vmem_shared>>
        %dma_wait3A_95 = arith.constant 0 : i32
        %dma_wait3A_96 = arith.constant 0 : i32
        %dma_wait3A_97 = tpu.memref_slice %arg10[%dma_wait3A_95, %dma_wait3A_96] : memref<10000x128xf32, #tpu.memory_space<vmem_shared>> -> memref<80x128xf32, #tpu.memory_space<vmem_shared>>
        tpu.wait_dma2 semaphore(%arg13 : memref<!tpu.dma_semaphore, #tpu.memory_space<semaphore_mem>>) src(%arg7 : memref<80x128xf32, #tpu.memory_space<vmem>>) dst(%dma_wait3A_97 : memref<80x128xf32, #tpu.memory_space<vmem_shared>>)
        %add3A_98 = arith.constant 2 : i32
        %add3A_99 = arith.addi %mul3A_58, %add3A_98 : i32
        %mul3A_100 = arith.constant 20000 : i32
        %mul3A_101 = arith.muli %arg1, %mul3A_100 : i32
        %mul3A_102 = arith.constant 80 : i32
        %mul3A_103 = arith.muli %add3A_99, %mul3A_102 : i32
        %add3A_104 = arith.addi %mul3A_101, %mul3A_103 : i32
        %dma_start3A_105 = tpu.memref_slice %arg3[%add3A_104] : memref<320000xi32, #tpu.memory_space<hbm>> -> memref<80xi32, #tpu.memory_space<hbm>>
        %dma_start3A_106 = tpu.memref_slice %arg3[%add3A_104] : memref<320000xi32, #tpu.memory_space<hbm>> -> memref<80xi32, #tpu.memory_space<hbm>>
        tpu.enqueue_dma source(%dma_start3A_106 : memref<80xi32, #tpu.memory_space<hbm>>) target(%arg5 : memref<80xi32, #tpu.memory_space<vmem>>) target_semaphore(%arg11 : memref<!tpu.dma_semaphore, #tpu.memory_space<semaphore_mem>>)
        %dma_start3A_107 = arith.constant 0 : i32
        %dma_start3A_108 = tpu.memref_slice %arg2[%add3A_104, %dma_start3A_107] : memref<320000x256xf32, #tpu.memory_space<hbm>> -> memref<80x128xf32, #tpu.memory_space<hbm>>
        %dma_start3A_109 = arith.constant 0 : i32
        %dma_start3A_110 = tpu.memref_slice %arg2[%add3A_104, %dma_start3A_109] : memref<320000x256xf32, #tpu.memory_space<hbm>> -> memref<80x128xf32, #tpu.memory_space<hbm>>
        tpu.enqueue_dma source(%dma_start3A_110 : memref<80x128xf32, #tpu.memory_space<hbm>>) target(%arg7 : memref<80x128xf32, #tpu.memory_space<vmem>>) target_semaphore(%arg11 : memref<!tpu.dma_semaphore, #tpu.memory_space<semaphore_mem>>)
        %dma_wait3A_111 = arith.constant 0 : i32
        %dma_wait3A_112 = arith.constant 0 : i32
        %dma_wait3A_113 = tpu.memref_slice %arg10[%dma_wait3A_111, %dma_wait3A_112] : memref<10000x128xf32, #tpu.memory_space<vmem_shared>> -> memref<80x128xf32, #tpu.memory_space<vmem_shared>>
        %dma_wait3A_114 = arith.constant 0 : i32
        %dma_wait3A_115 = arith.constant 0 : i32
        %dma_wait3A_116 = tpu.memref_slice %arg10[%dma_wait3A_114, %dma_wait3A_115] : memref<10000x128xf32, #tpu.memory_space<vmem_shared>> -> memref<80x128xf32, #tpu.memory_space<vmem_shared>>
        tpu.wait_dma2 semaphore(%arg14 : memref<!tpu.dma_semaphore, #tpu.memory_space<semaphore_mem>>) src(%arg8 : memref<80x128xf32, #tpu.memory_space<vmem>>) dst(%dma_wait3A_116 : memref<80x128xf32, #tpu.memory_space<vmem_shared>>)
        %add3A_117 = arith.constant 3 : i32
        %add3A_118 = arith.addi %mul3A_58, %add3A_117 : i32
        %mul3A_119 = arith.constant 20000 : i32
        %mul3A_120 = arith.muli %arg1, %mul3A_119 : i32
        %mul3A_121 = arith.constant 80 : i32
        %mul3A_122 = arith.muli %add3A_118, %mul3A_121 : i32
        %add3A_123 = arith.addi %mul3A_120, %mul3A_122 : i32
        %dma_start3A_124 = tpu.memref_slice %arg3[%add3A_123] : memref<320000xi32, #tpu.memory_space<hbm>> -> memref<80xi32, #tpu.memory_space<hbm>>
        %dma_start3A_125 = tpu.memref_slice %arg3[%add3A_123] : memref<320000xi32, #tpu.memory_space<hbm>> -> memref<80xi32, #tpu.memory_space<hbm>>
        tpu.enqueue_dma source(%dma_start3A_125 : memref<80xi32, #tpu.memory_space<hbm>>) target(%arg6 : memref<80xi32, #tpu.memory_space<vmem>>) target_semaphore(%arg12 : memref<!tpu.dma_semaphore, #tpu.memory_space<semaphore_mem>>)
        %dma_start3A_126 = arith.constant 0 : i32
        %dma_start3A_127 = tpu.memref_slice %arg2[%add3A_123, %dma_start3A_126] : memref<320000x256xf32, #tpu.memory_space<hbm>> -> memref<80x128xf32, #tpu.memory_space<hbm>>
        %dma_start3A_128 = arith.constant 0 : i32
        %dma_start3A_129 = tpu.memref_slice %arg2[%add3A_123, %dma_start3A_128] : memref<320000x256xf32, #tpu.memory_space<hbm>> -> memref<80x128xf32, #tpu.memory_space<hbm>>
        tpu.enqueue_dma source(%dma_start3A_129 : memref<80x128xf32, #tpu.memory_space<hbm>>) target(%arg8 : memref<80x128xf32, #tpu.memory_space<vmem>>) target_semaphore(%arg12 : memref<!tpu.dma_semaphore, #tpu.memory_space<semaphore_mem>>)
      } else {
      }
    }
    %scan3A_33 = arith.constant 125 : i32
    %dma_wait3A = arith.constant 0 : i32
    %dma_wait3A_34 = arith.constant 0 : i32
    %dma_wait3A_35 = tpu.memref_slice %arg10[%dma_wait3A, %dma_wait3A_34] : memref<10000x128xf32, #tpu.memory_space<vmem_shared>> -> memref<80x128xf32, #tpu.memory_space<vmem_shared>>
    %dma_wait3A_36 = arith.constant 0 : i32
    %dma_wait3A_37 = arith.constant 0 : i32
    %dma_wait3A_38 = tpu.memref_slice %arg10[%dma_wait3A_36, %dma_wait3A_37] : memref<10000x128xf32, #tpu.memory_space<vmem_shared>> -> memref<80x128xf32, #tpu.memory_space<vmem_shared>>
    tpu.wait_dma2 semaphore(%arg13 : memref<!tpu.dma_semaphore, #tpu.memory_space<semaphore_mem>>) src(%arg7 : memref<80x128xf32, #tpu.memory_space<vmem>>) dst(%dma_wait3A_38 : memref<80x128xf32, #tpu.memory_space<vmem_shared>>)
    %dma_wait3A_39 = arith.constant 0 : i32
    %dma_wait3A_40 = arith.constant 0 : i32
    %dma_wait3A_41 = tpu.memref_slice %arg10[%dma_wait3A_39, %dma_wait3A_40] : memref<10000x128xf32, #tpu.memory_space<vmem_shared>> -> memref<80x128xf32, #tpu.memory_space<vmem_shared>>
    %dma_wait3A_42 = arith.constant 0 : i32
    %dma_wait3A_43 = arith.constant 0 : i32
    %dma_wait3A_44 = tpu.memref_slice %arg10[%dma_wait3A_42, %dma_wait3A_43] : memref<10000x128xf32, #tpu.memory_space<vmem_shared>> -> memref<80x128xf32, #tpu.memory_space<vmem_shared>>
    tpu.wait_dma2 semaphore(%arg14 : memref<!tpu.dma_semaphore, #tpu.memory_space<semaphore_mem>>) src(%arg8 : memref<80x128xf32, #tpu.memory_space<vmem>>) dst(%dma_wait3A_44 : memref<80x128xf32, #tpu.memory_space<vmem_shared>>)
    %barrier3A_45 = arith.constant 0 : index
    tpu.barrier barrier_id(%barrier3A_45)
    %lt3A_46 = arith.constant 15 : i32
    %lt3A_47 = arith.cmpi slt, %arg1, %lt3A_46 : i32
    %convert_element_type3A_48 = arith.extui %lt3A_47 : i1 to i32
    %cond3A_49 = arith.constant 0 : i32
    %cond3A_50 = arith.cmpi ne, %convert_element_type3A_48, %cond3A_49 : i32
    scf.if %cond3A_50 {
      %mul3A_56 = arith.constant 640 : i32
      %mul3A_57 = arith.muli %arg1, %mul3A_56 : i32
      %mul3A_58 = arith.constant 640 : i32
      %mul3A_59 = arith.muli %arg1, %mul3A_58 : i32
      "tpu.region"() ({
        %run_scoped3A = tpu.sem_alloc : memref<!tpu.dma_semaphore, #tpu.memory_space<semaphore_mem>>
        %dma_start3A_60 = arith.constant 0 : i32
        %dma_start3A_61 = tpu.memref_slice %arg4[%mul3A_59, %dma_start3A_60] : memref<10000x128xf32, #tpu.memory_space<hbm>> -> memref<640x128xf32, #tpu.memory_space<hbm>>
        %dma_start3A_62 = arith.constant 0 : i32
        %dma_start3A_63 = tpu.memref_slice %arg10[%mul3A_57, %dma_start3A_62] : memref<10000x128xf32, #tpu.memory_space<vmem_shared>> -> memref<640x128xf32, #tpu.memory_space<vmem_shared>>
        tpu.enqueue_dma source(%dma_start3A_63 : memref<640x128xf32, #tpu.memory_space<vmem_shared>>) target(%dma_start3A_61 : memref<640x128xf32, #tpu.memory_space<hbm>>) target_semaphore(%run_scoped3A : memref<!tpu.dma_semaphore, #tpu.memory_space<semaphore_mem>>)
        %dma_wait3A_64 = arith.constant 0 : i32
        %dma_wait3A_65 = tpu.memref_slice %arg4[%mul3A_59, %dma_wait3A_64] : memref<10000x128xf32, #tpu.memory_space<hbm>> -> memref<640x128xf32, #tpu.memory_space<hbm>>
        %dma_wait3A_66 = arith.constant 0 : i32
        %dma_wait3A_67 = tpu.memref_slice %arg10[%mul3A_57, %dma_wait3A_66] : memref<10000x128xf32, #tpu.memory_space<vmem_shared>> -> memref<640x128xf32, #tpu.memory_space<vmem_shared>>
        tpu.wait_dma2 semaphore(%run_scoped3A : memref<!tpu.dma_semaphore, #tpu.memory_space<semaphore_mem>>) src(%dma_wait3A_67 : memref<640x128xf32, #tpu.memory_space<vmem_shared>>) dst(%dma_wait3A_65 : memref<640x128xf32, #tpu.memory_space<hbm>>)
        tpu.yield
      }) : () -> ()
    } else {
    }
    %eq3A_51 = arith.constant 15 : i32
    %eq3A_52 = arith.cmpi eq, %arg1, %eq3A_51 : i32
    %convert_element_type3A_53 = arith.extui %eq3A_52 : i1 to i32
    %cond3A_54 = arith.constant 0 : i32
    %cond3A_55 = arith.cmpi ne, %convert_element_type3A_53, %cond3A_54 : i32
    scf.if %cond3A_55 {
      "tpu.region"() ({
        %run_scoped3A = tpu.sem_alloc : memref<!tpu.dma_semaphore, #tpu.memory_space<semaphore_mem>>
        %dma_start3A_56 = arith.constant 9600 : i32
        %dma_start3A_57 = arith.constant 0 : i32
        %dma_start3A_58 = tpu.memref_slice %arg4[%dma_start3A_56, %dma_start3A_57] : memref<10000x128xf32, #tpu.memory_space<hbm>> -> memref<400x128xf32, #tpu.memory_space<hbm>>
        %dma_start3A_59 = arith.constant 9600 : i32
        %dma_start3A_60 = arith.constant 0 : i32
        %dma_start3A_61 = tpu.memref_slice %arg10[%dma_start3A_59, %dma_start3A_60] : memref<10000x128xf32, #tpu.memory_space<vmem_shared>> -> memref<400x128xf32, #tpu.memory_space<vmem_shared>>
        tpu.enqueue_dma source(%dma_start3A_61 : memref<400x128xf32, #tpu.memory_space<vmem_shared>>) target(%dma_start3A_58 : memref<400x128xf32, #tpu.memory_space<hbm>>) target_semaphore(%run_scoped3A : memref<!tpu.dma_semaphore, #tpu.memory_space<semaphore_mem>>)
        %dma_wait3A_62 = arith.constant 9600 : i32
        %dma_wait3A_63 = arith.constant 0 : i32
        %dma_wait3A_64 = tpu.memref_slice %arg4[%dma_wait3A_62, %dma_wait3A_63] : memref<10000x128xf32, #tpu.memory_space<hbm>> -> memref<400x128xf32, #tpu.memory_space<hbm>>
        %dma_wait3A_65 = arith.constant 9600 : i32
        %dma_wait3A_66 = arith.constant 0 : i32
        %dma_wait3A_67 = tpu.memref_slice %arg10[%dma_wait3A_65, %dma_wait3A_66] : memref<10000x128xf32, #tpu.memory_space<vmem_shared>> -> memref<400x128xf32, #tpu.memory_space<vmem_shared>>
        tpu.wait_dma2 semaphore(%run_scoped3A : memref<!tpu.dma_semaphore, #tpu.memory_space<semaphore_mem>>) src(%dma_wait3A_67 : memref<400x128xf32, #tpu.memory_space<vmem_shared>>) dst(%dma_wait3A_64 : memref<400x128xf32, #tpu.memory_space<hbm>>)
        tpu.yield
      }) : () -> ()
    } else {
    }
    return
  }
}

module attributes {stable_mosaic.version = 14 : i64} {
  func.func @_dense_prep_body(%arg0: memref<10000x128xf32, #tpu.memory_space<vmem>>, %arg1: memref<128x128xf32, #tpu.memory_space<vmem>>, %arg2: memref<1x128xf32, #tpu.memory_space<vmem>>, %arg3: memref<128x128xf32, #tpu.memory_space<vmem>>, %arg4: memref<1x128xf32, #tpu.memory_space<vmem>>, %arg5: memref<10000x128xf32, #tpu.memory_space<vmem>>, %arg6: memref<10000x128xf32, #tpu.memory_space<vmem>>) attributes {dimension_semantics = [], scalar_prefetch = 0 : i64, scratch_operands = 0 : i64, tpu.core_type = #tpu.core_type<tc>} {
    %get3A = arith.constant 0 : index
    %get3A_0 = arith.constant 0 : index
    %get3A_1 = vector.load %arg0[%get3A, %get3A_0] : memref<10000x128xf32, #tpu.memory_space<vmem>>, vector<10000x128xf32>
    %get3A_2 = arith.constant 0 : index
    %get3A_3 = arith.constant 0 : index
    %get3A_4 = vector.load %arg1[%get3A_2, %get3A_3] : memref<128x128xf32, #tpu.memory_space<vmem>>, vector<128x128xf32>
    %dot_general3A = arith.constant dense<0.000000e+00> : vector<10000x128xf32>
    %dot_general3A_5 = tpu.matmul %get3A_1, %get3A_4, %dot_general3A {dimension_numbers = #tpu.dot_dimension_numbers<[1], [0], [0], [1], [0, 0, 1, 1], [], []>, precision = #tpu.contract_precision<fp32>, transpose_lhs_hint = false} : vector<10000x128xf32>, vector<128x128xf32>, vector<10000x128xf32> -> vector<10000x128xf32>
    %get3A_6 = arith.constant 0 : index
    %get3A_7 = arith.constant 0 : index
    %get3A_8 = vector.load %arg2[%get3A_6, %get3A_7] : memref<1x128xf32, #tpu.memory_space<vmem>>, vector<1x128xf32>
    %add3A = vector.broadcast %get3A_8 : vector<1x128xf32> to vector<10000x128xf32>
    %add3A_9 = arith.addf %dot_general3A_5, %add3A : vector<10000x128xf32>
    %swap3A = arith.constant 0 : index
    %swap3A_10 = arith.constant 0 : index
    %swap3A_11 = vector.load %arg5[%swap3A, %swap3A_10] : memref<10000x128xf32, #tpu.memory_space<vmem>>, vector<10000x128xf32>
    tpu.vector_store %arg5[%swap3A, %swap3A_10], %add3A_9 {strides = array<i32>} : memref<10000x128xf32, #tpu.memory_space<vmem>>, vector<10000x128xf32>,
    %get3A_12 = arith.constant 0 : index
    %get3A_13 = arith.constant 0 : index
    %get3A_14 = vector.load %arg3[%get3A_12, %get3A_13] : memref<128x128xf32, #tpu.memory_space<vmem>>, vector<128x128xf32>
    %dot_general3A_15 = arith.constant dense<0.000000e+00> : vector<10000x128xf32>
    %dot_general3A_16 = tpu.matmul %get3A_1, %get3A_14, %dot_general3A_15 {dimension_numbers = #tpu.dot_dimension_numbers<[1], [0], [0], [1], [0, 0, 1, 1], [], []>, precision = #tpu.contract_precision<fp32>, transpose_lhs_hint = false} : vector<10000x128xf32>, vector<128x128xf32>, vector<10000x128xf32> -> vector<10000x128xf32>
    %get3A_17 = arith.constant 0 : index
    %get3A_18 = arith.constant 0 : index
    %get3A_19 = vector.load %arg4[%get3A_17, %get3A_18] : memref<1x128xf32, #tpu.memory_space<vmem>>, vector<1x128xf32>
    %add3A_20 = vector.broadcast %get3A_19 : vector<1x128xf32> to vector<10000x128xf32>
    %add3A_21 = arith.addf %dot_general3A_16, %add3A_20 : vector<10000x128xf32>
    %swap3A_22 = arith.constant 0 : index
    %swap3A_23 = arith.constant 0 : index
    %swap3A_24 = vector.load %arg6[%swap3A_22, %swap3A_23] : memref<10000x128xf32, #tpu.memory_space<vmem>>, vector<10000x128xf32>
    tpu.vector_store %arg6[%swap3A_22, %swap3A_23], %add3A_21 {strides = array<i32>} : memref<10000x128xf32, #tpu.memory_space<vmem>>, vector<10000x128xf32>,
    return
  }
}

module attributes {stable_mosaic.version = 14 : i64} {
  func.func @_edge_chain_body(%arg0: i32, %arg1: memref<512x16xf32, #tpu.memory_space<vmem>>, %arg2: memref<512x128xf32, #tpu.memory_space<vmem>>, %arg3: memref<512x128xf32, #tpu.memory_space<vmem>>, %arg4: memref<16x128xf32, #tpu.memory_space<vmem>>, %arg5: memref<1x128xf32, #tpu.memory_space<vmem>>, %arg6: memref<16x128xf32, #tpu.memory_space<vmem>>, %arg7: memref<1x128xf32, #tpu.memory_space<vmem>>, %arg8: memref<128x128xf32, #tpu.memory_space<vmem>>, %arg9: memref<128x128xf32, #tpu.memory_space<vmem>>, %arg10: memref<1x128xf32, #tpu.memory_space<vmem>>, %arg11: memref<128x128xf32, #tpu.memory_space<vmem>>, %arg12: memref<1x128xf32, #tpu.memory_space<vmem>>, %arg13: memref<512x256xf32, #tpu.memory_space<vmem>>) attributes {dimension_semantics = [#tpu.dimension_semantics<arbitrary>], iteration_bounds = array<i64: 625>, scalar_prefetch = 0 : i64, scratch_operands = 0 : i64, tpu.core_type = #tpu.core_type<tc>, window_params = [{transform_indices = @transform_0, window_bounds = array<i64: 512, 16>}, {transform_indices = @transform_1, window_bounds = array<i64: 512, 128>}, {transform_indices = @transform_2, window_bounds = array<i64: 512, 128>}, {pipeline_mode = #tpu.pipeline_mode<synchronous>, transform_indices = @transform_3, window_bounds = array<i64: 16, 128>}, {pipeline_mode = #tpu.pipeline_mode<synchronous>, transform_indices = @transform_4, window_bounds = array<i64: 1, 128>}, {pipeline_mode = #tpu.pipeline_mode<synchronous>, transform_indices = @transform_5, window_bounds = array<i64: 16, 128>}, {pipeline_mode = #tpu.pipeline_mode<synchronous>, transform_indices = @transform_6, window_bounds = array<i64: 1, 128>}, {pipeline_mode = #tpu.pipeline_mode<synchronous>, transform_indices = @transform_7, window_bounds = array<i64: 128, 128>}, {pipeline_mode = #tpu.pipeline_mode<synchronous>, transform_indices = @transform_8, window_bounds = array<i64: 128, 128>}, {pipeline_mode = #tpu.pipeline_mode<synchronous>, transform_indices = @transform_9, window_bounds = array<i64: 1, 128>}, {pipeline_mode = #tpu.pipeline_mode<synchronous>, transform_indices = @transform_10, window_bounds = array<i64: 128, 128>}, {pipeline_mode = #tpu.pipeline_mode<synchronous>, transform_indices = @transform_11, window_bounds = array<i64: 1, 128>}, {transform_indices = @transform_12, window_bounds = array<i64: 512, 256>}]} {
    %get3A = arith.constant 0 : index
    %get3A_0 = arith.constant 0 : index
    %get3A_1 = vector.load %arg1[%get3A, %get3A_0] : memref<512x16xf32, #tpu.memory_space<vmem>>, vector<512x16xf32>
    %get3A_2 = arith.constant 0 : index
    %get3A_3 = arith.constant 0 : index
    %get3A_4 = vector.load %arg4[%get3A_2, %get3A_3] : memref<16x128xf32, #tpu.memory_space<vmem>>, vector<16x128xf32>
    %convert_element_type3A = arith.truncf %get3A_1 : vector<512x16xf32> to vector<512x16xbf16>
    %convert_element_type3A_5 = arith.truncf %get3A_4 : vector<16x128xf32> to vector<16x128xbf16>
    %convert_element_type3A_6 = arith.extf %convert_element_type3A : vector<512x16xbf16> to vector<512x16xf32>
    %sub3A = arith.subf %get3A_1, %convert_element_type3A_6 : vector<512x16xf32>
    %convert_element_type3A_7 = arith.truncf %sub3A : vector<512x16xf32> to vector<512x16xbf16>
    %convert_element_type3A_8 = arith.extf %convert_element_type3A_5 : vector<16x128xbf16> to vector<16x128xf32>
    %sub3A_9 = arith.subf %get3A_4, %convert_element_type3A_8 : vector<16x128xf32>
    %convert_element_type3A_10 = arith.truncf %sub3A_9 : vector<16x128xf32> to vector<16x128xbf16>
    %dot_general3A = arith.constant dense<0.000000e+00> : vector<512x128xf32>
    %dot_general3A_11 = tpu.matmul %convert_element_type3A, %convert_element_type3A_5, %dot_general3A {dimension_numbers = #tpu.dot_dimension_numbers<[1], [0], [0], [1], [0, 0, 1, 1], [], []>, transpose_lhs_hint = false} : vector<512x16xbf16>, vector<16x128xbf16>, vector<512x128xf32> -> vector<512x128xf32>
    %dot_general3A_12 = arith.constant dense<0.000000e+00> : vector<512x128xf32>
    %dot_general3A_13 = tpu.matmul %convert_element_type3A_7, %convert_element_type3A_5, %dot_general3A_12 {dimension_numbers = #tpu.dot_dimension_numbers<[1], [0], [0], [1], [0, 0, 1, 1], [], []>, transpose_lhs_hint = false} : vector<512x16xbf16>, vector<16x128xbf16>, vector<512x128xf32> -> vector<512x128xf32>
    %add3A = arith.addf %dot_general3A_11, %dot_general3A_13 : vector<512x128xf32>
    %dot_general3A_14 = arith.constant dense<0.000000e+00> : vector<512x128xf32>
    %dot_general3A_15 = tpu.matmul %convert_element_type3A, %convert_element_type3A_10, %dot_general3A_14 {dimension_numbers = #tpu.dot_dimension_numbers<[1], [0], [0], [1], [0, 0, 1, 1], [], []>, transpose_lhs_hint = false} : vector<512x16xbf16>, vector<16x128xbf16>, vector<512x128xf32> -> vector<512x128xf32>
    %add3A_16 = arith.addf %add3A, %dot_general3A_15 : vector<512x128xf32>
    %get3A_17 = arith.constant 0 : index
    %get3A_18 = arith.constant 0 : index
    %get3A_19 = vector.load %arg5[%get3A_17, %get3A_18] : memref<1x128xf32, #tpu.memory_space<vmem>>, vector<1x128xf32>
    %add3A_20 = vector.broadcast %get3A_19 : vector<1x128xf32> to vector<512x128xf32>
    %add3A_21 = arith.addf %add3A_16, %add3A_20 : vector<512x128xf32>
    %max3A = arith.constant 0.000000e+00 : f32
    %max3A_22 = vector.broadcast %max3A : f32 to vector<512x128xf32>
    %max3A_23 = arith.maximumf %add3A_21, %max3A_22 : vector<512x128xf32>
    %get3A_24 = arith.constant 0 : index
    %get3A_25 = arith.constant 0 : index
    %get3A_26 = vector.load %arg6[%get3A_24, %get3A_25] : memref<16x128xf32, #tpu.memory_space<vmem>>, vector<16x128xf32>
    %convert_element_type3A_27 = arith.truncf %get3A_1 : vector<512x16xf32> to vector<512x16xbf16>
    %convert_element_type3A_28 = arith.truncf %get3A_26 : vector<16x128xf32> to vector<16x128xbf16>
    %convert_element_type3A_29 = arith.extf %convert_element_type3A_27 : vector<512x16xbf16> to vector<512x16xf32>
    %sub3A_30 = arith.subf %get3A_1, %convert_element_type3A_29 : vector<512x16xf32>
    %convert_element_type3A_31 = arith.truncf %sub3A_30 : vector<512x16xf32> to vector<512x16xbf16>
    %convert_element_type3A_32 = arith.extf %convert_element_type3A_28 : vector<16x128xbf16> to vector<16x128xf32>
    %sub3A_33 = arith.subf %get3A_26, %convert_element_type3A_32 : vector<16x128xf32>
    %convert_element_type3A_34 = arith.truncf %sub3A_33 : vector<16x128xf32> to vector<16x128xbf16>
    %dot_general3A_35 = arith.constant dense<0.000000e+00> : vector<512x128xf32>
    %dot_general3A_36 = tpu.matmul %convert_element_type3A_27, %convert_element_type3A_28, %dot_general3A_35 {dimension_numbers = #tpu.dot_dimension_numbers<[1], [0], [0], [1], [0, 0, 1, 1], [], []>, transpose_lhs_hint = false} : vector<512x16xbf16>, vector<16x128xbf16>, vector<512x128xf32> -> vector<512x128xf32>
    %dot_general3A_37 = arith.constant dense<0.000000e+00> : vector<512x128xf32>
    %dot_general3A_38 = tpu.matmul %convert_element_type3A_31, %convert_element_type3A_28, %dot_general3A_37 {dimension_numbers = #tpu.dot_dimension_numbers<[1], [0], [0], [1], [0, 0, 1, 1], [], []>, transpose_lhs_hint = false} : vector<512x16xbf16>, vector<16x128xbf16>, vector<512x128xf32> -> vector<512x128xf32>
    %add3A_39 = arith.addf %dot_general3A_36, %dot_general3A_38 : vector<512x128xf32>
    %dot_general3A_40 = arith.constant dense<0.000000e+00> : vector<512x128xf32>
    %dot_general3A_41 = tpu.matmul %convert_element_type3A_27, %convert_element_type3A_34, %dot_general3A_40 {dimension_numbers = #tpu.dot_dimension_numbers<[1], [0], [0], [1], [0, 0, 1, 1], [], []>, transpose_lhs_hint = false} : vector<512x16xbf16>, vector<16x128xbf16>, vector<512x128xf32> -> vector<512x128xf32>
    %add3A_42 = arith.addf %add3A_39, %dot_general3A_41 : vector<512x128xf32>
    %get3A_43 = arith.constant 0 : index
    %get3A_44 = arith.constant 0 : index
    %get3A_45 = vector.load %arg7[%get3A_43, %get3A_44] : memref<1x128xf32, #tpu.memory_space<vmem>>, vector<1x128xf32>
    %add3A_46 = vector.broadcast %get3A_45 : vector<1x128xf32> to vector<512x128xf32>
    %add3A_47 = arith.addf %add3A_42, %add3A_46 : vector<512x128xf32>
    %max3A_48 = arith.constant 0.000000e+00 : f32
    %max3A_49 = vector.broadcast %max3A_48 : f32 to vector<512x128xf32>
    %max3A_50 = arith.maximumf %add3A_47, %max3A_49 : vector<512x128xf32>
    %get3A_51 = arith.constant 0 : index
    %get3A_52 = arith.constant 0 : index
    %get3A_53 = vector.load %arg2[%get3A_51, %get3A_52] : memref<512x128xf32, #tpu.memory_space<vmem>>, vector<512x128xf32>
    %get3A_54 = arith.constant 0 : index
    %get3A_55 = arith.constant 0 : index
    %get3A_56 = vector.load %arg3[%get3A_54, %get3A_55] : memref<512x128xf32, #tpu.memory_space<vmem>>, vector<512x128xf32>
    %add3A_57 = arith.addf %get3A_53, %get3A_56 : vector<512x128xf32>
    %max3A_58 = arith.constant 0.000000e+00 : f32
    %max3A_59 = vector.broadcast %max3A_58 : f32 to vector<512x128xf32>
    %max3A_60 = arith.maximumf %add3A_57, %max3A_59 : vector<512x128xf32>
    %get3A_61 = arith.constant 0 : index
    %get3A_62 = arith.constant 0 : index
    %get3A_63 = vector.load %arg8[%get3A_61, %get3A_62] : memref<128x128xf32, #tpu.memory_space<vmem>>, vector<128x128xf32>
    %convert_element_type3A_64 = arith.truncf %max3A_60 : vector<512x128xf32> to vector<512x128xbf16>
    %convert_element_type3A_65 = arith.truncf %get3A_63 : vector<128x128xf32> to vector<128x128xbf16>
    %convert_element_type3A_66 = arith.extf %convert_element_type3A_64 : vector<512x128xbf16> to vector<512x128xf32>
    %sub3A_67 = arith.subf %max3A_60, %convert_element_type3A_66 : vector<512x128xf32>
    %convert_element_type3A_68 = arith.truncf %sub3A_67 : vector<512x128xf32> to vector<512x128xbf16>
    %convert_element_type3A_69 = arith.extf %convert_element_type3A_65 : vector<128x128xbf16> to vector<128x128xf32>
    %sub3A_70 = arith.subf %get3A_63, %convert_element_type3A_69 : vector<128x128xf32>
    %convert_element_type3A_71 = arith.truncf %sub3A_70 : vector<128x128xf32> to vector<128x128xbf16>
    %dot_general3A_72 = arith.constant dense<0.000000e+00> : vector<512x128xf32>
    %dot_general3A_73 = tpu.matmul %convert_element_type3A_64, %convert_element_type3A_65, %dot_general3A_72 {dimension_numbers = #tpu.dot_dimension_numbers<[1], [0], [0], [1], [0, 0, 1, 1], [], []>, transpose_lhs_hint = false} : vector<512x128xbf16>, vector<128x128xbf16>, vector<512x128xf32> -> vector<512x128xf32>
    %dot_general3A_74 = arith.constant dense<0.000000e+00> : vector<512x128xf32>
    %dot_general3A_75 = tpu.matmul %convert_element_type3A_68, %convert_element_type3A_65, %dot_general3A_74 {dimension_numbers = #tpu.dot_dimension_numbers<[1], [0], [0], [1], [0, 0, 1, 1], [], []>, transpose_lhs_hint = false} : vector<512x128xbf16>, vector<128x128xbf16>, vector<512x128xf32> -> vector<512x128xf32>
    %add3A_76 = arith.addf %dot_general3A_73, %dot_general3A_75 : vector<512x128xf32>
    %dot_general3A_77 = arith.constant dense<0.000000e+00> : vector<512x128xf32>
    %dot_general3A_78 = tpu.matmul %convert_element_type3A_64, %convert_element_type3A_71, %dot_general3A_77 {dimension_numbers = #tpu.dot_dimension_numbers<[1], [0], [0], [1], [0, 0, 1, 1], [], []>, transpose_lhs_hint = false} : vector<512x128xbf16>, vector<128x128xbf16>, vector<512x128xf32> -> vector<512x128xf32>
    %add3A_79 = arith.addf %add3A_76, %dot_general3A_78 : vector<512x128xf32>
    %get3A_80 = arith.constant 0 : index
    %get3A_81 = arith.constant 0 : index
    %get3A_82 = vector.load %arg9[%get3A_80, %get3A_81] : memref<128x128xf32, #tpu.memory_space<vmem>>, vector<128x128xf32>
    %convert_element_type3A_83 = arith.truncf %max3A_23 : vector<512x128xf32> to vector<512x128xbf16>
    %convert_element_type3A_84 = arith.truncf %get3A_82 : vector<128x128xf32> to vector<128x128xbf16>
    %convert_element_type3A_85 = arith.extf %convert_element_type3A_83 : vector<512x128xbf16> to vector<512x128xf32>
    %sub3A_86 = arith.subf %max3A_23, %convert_element_type3A_85 : vector<512x128xf32>
    %convert_element_type3A_87 = arith.truncf %sub3A_86 : vector<512x128xf32> to vector<512x128xbf16>
    %convert_element_type3A_88 = arith.extf %convert_element_type3A_84 : vector<128x128xbf16> to vector<128x128xf32>
    %sub3A_89 = arith.subf %get3A_82, %convert_element_type3A_88 : vector<128x128xf32>
    %convert_element_type3A_90 = arith.truncf %sub3A_89 : vector<128x128xf32> to vector<128x128xbf16>
    %dot_general3A_91 = arith.constant dense<0.000000e+00> : vector<512x128xf32>
    %dot_general3A_92 = tpu.matmul %convert_element_type3A_83, %convert_element_type3A_84, %dot_general3A_91 {dimension_numbers = #tpu.dot_dimension_numbers<[1], [0], [0], [1], [0, 0, 1, 1], [], []>, transpose_lhs_hint = false} : vector<512x128xbf16>, vector<128x128xbf16>, vector<512x128xf32> -> vector<512x128xf32>
    %dot_general3A_93 = arith.constant dense<0.000000e+00> : vector<512x128xf32>
    %dot_general3A_94 = tpu.matmul %convert_element_type3A_87, %convert_element_type3A_84, %dot_general3A_93 {dimension_numbers = #tpu.dot_dimension_numbers<[1], [0], [0], [1], [0, 0, 1, 1], [], []>, transpose_lhs_hint = false} : vector<512x128xbf16>, vector<128x128xbf16>, vector<512x128xf32> -> vector<512x128xf32>
    %add3A_95 = arith.addf %dot_general3A_92, %dot_general3A_94 : vector<512x128xf32>
    %dot_general3A_96 = arith.constant dense<0.000000e+00> : vector<512x128xf32>
    %dot_general3A_97 = tpu.matmul %convert_element_type3A_83, %convert_element_type3A_90, %dot_general3A_96 {dimension_numbers = #tpu.dot_dimension_numbers<[1], [0], [0], [1], [0, 0, 1, 1], [], []>, transpose_lhs_hint = false} : vector<512x128xbf16>, vector<128x128xbf16>, vector<512x128xf32> -> vector<512x128xf32>
    %add3A_98 = arith.addf %add3A_95, %dot_general3A_97 : vector<512x128xf32>
    %add3A_99 = arith.addf %add3A_79, %add3A_98 : vector<512x128xf32>
    %get3A_100 = arith.constant 0 : index
    %get3A_101 = arith.constant 0 : index
    %get3A_102 = vector.load %arg10[%get3A_100, %get3A_101] : memref<1x128xf32, #tpu.memory_space<vmem>>, vector<1x128xf32>
    %add3A_103 = vector.broadcast %get3A_102 : vector<1x128xf32> to vector<512x128xf32>
    %add3A_104 = arith.addf %add3A_99, %add3A_103 : vector<512x128xf32>
    %max3A_105 = arith.constant 0.000000e+00 : f32
    %max3A_106 = vector.broadcast %max3A_105 : f32 to vector<512x128xf32>
    %max3A_107 = arith.maximumf %add3A_104, %max3A_106 : vector<512x128xf32>
    %get3A_108 = arith.constant 0 : index
    %get3A_109 = arith.constant 0 : index
    %get3A_110 = vector.load %arg11[%get3A_108, %get3A_109] : memref<128x128xf32, #tpu.memory_space<vmem>>, vector<128x128xf32>
    %convert_element_type3A_111 = arith.truncf %max3A_107 : vector<512x128xf32> to vector<512x128xbf16>
    %convert_element_type3A_112 = arith.truncf %get3A_110 : vector<128x128xf32> to vector<128x128xbf16>
    %convert_element_type3A_113 = arith.extf %convert_element_type3A_111 : vector<512x128xbf16> to vector<512x128xf32>
    %sub3A_114 = arith.subf %max3A_107, %convert_element_type3A_113 : vector<512x128xf32>
    %convert_element_type3A_115 = arith.truncf %sub3A_114 : vector<512x128xf32> to vector<512x128xbf16>
    %convert_element_type3A_116 = arith.extf %convert_element_type3A_112 : vector<128x128xbf16> to vector<128x128xf32>
    %sub3A_117 = arith.subf %get3A_110, %convert_element_type3A_116 : vector<128x128xf32>
    %convert_element_type3A_118 = arith.truncf %sub3A_117 : vector<128x128xf32> to vector<128x128xbf16>
    %dot_general3A_119 = arith.constant dense<0.000000e+00> : vector<512x128xf32>
    %dot_general3A_120 = tpu.matmul %convert_element_type3A_111, %convert_element_type3A_112, %dot_general3A_119 {dimension_numbers = #tpu.dot_dimension_numbers<[1], [0], [0], [1], [0, 0, 1, 1], [], []>, transpose_lhs_hint = false} : vector<512x128xbf16>, vector<128x128xbf16>, vector<512x128xf32> -> vector<512x128xf32>
    %dot_general3A_121 = arith.constant dense<0.000000e+00> : vector<512x128xf32>
    %dot_general3A_122 = tpu.matmul %convert_element_type3A_115, %convert_element_type3A_112, %dot_general3A_121 {dimension_numbers = #tpu.dot_dimension_numbers<[1], [0], [0], [1], [0, 0, 1, 1], [], []>, transpose_lhs_hint = false} : vector<512x128xbf16>, vector<128x128xbf16>, vector<512x128xf32> -> vector<512x128xf32>
    %add3A_123 = arith.addf %dot_general3A_120, %dot_general3A_122 : vector<512x128xf32>
    %dot_general3A_124 = arith.constant dense<0.000000e+00> : vector<512x128xf32>
    %dot_general3A_125 = tpu.matmul %convert_element_type3A_111, %convert_element_type3A_118, %dot_general3A_124 {dimension_numbers = #tpu.dot_dimension_numbers<[1], [0], [0], [1], [0, 0, 1, 1], [], []>, transpose_lhs_hint = false} : vector<512x128xbf16>, vector<128x128xbf16>, vector<512x128xf32> -> vector<512x128xf32>
    %add3A_126 = arith.addf %add3A_123, %dot_general3A_125 : vector<512x128xf32>
    %get3A_127 = arith.constant 0 : index
    %get3A_128 = arith.constant 0 : index
    %get3A_129 = vector.load %arg12[%get3A_127, %get3A_128] : memref<1x128xf32, #tpu.memory_space<vmem>>, vector<1x128xf32>
    %add3A_130 = vector.broadcast %get3A_129 : vector<1x128xf32> to vector<512x128xf32>
    %add3A_131 = arith.addf %add3A_126, %add3A_130 : vector<512x128xf32>
    %max3A_132 = arith.constant 0.000000e+00 : f32
    %max3A_133 = vector.broadcast %max3A_132 : f32 to vector<512x128xf32>
    %max3A_134 = arith.maximumf %add3A_131, %max3A_133 : vector<512x128xf32>
    %concatenate3A = tpu.concatenate %max3A_50, %max3A_134 in 1 : vector<512x128xf32>, vector<512x128xf32> -> vector<512x256xf32>
    %swap3A = arith.constant 0 : index
    %swap3A_135 = arith.constant 0 : index
    %swap3A_136 = vector.load %arg13[%swap3A, %swap3A_135] : memref<512x256xf32, #tpu.memory_space<vmem>>, vector<512x256xf32>
    tpu.vector_store %arg13[%swap3A, %swap3A_135], %concatenate3A {strides = array<i32>} : memref<512x256xf32, #tpu.memory_space<vmem>>, vector<512x256xf32>,
    return
  }
  func.func @transform_0(%arg0: i32) -> (i32, i32) {
    %c0_i32 = arith.constant 0 : i32
    %c0_i32_0 = arith.constant 0 : i32
    return %arg0, %c0_i32 : i32, i32
  }
  func.func @transform_1(%arg0: i32) -> (i32, i32) {
    %c0_i32 = arith.constant 0 : i32
    %c0_i32_0 = arith.constant 0 : i32
    return %arg0, %c0_i32 : i32, i32
  }
  func.func @transform_2(%arg0: i32) -> (i32, i32) {
    %c0_i32 = arith.constant 0 : i32
    %c0_i32_0 = arith.constant 0 : i32
    return %arg0, %c0_i32 : i32, i32
  }
  func.func @transform_3(%arg0: i32) -> (i32, i32) {
    %c0_i32 = arith.constant 0 : i32
    %c0_i32_0 = arith.constant 0 : i32
    %c0_i32_1 = arith.constant 0 : i32
    return %c0_i32, %c0_i32_0 : i32, i32
  }
  func.func @transform_4(%arg0: i32) -> (i32, i32) {
    %c0_i32 = arith.constant 0 : i32
    %c0_i32_0 = arith.constant 0 : i32
    %c0_i32_1 = arith.constant 0 : i32
    return %c0_i32, %c0_i32_0 : i32, i32
  }
  func.func @transform_5(%arg0: i32) -> (i32, i32) {
    %c0_i32 = arith.constant 0 : i32
    %c0_i32_0 = arith.constant 0 : i32
    %c0_i32_1 = arith.constant 0 : i32
    return %c0_i32, %c0_i32_0 : i32, i32
  }
  func.func @transform_6(%arg0: i32) -> (i32, i32) {
    %c0_i32 = arith.constant 0 : i32
    %c0_i32_0 = arith.constant 0 : i32
    %c0_i32_1 = arith.constant 0 : i32
    return %c0_i32, %c0_i32_0 : i32, i32
  }
  func.func @transform_7(%arg0: i32) -> (i32, i32) {
    %c0_i32 = arith.constant 0 : i32
    %c0_i32_0 = arith.constant 0 : i32
    %c0_i32_1 = arith.constant 0 : i32
    return %c0_i32, %c0_i32_0 : i32, i32
  }
  func.func @transform_8(%arg0: i32) -> (i32, i32) {
    %c0_i32 = arith.constant 0 : i32
    %c0_i32_0 = arith.constant 0 : i32
    %c0_i32_1 = arith.constant 0 : i32
    return %c0_i32, %c0_i32_0 : i32, i32
  }
  func.func @transform_9(%arg0: i32) -> (i32, i32) {
    %c0_i32 = arith.constant 0 : i32
    %c0_i32_0 = arith.constant 0 : i32
    %c0_i32_1 = arith.constant 0 : i32
    return %c0_i32, %c0_i32_0 : i32, i32
  }
  func.func @transform_10(%arg0: i32) -> (i32, i32) {
    %c0_i32 = arith.constant 0 : i32
    %c0_i32_0 = arith.constant 0 : i32
    %c0_i32_1 = arith.constant 0 : i32
    return %c0_i32, %c0_i32_0 : i32, i32
  }
  func.func @transform_11(%arg0: i32) -> (i32, i32) {
    %c0_i32 = arith.constant 0 : i32
    %c0_i32_0 = arith.constant 0 : i32
    %c0_i32_1 = arith.constant 0 : i32
    return %c0_i32, %c0_i32_0 : i32, i32
  }
  func.func @transform_12(%arg0: i32) -> (i32, i32) {
    %c0_i32 = arith.constant 0 : i32
    %c0_i32_0 = arith.constant 0 : i32
    return %arg0, %c0_i32 : i32, i32
  }
}

module attributes {stable_mosaic.version = 14 : i64} {
  func.func @_finalize_body(%arg0: memref<10000x128xf32, #tpu.memory_space<vmem>>, %arg1: memref<10000x128xf32, #tpu.memory_space<vmem>>, %arg2: memref<10000x128xf32, #tpu.memory_space<vmem>>, %arg3: memref<10000x1xi32, #tpu.memory_space<vmem>>, %arg4: memref<128x128xf32, #tpu.memory_space<vmem>>, %arg5: memref<1x128xf32, #tpu.memory_space<vmem>>, %arg6: memref<128x128xf32, #tpu.memory_space<vmem>>, %arg7: memref<128x128xf32, #tpu.memory_space<vmem>>, %arg8: memref<1x128xf32, #tpu.memory_space<vmem>>, %arg9: memref<128x128xf32, #tpu.memory_space<vmem>>, %arg10: memref<1x128xf32, #tpu.memory_space<vmem>>, %arg11: memref<128x128xf32, #tpu.memory_space<vmem>>, %arg12: memref<128x128xf32, #tpu.memory_space<vmem>>, %arg13: memref<1x128xf32, #tpu.memory_space<vmem>>, %arg14: memref<128x1xf32, #tpu.memory_space<vmem>>, %arg15: memref<1x1xf32, #tpu.memory_space<vmem>>, %arg16: memref<256x64xf32, #tpu.memory_space<vmem>>, %arg17: memref<1x64xf32, #tpu.memory_space<vmem>>, %arg18: memref<64x1xf32, #tpu.memory_space<vmem>>, %arg19: memref<1x1xf32, #tpu.memory_space<vmem>>, %arg20: memref<64x1xf32, #tpu.memory_space<vmem>>, %arg21: memref<64x128xf32, #tpu.memory_space<vmem>>) attributes {dimension_semantics = [], scalar_prefetch = 0 : i64, scratch_operands = 1 : i64, tpu.core_type = #tpu.core_type<tc>} {
    %get3A = arith.constant 0 : index
    %get3A_0 = arith.constant 0 : index
    %get3A_1 = vector.load %arg0[%get3A, %get3A_0] : memref<10000x128xf32, #tpu.memory_space<vmem>>, vector<10000x128xf32>
    %get3A_2 = arith.constant 0 : index
    %get3A_3 = arith.constant 0 : index
    %get3A_4 = vector.load %arg4[%get3A_2, %get3A_3] : memref<128x128xf32, #tpu.memory_space<vmem>>, vector<128x128xf32>
    %dot_general3A = arith.constant dense<0.000000e+00> : vector<10000x128xf32>
    %dot_general3A_5 = tpu.matmul %get3A_1, %get3A_4, %dot_general3A {dimension_numbers = #tpu.dot_dimension_numbers<[1], [0], [0], [1], [0, 0, 1, 1], [], []>, precision = #tpu.contract_precision<fp32>, transpose_lhs_hint = false} : vector<10000x128xf32>, vector<128x128xf32>, vector<10000x128xf32> -> vector<10000x128xf32>
    %get3A_6 = arith.constant 0 : index
    %get3A_7 = arith.constant 0 : index
    %get3A_8 = vector.load %arg5[%get3A_6, %get3A_7] : memref<1x128xf32, #tpu.memory_space<vmem>>, vector<1x128xf32>
    %add3A = vector.broadcast %get3A_8 : vector<1x128xf32> to vector<10000x128xf32>
    %add3A_9 = arith.addf %dot_general3A_5, %add3A : vector<10000x128xf32>
    %max3A = arith.constant 0.000000e+00 : f32
    %max3A_10 = vector.broadcast %max3A : f32 to vector<10000x128xf32>
    %max3A_11 = arith.maximumf %add3A_9, %max3A_10 : vector<10000x128xf32>
    %get3A_12 = arith.constant 0 : index
    %get3A_13 = arith.constant 0 : index
    %get3A_14 = vector.load %arg6[%get3A_12, %get3A_13] : memref<128x128xf32, #tpu.memory_space<vmem>>, vector<128x128xf32>
    %dot_general3A_15 = arith.constant dense<0.000000e+00> : vector<10000x128xf32>
    %dot_general3A_16 = tpu.matmul %max3A_11, %get3A_14, %dot_general3A_15 {dimension_numbers = #tpu.dot_dimension_numbers<[1], [0], [0], [1], [0, 0, 1, 1], [], []>, precision = #tpu.contract_precision<fp32>, transpose_lhs_hint = false} : vector<10000x128xf32>, vector<128x128xf32>, vector<10000x128xf32> -> vector<10000x128xf32>
    %get3A_17 = arith.constant 0 : index
    %get3A_18 = arith.constant 0 : index
    %get3A_19 = vector.load %arg1[%get3A_17, %get3A_18] : memref<10000x128xf32, #tpu.memory_space<vmem>>, vector<10000x128xf32>
    %get3A_20 = arith.constant 0 : index
    %get3A_21 = arith.constant 0 : index
    %get3A_22 = vector.load %arg7[%get3A_20, %get3A_21] : memref<128x128xf32, #tpu.memory_space<vmem>>, vector<128x128xf32>
    %dot_general3A_23 = arith.constant dense<0.000000e+00> : vector<10000x128xf32>
    %dot_general3A_24 = tpu.matmul %get3A_19, %get3A_22, %dot_general3A_23 {dimension_numbers = #tpu.dot_dimension_numbers<[1], [0], [0], [1], [0, 0, 1, 1], [], []>, precision = #tpu.contract_precision<fp32>, transpose_lhs_hint = false} : vector<10000x128xf32>, vector<128x128xf32>, vector<10000x128xf32> -> vector<10000x128xf32>
    %add3A_25 = arith.addf %dot_general3A_16, %dot_general3A_24 : vector<10000x128xf32>
    %get3A_26 = arith.constant 0 : index
    %get3A_27 = arith.constant 0 : index
    %get3A_28 = vector.load %arg8[%get3A_26, %get3A_27] : memref<1x128xf32, #tpu.memory_space<vmem>>, vector<1x128xf32>
    %add3A_29 = vector.broadcast %get3A_28 : vector<1x128xf32> to vector<10000x128xf32>
    %add3A_30 = arith.addf %add3A_25, %add3A_29 : vector<10000x128xf32>
    %max3A_31 = arith.constant 0.000000e+00 : f32
    %max3A_32 = vector.broadcast %max3A_31 : f32 to vector<10000x128xf32>
    %max3A_33 = arith.maximumf %add3A_30, %max3A_32 : vector<10000x128xf32>
    %get3A_34 = arith.constant 0 : index
    %get3A_35 = arith.constant 0 : index
    %get3A_36 = vector.load %arg9[%get3A_34, %get3A_35] : memref<128x128xf32, #tpu.memory_space<vmem>>, vector<128x128xf32>
    %dot_general3A_37 = arith.constant dense<0.000000e+00> : vector<10000x128xf32>
    %dot_general3A_38 = tpu.matmul %max3A_33, %get3A_36, %dot_general3A_37 {dimension_numbers = #tpu.dot_dimension_numbers<[1], [0], [0], [1], [0, 0, 1, 1], [], []>, precision = #tpu.contract_precision<fp32>, transpose_lhs_hint = false} : vector<10000x128xf32>, vector<128x128xf32>, vector<10000x128xf32> -> vector<10000x128xf32>
    %get3A_39 = arith.constant 0 : index
    %get3A_40 = arith.constant 0 : index
    %get3A_41 = vector.load %arg10[%get3A_39, %get3A_40] : memref<1x128xf32, #tpu.memory_space<vmem>>, vector<1x128xf32>
    %add3A_42 = vector.broadcast %get3A_41 : vector<1x128xf32> to vector<10000x128xf32>
    %add3A_43 = arith.addf %dot_general3A_38, %add3A_42 : vector<10000x128xf32>
    %max3A_44 = arith.constant 0.000000e+00 : f32
    %max3A_45 = vector.broadcast %max3A_44 : f32 to vector<10000x128xf32>
    %max3A_46 = arith.maximumf %add3A_43, %max3A_45 : vector<10000x128xf32>
    %get3A_47 = arith.constant 0 : index
    %get3A_48 = arith.constant 0 : index
    %get3A_49 = vector.load %arg11[%get3A_47, %get3A_48] : memref<128x128xf32, #tpu.memory_space<vmem>>, vector<128x128xf32>
    %dot_general3A_50 = arith.constant dense<0.000000e+00> : vector<10000x128xf32>
    %dot_general3A_51 = tpu.matmul %max3A_46, %get3A_49, %dot_general3A_50 {dimension_numbers = #tpu.dot_dimension_numbers<[1], [0], [0], [1], [0, 0, 1, 1], [], []>, precision = #tpu.contract_precision<fp32>, transpose_lhs_hint = false} : vector<10000x128xf32>, vector<128x128xf32>, vector<10000x128xf32> -> vector<10000x128xf32>
    %get3A_52 = arith.constant 0 : index
    %get3A_53 = arith.constant 0 : index
    %get3A_54 = vector.load %arg2[%get3A_52, %get3A_53] : memref<10000x128xf32, #tpu.memory_space<vmem>>, vector<10000x128xf32>
    %get3A_55 = arith.constant 0 : index
    %get3A_56 = arith.constant 0 : index
    %get3A_57 = vector.load %arg12[%get3A_55, %get3A_56] : memref<128x128xf32, #tpu.memory_space<vmem>>, vector<128x128xf32>
    %dot_general3A_58 = arith.constant dense<0.000000e+00> : vector<10000x128xf32>
    %dot_general3A_59 = tpu.matmul %get3A_54, %get3A_57, %dot_general3A_58 {dimension_numbers = #tpu.dot_dimension_numbers<[1], [0], [0], [1], [0, 0, 1, 1], [], []>, precision = #tpu.contract_precision<fp32>, transpose_lhs_hint = false} : vector<10000x128xf32>, vector<128x128xf32>, vector<10000x128xf32> -> vector<10000x128xf32>
    %add3A_60 = arith.addf %dot_general3A_51, %dot_general3A_59 : vector<10000x128xf32>
    %get3A_61 = arith.constant 0 : index
    %get3A_62 = arith.constant 0 : index
    %get3A_63 = vector.load %arg13[%get3A_61, %get3A_62] : memref<1x128xf32, #tpu.memory_space<vmem>>, vector<1x128xf32>
    %add3A_64 = vector.broadcast %get3A_63 : vector<1x128xf32> to vector<10000x128xf32>
    %add3A_65 = arith.addf %add3A_60, %add3A_64 : vector<10000x128xf32>
    %max3A_66 = arith.constant 0.000000e+00 : f32
    %max3A_67 = vector.broadcast %max3A_66 : f32 to vector<10000x128xf32>
    %max3A_68 = arith.maximumf %add3A_65, %max3A_67 : vector<10000x128xf32>
    %get3A_69 = arith.constant 0 : index
    %get3A_70 = arith.constant 0 : index
    %get3A_71 = vector.load %arg14[%get3A_69, %get3A_70] : memref<128x1xf32, #tpu.memory_space<vmem>>, vector<128x1xf32>
    %dot_general3A_72 = arith.constant dense<0.000000e+00> : vector<10000x1xf32>
    %dot_general3A_73 = tpu.matmul %max3A_68, %get3A_71, %dot_general3A_72 {dimension_numbers = #tpu.dot_dimension_numbers<[1], [0], [0], [1], [0, 0, 1, 1], [], []>, precision = #tpu.contract_precision<fp32>, transpose_lhs_hint = false} : vector<10000x128xf32>, vector<128x1xf32>, vector<10000x1xf32> -> vector<10000x1xf32>
    %get3A_74 = arith.constant 0 : index
    %get3A_75 = arith.constant 0 : index
    %get3A_76 = vector.load %arg15[%get3A_74, %get3A_75] : memref<1x1xf32, #tpu.memory_space<vmem>>, vector<1x1xf32>
    %add3A_77 = vector.broadcast %get3A_76 : vector<1x1xf32> to vector<10000x1xf32>
    %add3A_78 = arith.addf %dot_general3A_73, %add3A_77 : vector<10000x1xf32>
    %neg3A = arith.constant 0.000000e+00 : f32
    %neg3A_79 = vector.broadcast %neg3A : f32 to vector<10000x1xf32>
    %neg3A_80 = arith.subf %neg3A_79, %add3A_78 : vector<10000x1xf32>
    %exp3A = math.exp %neg3A_80 : vector<10000x1xf32>
    %add3A_81 = arith.constant 1.000000e+00 : f32
    %add3A_82 = vector.broadcast %add3A_81 : f32 to vector<10000x1xf32>
    %add3A_83 = arith.addf %add3A_82, %exp3A : vector<10000x1xf32>
    %div3A = arith.constant 1.000000e+00 : f32
    %div3A_84 = vector.broadcast %div3A : f32 to vector<10000x1xf32>
    %div3A_85 = arith.divf %div3A_84, %add3A_83 : vector<10000x1xf32>
    %mul3A = vector.broadcast %div3A_85 : vector<10000x1xf32> to vector<10000x128xf32>
    %mul3A_86 = arith.mulf %max3A_68, %mul3A : vector<10000x128xf32>
    %get3A_87 = arith.constant 0 : index
    %get3A_88 = arith.constant 0 : index
    %get3A_89 = vector.load %arg3[%get3A_87, %get3A_88] : memref<10000x1xi32, #tpu.memory_space<vmem>>, vector<10000x1xi32>
    %iota3A = tpu.iota {dimensions = array<i32: 1>} : vector<1x64xi32>
    %eq3A = vector.broadcast %get3A_89 : vector<10000x1xi32> to vector<10000x64xi32>
    %eq3A_90 = vector.broadcast %iota3A : vector<1x64xi32> to vector<10000x64xi32>
    %eq3A_91 = arith.cmpi eq, %eq3A, %eq3A_90 : vector<10000x64xi32>
    %convert_element_type3A = arith.extui %eq3A_91 : vector<10000x64xi1> to vector<10000x64xi32>
    %convert_element_type3A_92 = arith.sitofp %convert_element_type3A : vector<10000x64xi32> to vector<10000x64xf32>
    %dot_general3A_93 = arith.constant dense<0.000000e+00> : vector<64x128xf32>
    %dot_general3A_94 = tpu.matmul %convert_element_type3A_92, %mul3A_86, %dot_general3A_93 {dimension_numbers = #tpu.dot_dimension_numbers<[0], [0], [1], [1], [0, 1, 1, 1], [], []>, precision = #tpu.contract_precision<fp32>, transpose_lhs_hint = false} : vector<10000x64xf32>, vector<10000x128xf32>, vector<64x128xf32> -> vector<64x128xf32>
    %scan3A = arith.constant 0 : i32
    %scan3A_95 = arith.constant 64 : i32
    %scan3A_96 = arith.addi %scan3A, %scan3A_95 : i32
    %scan3A_97 = arith.constant 1 : i32
    scf.for %scan3A_124 = %scan3A to %scan3A_96 step %scan3A_97  : i32 {
      %eq3A_125 = vector.broadcast %scan3A_124 : i32 to vector<10000x1xi32>
      %eq3A_126 = arith.cmpi eq, %get3A_89, %eq3A_125 : vector<10000x1xi32>
      %jit3A = arith.constant 0xFF800000 : f32
      %broadcast_in_dim3A = vector.shape_cast %eq3A_126 : vector<10000x1xi1> to vector<10000x1xi1>
      %broadcast_in_dim3A_127 = vector.broadcast %broadcast_in_dim3A : vector<10000x1xi1> to vector<10000x128xi1>
      %broadcast_in_dim3A_128 = vector.broadcast %jit3A : f32 to vector<10000x128xf32>
      %select_n3A = arith.select %broadcast_in_dim3A_127, %max3A_68, %broadcast_in_dim3A_128 : vector<10000x128xi1>, vector<10000x128xf32>
      %reduce_max3A = arith.constant dense<0xFF800000> : vector<128xf32>
      %reduce_max3A_129 = vector.multi_reduction <maximumf>, %select_n3A, %reduce_max3A [0] : vector<10000x128xf32> to vector<128xf32>
      %broadcast_in_dim3A_130 = vector.shape_cast %reduce_max3A_129 : vector<128xf32> to vector<1x128xf32>
      %swap3A_131 = arith.index_cast %scan3A_124 : i32 to index
      %swap3A_132 = arith.constant 0 : index
      %swap3A_133 = vector.load %arg21[%swap3A_131, %swap3A_132] : memref<64x128xf32, #tpu.memory_space<vmem>>, vector<1x128xf32>
      tpu.vector_store %arg21[%swap3A_131, %swap3A_132], %broadcast_in_dim3A_130 {strides = array<i32>} : memref<64x128xf32, #tpu.memory_space<vmem>>, vector<1x128xf32>,
    }
    %scan3A_98 = arith.constant 64 : i32
    %get3A_99 = arith.constant 0 : index
    %get3A_100 = arith.constant 0 : index
    %get3A_101 = vector.load %arg21[%get3A_99, %get3A_100] : memref<64x128xf32, #tpu.memory_space<vmem>>, vector<64x128xf32>
    %concatenate3A = tpu.concatenate %dot_general3A_94, %get3A_101 in 1 : vector<64x128xf32>, vector<64x128xf32> -> vector<64x256xf32>
    %get3A_102 = arith.constant 0 : index
    %get3A_103 = arith.constant 0 : index
    %get3A_104 = vector.load %arg16[%get3A_102, %get3A_103] : memref<256x64xf32, #tpu.memory_space<vmem>>, vector<256x64xf32>
    %dot_general3A_105 = arith.constant dense<0.000000e+00> : vector<64x64xf32>
    %dot_general3A_106 = tpu.matmul %concatenate3A, %get3A_104, %dot_general3A_105 {dimension_numbers = #tpu.dot_dimension_numbers<[1], [0], [0], [1], [0, 0, 1, 1], [], []>, precision = #tpu.contract_precision<fp32>, transpose_lhs_hint = false} : vector<64x256xf32>, vector<256x64xf32>, vector<64x64xf32> -> vector<64x64xf32>
    %get3A_107 = arith.constant 0 : index
    %get3A_108 = arith.constant 0 : index
    %get3A_109 = vector.load %arg17[%get3A_107, %get3A_108] : memref<1x64xf32, #tpu.memory_space<vmem>>, vector<1x64xf32>
    %add3A_110 = vector.broadcast %get3A_109 : vector<1x64xf32> to vector<64x64xf32>
    %add3A_111 = arith.addf %dot_general3A_106, %add3A_110 : vector<64x64xf32>
    %get3A_112 = arith.constant 0 : index
    %get3A_113 = arith.constant 0 : index
    %get3A_114 = vector.load %arg18[%get3A_112, %get3A_113] : memref<64x1xf32, #tpu.memory_space<vmem>>, vector<64x1xf32>
    %dot_general3A_115 = arith.constant dense<0.000000e+00> : vector<64x1xf32>
    %dot_general3A_116 = tpu.matmul %add3A_111, %get3A_114, %dot_general3A_115 {dimension_numbers = #tpu.dot_dimension_numbers<[1], [0], [0], [1], [0, 0, 1, 1], [], []>, precision = #tpu.contract_precision<fp32>, transpose_lhs_hint = false} : vector<64x64xf32>, vector<64x1xf32>, vector<64x1xf32> -> vector<64x1xf32>
    %get3A_117 = arith.constant 0 : index
    %get3A_118 = arith.constant 0 : index
    %get3A_119 = vector.load %arg19[%get3A_117, %get3A_118] : memref<1x1xf32, #tpu.memory_space<vmem>>, vector<1x1xf32>
    %add3A_120 = vector.broadcast %get3A_119 : vector<1x1xf32> to vector<64x1xf32>
    %add3A_121 = arith.addf %dot_general3A_116, %add3A_120 : vector<64x1xf32>
    %swap3A = arith.constant 0 : index
    %swap3A_122 = arith.constant 0 : index
    %swap3A_123 = vector.load %arg20[%swap3A, %swap3A_122] : memref<64x1xf32, #tpu.memory_space<vmem>>, vector<64x1xf32>
    tpu.vector_store %arg20[%swap3A, %swap3A_122], %add3A_121 {strides = array<i32>} : memref<64x1xf32, #tpu.memory_space<vmem>>, vector<64x1xf32>,
    return
  }
}

</mosaic_0001>

<sc_bundles>
// kernel: kernel.11.cloned.1.call-start
scs
__scs_entry_jumppad:
0x0: {  	(pc) =	sbr.rel $0x88, $3  }
0x1: {  	(tag) =	ssettag $0x0;
	lr =	simm.s32 $0x1  }
0x2: {  	[smem:$0x3F83] =	sst lr;
	_ =	strace $0xD0000000  }
0x3: {  	_ = 	snop  }
0x4: {  	_ = 	snop  }
0x5: {  	_ = 	snop  }
0x6: {  	_ = 	snop  }
0x7: {  	_ = 	snop  }
__scs_overlays_trampoline_lowered:
0x8: {  	[smem:$0x3F92] =	sst s0  }
0x9: {  	[smem:$0x3F93] =	sst s1  }
0xa: {  	[smem:$0x3F94] =	sst s2  }
0xb: {  	[smem:$0x3F95] =	sst s3  }
0xc: {  	[smem:$0x3F96] =	sst s4  }
0xd: {  	[smem:$0x3F97] =	sst s5  }
0xe: {  	[smem:$0x3F98] =	sst s6  }
0xf: {  	[smem:$0x3F99] =	sst s7  }
0x10: {  	[smem:$0x3F9A] =	sst s8  }
0x11: {  	[smem:$0x3F9B] =	sst s9;
	s0 =	simm.s32 @!p0 $0x0  }
0x12: {  	s1 =	sld [smem:$0x3F81];
	s0 =	simm.s32 @p0 $0x1  }
0x13: {  	[smem:$0x3F9C] =	sst s0;
	s0 =	simm.s32 @!p1 $0x0  }
0x14: {  	s2 =	sld [smem:$0x3F80];
	s0 =	simm.s32 @p1 $0x1  }
0x15: {  	[smem:$0x3F9D] =	sst s0;
	s0 =	simm.s32 @!p2 $0x0  }
0x16: {  	s3 =	sld [smem:$0x3FDB];
	s0 =	simm.s32 @p2 $0x1  }
0x17: {  	s4 =	simm.s32 $0x1BF5;
	[smem:$0x3F9F] =	sst s0  }
0x18: {  	s0 =	sld [smem:$0x3F82];
	_ =	swait.ge [sflag:s4], $0x0  }
0x19: {  	s7 =	sld [smem:$0x3F83]  }
0x1a: {  	s8 =	sadd.s32 $0xFFFFE003, lr  }
0x1b: {  	s9 =	sadd.s32 $0xFFFFFEF7, lr;
	s5 =	simm.s32 $0xFFFFFFFF;
	p2 =	slt.u32 s8, $0xFFFFF086  }
0x1c: {  	p1 =	slt.u32 s9, $0xF7A;
	s5 =	simm.s32 @!p2 $0x0  }
0x1d: {  	s5 =	simm.s32 @p1 $0x1;
	p0 =	seq.s32 s7, s2  }
0x1e: {  	s7 =	smul.u32 @!p0 $0xF7A, s2;
	p2 =	seq.s32 @!p0 s5, $0x0  }
0x1f: {  	s9 =	smul.u32 $0xF7A, s1;
	s8 =	simm.s32 @!p0 $0x1BF5;
	p2 =	por !p2, p0  }
0x20: {  	[sflag:s8] =	ssyncset.s32 @!p0 $0xFFFFF086;
	s6 =	sadd.s32 @!p0 s3, s7;
	s7 =	simm.s32 @!p0 $0x108  }
0x21: {  	s3 =	sadd.s32 s3, s9;
	s6 =	sadd.s32 @!p0 $0x88, s6;
	s7 =	simm.s32 @p2 $0x1082  }
0x22: {  	[simem:s7], [sflag:s8] =	dma.local @!p0 [hbm:s6], $0xF7A  }
0x23: {  	s9 =	sor.u32 $0xD0000000, s2;
	s6 =	simm.s32 $0x108;
	_ =	swait.ge @!p0 [sflag:s8], $0x0  }
0x24: {  	s3 =	sadd.s32 $0x88, s3;
	s6 =	simm.s32 @!p1 $0x1082;
	[sflag:s4] =	ssyncset.s32 $0xFFFFF086  }
0x25: {  	[simem:s6], [sflag:s4] =	dma.local [hbm:s3], $0xF7A  }
0x26: {  	[smem:$0x3F83] =	sst s1;
	(tag) =	ssettag s2;
	_ =	strace s9  }
0x27: {  	s1 =	sld [smem:$0x3F93]  }
0x28: {  	s2 =	sld [smem:$0x3F94]  }
0x29: {  	s4 =	sld [smem:$0x3F96]  }
0x2a: {  	p0 =	seq.s32 s5, $0x0;
	s5 =	sld [smem:$0x3F97]  }
0x2b: {  	s6 =	sld [smem:$0x3F98]  }
0x2c: {  	s7 =	sld [smem:$0x3F99]  }
0x2d: {  	s3 =	simm.s32 $0x108;
	s8 =	sld [smem:$0x3F9A]  }
0x2e: {  	s3 =	simm.s32 @!p0 $0x1082;
	s9 =	sld [smem:$0x3F9B]  }
0x2f: {  	lr =	sadd.s32 s0, s3;
	s0 =	sld [smem:$0x3F92]  }
0x30: {  	s3 =	sld [smem:$0x3F95]  }
0x31: {  	[smem:$0x3F9E] =	sst s10  }
0x32: {  	s10 =	sld [smem:$0x3F9C];
	_ =	sdelay $0x3  }
0x33: {  	p0 =	seq.s32 s10, $0x1;
	s10 =	sld [smem:$0x3F9E];
	_ =	sdelay $0x3  }
0x34: {  	[smem:$0x3F9E] =	sst s10  }
0x35: {  	s10 =	sld [smem:$0x3F9D];
	_ =	sdelay $0x3  }
0x36: {  	p1 =	seq.s32 s10, $0x1;
	s10 =	sld [smem:$0x3F9E];
	_ =	sdelay $0x3  }
0x37: {  	[smem:$0x3F9E] =	sst s10  }
0x38: {  	s10 =	sld [smem:$0x3F9F]  }
0x39: {  	_ = 	snop;
	(pc) =	sbr.ind lr, $3  }
0x3a: {  	_ = 	snop  }
0x3b: {  	_ = 	snop  }
0x3c: {  	p2 =	seq.s32 s10, $0x1;
	s10 =	sld [smem:$0x3F9E]  }
0x3d: {  	_ =	shalt  }
0x3e: {  	_ =	shalt  }
0x3f: {  	_ =	shalt  }
0x40: {  	_ =	shalt  }
0x41: {  	_ =	shalt  }
0x42: {  	_ =	shalt  }
0x43: {  	_ =	shalt  }
0x44: {  	_ =	shalt  }
0x45: {  	_ =	shalt  }
0x46: {  	_ =	shalt  }
0x47: {  	_ =	shalt  }
0x48: {  	_ =	shalt  }
0x49: {  	_ =	shalt  }
0x4a: {  	_ =	shalt  }
0x4b: {  	_ =	shalt  }
0x4c: {  	_ =	shalt  }
0x4d: {  	_ =	shalt  }
0x4e: {  	_ =	shalt  }
0x4f: {  	_ =	shalt  }
0x50: {  	_ =	shalt  }
0x51: {  	_ =	shalt  }
0x52: {  	_ =	shalt  }
0x53: {  	_ =	shalt  }
0x54: {  	_ =	shalt  }
0x55: {  	_ =	shalt  }
0x56: {  	_ =	shalt  }
0x57: {  	_ =	shalt  }
0x58: {  	_ =	shalt  }
0x59: {  	_ =	shalt  }
0x5a: {  	_ =	shalt  }
0x5b: {  	_ =	shalt  }
0x5c: {  	_ =	shalt  }
0x5d: {  	_ =	shalt  }
0x5e: {  	_ =	shalt  }
0x5f: {  	_ =	shalt  }
0x60: {  	_ =	shalt  }
0x61: {  	_ =	shalt  }
0x62: {  	_ =	shalt  }
0x63: {  	_ =	shalt  }
0x64: {  	_ =	shalt  }
0x65: {  	_ =	shalt  }
0x66: {  	_ =	shalt  }
0x67: {  	_ =	shalt  }
0x68: {  	_ =	shalt  }
0x69: {  	_ =	shalt  }
0x6a: {  	_ =	shalt  }
0x6b: {  	_ =	shalt  }
0x6c: {  	_ =	shalt  }
0x6d: {  	_ =	shalt  }
0x6e: {  	_ =	shalt  }
0x6f: {  	_ =	shalt  }
0x70: {  	_ =	shalt  }
0x71: {  	_ =	shalt  }
0x72: {  	_ =	shalt  }
0x73: {  	_ =	shalt  }
0x74: {  	_ =	shalt  }
0x75: {  	_ =	shalt  }
0x76: {  	_ =	shalt  }
0x77: {  	_ =	shalt  }
0x78: {  	_ =	shalt  }
0x79: {  	_ =	shalt  }
0x7a: {  	_ =	shalt  }
0x7b: {  	_ =	shalt  }
0x7c: {  	_ =	shalt  }
0x7d: {  	_ =	shalt  }
0x7e: {  	_ =	shalt  }
0x7f: {  	_ =	shalt  }
0x80: {  	_ =	shalt  }
0x81: {  	_ =	shalt  }
0x82: {  	_ =	shalt  }
0x83: {  	_ =	shalt  }
0x84: {  	_ =	shalt  }
0x85: {  	_ =	shalt  }
0x86: {  	_ =	shalt  }
0x87: {  	_ =	shalt  }
.Lfunc_end0:
.L_simem_size_0:
called_computation.1_lowered:
.L_overlay_start_0:
0x88: {  	s0 =	sld [smem:$0x3FD9]  }
0x89: {  	s1 =	sld [smem:$0x3FFE];
	_ =	sdelay $0x3  }
0x8a: {  	s0 =	sadd.s32 s1, s0  }
0x8b: {  	[smem:$0x3FAA] =	sst s0  }
0x8c: {  	_ = 	snop  }
0x8d: {  	(tm) =	ssettm $0x1  }
0x8e: {  	s15 =	sld [smem:$0x3FFB];
	_ =	sdelay $0x3  }
0x8f: {  	_ =	strace s15  }
0x90: {  	s0 =	sld [smem:$0x3FFC];
	_ =	sdelay $0x3  }
0x91: {  	_ =	strace s0  }
0x92: {  	s0 =	sld [smem:$0x3FFD];
	_ =	sdelay $0x3  }
0x93: {  	_ =	strace s0  }
0x94: {  	_ =	strace $0x8FFFFFFF  }
0x95: {  	s16 =	sld [smem:$0x3FDB];
	_ =	sdelay $0x1  }
0x96: {  	s17 =	simm.s32 $_scs_section_size  }
0x97: {  	s2 =	simm.s32 $_size__tile_overlayer_lowered;
	s3 =	simm.s32 $_tile_overlayer_lowered  }
0x98: {  	s20 =	simm.s32 $0x1BFF;
	s19 =	sshll.u32 s3, $0x1;
	s0 =	sadd.s32 s17, s16  }
0x99: {  	s4 =	simm.s32 $0x0;
	s18 =	sshll.u32 s2, $0x1;
	s2 =	sadd.s32 s19, s0  }
0x9a: {  	[timem:s4], [sflag:s20] =	dma.local [hbm:s2], s18  }
0x9b: {  	_ =	swait.ge [sflag:s20], s18  }
0x9c: {  	s1 =	ssub.s32 $0x0, s18;
	[sflag:s20] =	ssyncset.done $0x0  }
0x9d: {  	[sflag:s20] =	ssyncadd.s32 s1;
	_ =	sdelay $0x1  }
0x9e: {  	s21 =	simm.s32 $0x1B8B  }
0x9f: {  	_ =	swait.ge [sflag:s21], $0x1  }
0xa0: {  	[sflag:s21] =	ssyncset.done $0x0  }
0xa1: {  	s23 =	simm.s32 $0x1B8E;
	s22 =	sld [smem:$0x3FFE];
	[sflag:s21] =	ssyncadd.s32 $0xFFFFFFFF  }
0xa2: {  	s24 =	simm.s32 $execute0_lowered;
	[smem:$0x3FD2] =	sst s23  }
0xa3: {  	s2 =	sshll.u32 s24, $0x1;
	_ =	strace $0x8000004C;
	[dreg:$0x1] =	wrdreg $0xFFFFFFFF  }
0xa4: {  	s25 =	simm.s32 $_size_execute0_lowered;
	s0 =	sadd.s32 s0, s2;
	[dreg:$0x0] =	wrdreg $0x0  }
0xa5: {  	s2 =	sshll.u32 s25, $0x1;
	[dreg:$0x2] =	wrdreg s0  }
0xa6: {  	[dreg:$0x3] =	wrdreg s2  }
0xa7: {  	[dreg:$0x4] =	wrdreg $0xC0  }
0xa8: {  	_ =	task [dreg:s4], $0x5FFFF  }
0xa9: {  	[dreg:$0x1] =	wrdreg $0xFFFFFFFF  }
0xaa: {  	[dreg:$0x0] =	wrdreg $0x60  }
0xab: {  	[dreg:$0x2] =	wrdreg s22  }
0xac: {  	[dreg:$0x3] =	wrdreg $0x79000  }
0xad: {  	[dreg:$0x4] =	wrdreg $0x9  }
0xae: {  	_ =	task.clear_ibuf [dreg:s4], $0x5FFFF;
	_ =	strace $0x9000004C  }
0xaf: {  	s26 =	simm.s32 $0x9;
	_ =	strace $0x8000004E  }
0xb0: {  	_ =	swait.ge [sflag:s26], $0x1  }
0xb1: {  	[sflag:s26] =	ssyncadd.s32 $0xFFFFFFFF  }
0xb2: {  	_ =	strace $0x9000004E  }
0xb3: {  	_ =	sfence  }
0xb4: {  	s28 =	sld [smem:$0x0];
	_ =	sdelay $0x1  }
0xb5: {  	s29 =	srdreg.scid  }
0xb6: {  	s30 =	sshll.u32 s29, $0xD;
	s31 =	sshrl.u32 s29, $0x2  }
0xb7: {  	s1 =	sand.u32 $0x1, s29;
	s2 =	sand.u32 $0x4000, s30;
	s0 =	sadd.s32 s31, s28  }
0xb8: {  	s1 =	sor.u32 s2, s1;
	s0 =	sshll.u32 s0, $0x11  }
0xb9: {  	s0 =	sor.u32 s0, s1  }
0xba: {  	s0 =	sadd.s32 $0x8F2B, s0  }
0xbb: {  	[sflag:s0] =	ssyncadd.remote.s32 $0x1  }
0xbc: {  	_ =	sfence.sel $0xFFFF  }
0xbd: {  	[dreg:$0x0] =	wrdreg $0xFFFFFFFF;
	(pc) =	sbr.abs _section_cstart, $3  }
0xbe: {  	[dreg:$0x1] =	wrdreg $0xFFFFFFFF  }
0xbf: {  	_ =	task.clear_ibuf [dreg:s4], $0x2FFFF;
	_ =	strace $0x9FFFFFFF  }
0xc0: {  	(tm) =	ssettm $0x7FFFFFFF  }
0xc1: {  	_ =	shalt  }
tec
execute0_lowered:
.L_overlay_start_1:
0x0: {  	(tag) =	ssettag $0x1  }
0x1: {  	s1 =	rddreg [dreg:$0x0]  }
0x2: {  	s2 =	rddreg [dreg:$0x1]  }
0x3: {  	s0 =	rddreg [dreg:$0x2];
	s3 =	simm.s32 $0x0  }
0x4: {  	[smem:$0x7FF] =	sst s3;
	s6 =	sadd.s32 $0xF0DA00, s1  }
0x5: {  	s7 =	sadd.s32 $0xF800, s1;
	s4 =	sand.u32 $0xFE00, s3;
	s5 =	sadd.s32 $0x40800, s1  }
0x6: {  	s8 =	sand.u32 $0x70, s3;
	s1 =	stileid.u32;
	s9 =	sshrl.u32 s4, $0x2  }
0x7: {  	v0 =	vimm.f32 $0.0e+00;
	_ =	strace $0x8000004D;
	s4 =	simm.s32 $0x40;
	s8 =	sor.u32 s8, s9  }
.LBB2_1:
0x8: {  	p0 =	sne.s32 s4, $0x9FC0  }
0x9: {  	[tilespmem:s8+$0x5100] =	vst v0;
	s3 =	sadd.s32 $0x10, s3;
	s8 =	smov.u32 s4;
	s4 =	sadd.s32 $0x40, s4  }
.Ltmp0:
0xa: {  	(pc) =	sbr.rel @p0 .LBB2_1-.Ltmp0, $4  }
0xb: {  	_ = 	snop  }
0xc: {  	s8 =	sand.u32 $0xFE00, s8  }
0xd: {  	s9 =	sand.u32 $0x70, s3;
	s8 =	sshrl.u32 s8, $0x2  }
0xe: {  	s8 =	sor.u32 s9, s8  }
0xf: {  	p0 =	seq.s32 s1, $0xF  }
0x10: {  	[tilespmem:s8+$0x5100] =	vst v0;
	s3 =	sadd.s32 $0x12C000, s2;
	s4 =	simm.s32 @p0 $0x5100;
	s8 =	simm.s32 @p0 $0x5  }
0x11: {  	[spmem:s3] =	stream.linear.scatter @p0 [tilespmem:s4], [sflag:$0x5], $0x2800, $0x38;
	[tilespmem:$0x1B180] =	vst v63  }
0x12: {  	_ =	swait.ge @p0 [sflag:s8], $0x2800  }
0x13: {  	[sflag:s8] =	ssyncset.done @p0 $0x0  }
0x14: {  	s9 =	sadd.s32 @p0 $0x12E800, s2;
	[sflag:s8] =	ssyncadd.s32 @p0 $0xFFFFD800  }
0x15: {  	[spmem:s9] =	stream.linear.scatter @p0 [tilespmem:s4], [sflag:$0x5], $0x2800, $0x38;
	[tilespmem:$0x1B180] =	vst v63  }
0x16: {  	_ =	swait.ge @p0 [sflag:s8], $0x2800  }
0x17: {  	[sflag:s8] =	ssyncset.done @p0 $0x0  }
0x18: {  	s9 =	sadd.s32 @p0 $0x131000, s2;
	[sflag:s8] =	ssyncadd.s32 @p0 $0xFFFFD800  }
0x19: {  	[spmem:s9] =	stream.linear.scatter @p0 [tilespmem:s4], [sflag:$0x5], $0x2800, $0x38;
	[tilespmem:$0x1B180] =	vst v63  }
0x1a: {  	_ =	swait.ge @p0 [sflag:s8], $0x2800  }
0x1b: {  	[sflag:s8] =	ssyncset.done @p0 $0x0  }
0x1c: {  	s9 =	sadd.s32 @p0 $0x133800, s2;
	[sflag:s8] =	ssyncadd.s32 @p0 $0xFFFFD800  }
0x1d: {  	[spmem:s9] =	stream.linear.scatter @p0 [tilespmem:s4], [sflag:$0x5], $0x2800, $0x38;
	[tilespmem:$0x1B180] =	vst v63  }
0x1e: {  	s23 =	smul.u32 $0x50000, s1;
	_ =	swait.ge @p0 [sflag:s8], $0x2800  }
0x1f: {  	[sflag:s8] =	ssyncset.done @p0 $0x0  }
0x20: {  	s10 =	sadd.s32 @p0 $0x136000, s2;
	s9 =	sshrl.u32 s23, $0x2;
	[sflag:s8] =	ssyncadd.s32 @p0 $0xFFFFD800  }
0x21: {  	[spmem:s10] =	stream.linear.scatter @p0 [tilespmem:s4], [sflag:$0x5], $0x2800, $0x38;
	[tilespmem:$0x1B180] =	vst v63  }
0x22: {  	s8 =	simm.s32 @!p0 $0x5100;
	s4 =	sadd.s32 s9, s2;
	s9 =	simm.s32 @!p0 $0x5  }
0x23: {  	[spmem:s4] =	stream.linear.scatter @!p0 [tilespmem:s8], [sflag:$0x5], $0x2800, $0x38;
	[tilespmem:$0x1B180] =	vst v63  }
0x24: {  	_ =	swait.ge @!p0 [sflag:s9], $0x2800  }
0x25: {  	[sflag:s9] =	ssyncset.done @!p0 $0x0  }
0x26: {  	s10 =	sadd.s32 @!p0 $0x2800, s4;
	[sflag:s9] =	ssyncadd.s32 @!p0 $0xFFFFD800  }
0x27: {  	[spmem:s10] =	stream.linear.scatter @!p0 [tilespmem:s8], [sflag:$0x5], $0x2800, $0x38;
	[tilespmem:$0x1B180] =	vst v63  }
0x28: {  	_ =	swait.ge @!p0 [sflag:s9], $0x2800  }
0x29: {  	[sflag:s9] =	ssyncset.done @!p0 $0x0  }
0x2a: {  	s10 =	sadd.s32 @!p0 $0x5000, s4;
	[sflag:s9] =	ssyncadd.s32 @!p0 $0xFFFFD800  }
0x2b: {  	[spmem:s10] =	stream.linear.scatter @!p0 [tilespmem:s8], [sflag:$0x5], $0x2800, $0x38;
	[tilespmem:$0x1B180] =	vst v63  }
0x2c: {  	_ =	swait.ge @!p0 [sflag:s9], $0x2800  }
0x2d: {  	[sflag:s9] =	ssyncset.done @!p0 $0x0  }
0x2e: {  	s10 =	sadd.s32 @!p0 $0x7800, s4;
	[sflag:s9] =	ssyncadd.s32 @!p0 $0xFFFFD800  }
0x2f: {  	[spmem:s10] =	stream.linear.scatter @!p0 [tilespmem:s8], [sflag:$0x5], $0x2800, $0x38;
	[tilespmem:$0x1B180] =	vst v63  }
0x30: {  	_ =	swait.ge @!p0 [sflag:s9], $0x2800  }
0x31: {  	[sflag:s9] =	ssyncset.done @!p0 $0x0  }
0x32: {  	s10 =	sadd.s32 @!p0 $0xA000, s4;
	[sflag:s9] =	ssyncadd.s32 @!p0 $0xFFFFD800  }
0x33: {  	[spmem:s10] =	stream.linear.scatter @!p0 [tilespmem:s8], [sflag:$0x5], $0x2800, $0x38;
	[tilespmem:$0x1B180] =	vst v63  }
0x34: {  	_ =	swait.ge @!p0 [sflag:s9], $0x2800  }
0x35: {  	[sflag:s9] =	ssyncset.done @!p0 $0x0  }
0x36: {  	s10 =	sadd.s32 @!p0 $0xC800, s4;
	[sflag:s9] =	ssyncadd.s32 @!p0 $0xFFFFD800  }
0x37: {  	[spmem:s10] =	stream.linear.scatter @!p0 [tilespmem:s8], [sflag:$0x5], $0x2800, $0x38;
	[tilespmem:$0x1B180] =	vst v63  }
0x38: {  	_ =	swait.ge @!p0 [sflag:s9], $0x2800  }
0x39: {  	[sflag:s9] =	ssyncset.done @!p0 $0x0  }
0x3a: {  	s10 =	sadd.s32 @!p0 $0xF000, s4;
	[sflag:s9] =	ssyncadd.s32 @!p0 $0xFFFFD800  }
0x3b: {  	[spmem:s10] =	stream.linear.scatter @!p0 [tilespmem:s8], [sflag:$0x5], $0x2800, $0x38;
	[tilespmem:$0x1B180] =	vst v63  }
0x3c: {  	_ =	swait.ge @!p0 [sflag:s9], $0x2800  }
0x3d: {  	s24 =	smul.u32 $0x4E20, s1;
	[sflag:s9] =	ssyncset.done @!p0 $0x0  }
0x3e: {  	s25 =	simm.s32 $0x5;
	s11 =	sadd.s32 @!p0 $0x11800, s4;
	[sflag:s9] =	ssyncadd.s32 @!p0 $0xFFFFD800  }
0x3f: {  	[spmem:s11] =	stream.linear.scatter @!p0 [tilespmem:s8], [sflag:$0x5], $0x2800, $0x38;
	[tilespmem:$0x1B180] =	vst v63  }
0x40: {  	s18 =	smul.u32 $0x9C400, s1;
	_ =	swait.ge [sflag:s25], $0x2800  }
0x41: {  	s26 =	sshrl.u32 s24, $0x3;
	s13 =	sadd.s32 $0x50, s24;
	[sflag:s25] =	ssyncset.done $0x0  }
0x42: {  	s12 =	sadd.s32 s6, s18;
	s14 =	sshrl.u32 s13, $0x3;
	[sflag:s25] =	ssyncadd.s32 $0xFFFFD800  }
0x43: {  	s9 =	sadd.s32 s7, s26;
	s8 =	simm.s32 $0x0;
	[bflag:$0x0] =	sbarrier.arrive $0xFFFF  }
0x44: {  	[tilespmem:s8], [sflag:$0x1] =	stream.linear.gather [hbm4b:s9+s8], $0x50, $0x38;
	[tilespmem:$0x1B180] =	vst v63  }
0x45: {  	s10 =	simm.s32 $0x800;
	s11 =	simm.s32 $0x100;
	s9 =	simm.s32 $0x400  }
0x46: {  	[tilespmem:s11], [sflag:$0x1] =	stream.strided.gather [hbm4b:s12+s9], $0x2800, s10, s9, $0x38;
	[tilespmem:$0x1B180] =	vst v63  }
0x47: {  	s13 =	sshll.u32 s13, $0x5;
	s14 =	sadd.s32 s7, s14;
	s12 =	simm.s32 $0x80  }
0x48: {  	[tilespmem:s12], [sflag:$0x2] =	stream.linear.gather [hbm4b:s14+s8], $0x50, $0x38;
	[tilespmem:$0x1B180] =	vst v63  }
0x49: {  	s28 =	sadd.s32 s6, s13;
	s13 =	simm.s32 $0x2900;
	s14 =	simm.s32 $0x1  }
0x4a: {  	[tilespmem:s13], [sflag:$0x2] =	stream.strided.gather [hbm4b:s28+s9], $0x2800, s10, s9, $0x38;
	[tilespmem:$0x1B180] =	vst v63  }
0x4b: {  	_ =	swait.ge [sflag:s14], $0x50  }
0x4c: {  	[sflag:s14] =	ssyncset.done $0x0  }
0x4d: {  	[sflag:s14] =	ssyncadd.s32 $0xFFFFFFB0  }
0x4e: {  	_ =	swait.ge [sflag:s14], $0x2800  }
0x4f: {  	[sflag:s14] =	ssyncset.done $0x0  }
0x50: {  	s15 =	simm.s32 $0x50;
	s16 =	simm.s32 $0x2;
	[sflag:s14] =	ssyncadd.s32 $0xFFFFD800  }
0x51: {  	[spmem:s2] =	stream.indirect.scatter.add.f32 [tilespmem:s11], [sflag:$0x3], $0x80, s8, s15, $0xb8;
	[tilespmem:$0x1B180] =	vst v63  }
0x52: {  	_ =	swait.ge [sflag:s16], $0x50  }
0x53: {  	[sflag:s16] =	ssyncset.done $0x0  }
0x54: {  	[sflag:s16] =	ssyncadd.s32 $0xFFFFFFB0  }
0x55: {  	_ =	swait.ge [sflag:s16], $0x2800  }
0x56: {  	[sflag:s16] =	ssyncset.done $0x0  }
0x57: {  	s19 =	smul.u32 $0x9C4, s1;
	s17 =	simm.s32 $0x3;
	[sflag:s16] =	ssyncadd.s32 $0xFFFFD800  }
0x58: {  	[spmem:s2] =	stream.indirect.scatter.add.f32 [tilespmem:s13], [sflag:$0x4], $0x80, s12, s15, $0xb8;
	[tilespmem:$0x1B180] =	vst v63  }
0x59: {  	s19 =	sadd.s32 s19, s7;
	_ =	swait.ge [sflag:s17], $0x2800  }
0x5a: {  	s20 =	sadd.s32 $0x1E, s19;
	s7 =	sadd.s32 s18, s6;
	[sflag:s17] =	ssyncset.done $0x0  }
0x5b: {  	s29 =	sadd.s32 $0xFFFFFFF6, s20;
	s21 =	sadd.s32 $0x0, s7;
	[sflag:s17] =	ssyncadd.s32 $0xFFFFD800  }
0x5c: {  	[tilespmem:s8], [sflag:$0x1] =	stream.linear.gather [hbm4b:s29+s8], $0x50, $0x38;
	[tilespmem:$0x1B180] =	vst v63  }
0x5d: {  	s18 =	simm.s32 $0x4;
	s30 =	sadd.s32 $0x1400, s21  }
0x5e: {  	[tilespmem:s11], [sflag:$0x1] =	stream.strided.gather [hbm4b:s30+s9], $0x2800, s10, s9, $0x38;
	[tilespmem:$0x1B180] =	vst v63  }
0x5f: {  	s31 =	smul.u32 $0x2800, s1;
	_ =	swait.ge [sflag:s18], $0x2800  }
0x60: {  	[sflag:s18] =	ssyncset.done $0x0  }
0x61: {  	s19 =	simm.s32 $0x1400;
	s6 =	sadd.s32 s5, s31;
	[sflag:s18] =	ssyncadd.s32 $0xFFFFD800  }
0x62: {  	[tilespmem:s12], [sflag:$0x2] =	stream.linear.gather [hbm4b:s20+s8], $0x50, $0x38;
	[tilespmem:$0x1B180] =	vst v63  }
0x63: {  	s5 =	sadd.s32 $0x25800, s5;
	s21 =	sadd.s32 $0x1E00, s21;
	s20 =	sadd.s32 $0x14, s20  }
.LBB2_3:
0x64: {  	[tilespmem:s13], [sflag:$0x2] =	stream.strided.gather [hbm4b:s21+s9], $0x2800, s10, s9, $0x38;
	[tilespmem:$0x1B180] =	vst v63  }
0x65: {  	s21 =	smov.u32 s19  }
0x66: {  	p1 =	sne.s32 s19, $0x99C00;
	s19 =	sadd.s32 $0x1400, s19;
	_ =	swait.ge [sflag:s14], $0x50  }
0x67: {  	[sflag:s14] =	ssyncset.done $0x0  }
0x68: {  	[sflag:s14] =	ssyncadd.s32 $0xFFFFFFB0  }
0x69: {  	_ =	swait.ge [sflag:s14], $0x2800  }
0x6a: {  	[sflag:s14] =	ssyncset.done $0x0  }
0x6b: {  	[sflag:s14] =	ssyncadd.s32 $0xFFFFD800  }
0x6c: {  	[spmem:s2] =	stream.indirect.scatter.add.f32 [tilespmem:s11], [sflag:$0x3], $0x80, s8, s15, $0xb8;
	[tilespmem:$0x1B180] =	vst v63  }
0x6d: {  	_ =	swait.ge [sflag:s16], $0x50  }
0x6e: {  	[sflag:s16] =	ssyncset.done $0x0  }
0x6f: {  	[sflag:s16] =	ssyncadd.s32 $0xFFFFFFB0  }
0x70: {  	_ =	swait.ge [sflag:s16], $0x2800  }
0x71: {  	[sflag:s16] =	ssyncset.done $0x0  }
0x72: {  	[sflag:s16] =	ssyncadd.s32 $0xFFFFD800  }
0x73: {  	[spmem:s2] =	stream.indirect.scatter.add.f32 [tilespmem:s13], [sflag:$0x4], $0x80, s12, s15, $0xb8;
	[tilespmem:$0x1B180] =	vst v63  }
0x74: {  	_ =	swait.ge [sflag:s17], $0x2800  }
0x75: {  	[sflag:s17] =	ssyncset.done $0x0  }
0x76: {  	s22 =	sadd.s32 $0xFFFFFFF6, s20;
	s21 =	sadd.s32 s21, s7;
	[sflag:s17] =	ssyncadd.s32 $0xFFFFD800  }
0x77: {  	[tilespmem:s8], [sflag:$0x1] =	stream.linear.gather [hbm4b:s22+s8], $0x50, $0x38;
	[tilespmem:$0x1B180] =	vst v63  }
0x78: {  	s22 =	sadd.s32 $0x1400, s21  }
0x79: {  	[tilespmem:s11], [sflag:$0x1] =	stream.strided.gather [hbm4b:s22+s9], $0x2800, s10, s9, $0x38;
	[tilespmem:$0x1B180] =	vst v63  }
.Ltmp1:
0x7a: {  	_ =	swait.ge [sflag:s18], $0x2800;
	(pc) =	sbr.rel @p1 .LBB2_3-.Ltmp1, $4  }
0x7b: {  	[sflag:s18] =	ssyncset.done $0x0  }
0x7c: {  	[sflag:s18] =	ssyncadd.s32 $0xFFFFD800  }
0x7d: {  	[tilespmem:s12], [sflag:$0x2] =	stream.linear.gather [hbm4b:s20+s8], $0x50, $0x38;
	[tilespmem:$0x1B180] =	vst v63  }
0x7e: {  	s21 =	sadd.s32 $0x1E00, s21;
	s20 =	sadd.s32 $0x14, s20  }
0x7f: {  	[tilespmem:s13], [sflag:$0x2] =	stream.strided.gather [hbm4b:s21+s9], $0x2800, s10, s9, $0x38;
	[tilespmem:$0x1B180] =	vst v63  }
0x80: {  	s7 =	simm.s32 $0x1  }
0x81: {  	_ =	swait.ge [sflag:s7], $0x50  }
0x82: {  	[sflag:s7] =	ssyncset.done $0x0  }
0x83: {  	[sflag:s7] =	ssyncadd.s32 $0xFFFFFFB0  }
0x84: {  	_ =	swait.ge [sflag:s7], $0x2800  }
0x85: {  	s24 =	simm.s32 $0x50;
	s8 =	simm.s32 $0x0;
	[sflag:s7] =	ssyncset.done $0x0  }
0x86: {  	s25 =	simm.s32 $0x100;
	s26 =	simm.s32 $0x2;
	[sflag:s7] =	ssyncadd.s32 $0xFFFFD800  }
0x87: {  	[spmem:s2] =	stream.indirect.scatter.add.f32 [tilespmem:s25], [sflag:$0x3], $0x80, s8, s24, $0xb8;
	[tilespmem:$0x1B180] =	vst v63  }
0x88: {  	_ =	swait.ge [sflag:s26], $0x50  }
0x89: {  	[sflag:s26] =	ssyncset.done $0x0  }
0x8a: {  	[sflag:s26] =	ssyncadd.s32 $0xFFFFFFB0  }
0x8b: {  	_ =	swait.ge [sflag:s26], $0x2800  }
0x8c: {  	s28 =	simm.s32 $0x80;
	[sflag:s26] =	ssyncset.done $0x0  }
0x8d: {  	s29 =	simm.s32 $0x2900;
	s30 =	simm.s32 $0x3;
	[sflag:s26] =	ssyncadd.s32 $0xFFFFD800  }
0x8e: {  	[spmem:s2] =	stream.indirect.scatter.add.f32 [tilespmem:s29], [sflag:$0x4], $0x80, s28, s24, $0xb8;
	[tilespmem:$0x1B180] =	vst v63  }
0x8f: {  	_ =	swait.ge [sflag:s30], $0x2800  }
0x90: {  	[sflag:s30] =	ssyncset.done $0x0  }
0x91: {  	s31 =	simm.s32 $0x4;
	[sflag:s30] =	ssyncadd.s32 $0xFFFFD800  }
0x92: {  	_ =	swait.ge [sflag:s31], $0x2800  }
0x93: {  	[sflag:s31] =	ssyncset.done $0x0  }
0x94: {  	[sflag:s31] =	ssyncadd.s32 $0xFFFFD800  }
0x95: {  	s2 =	sshrl.u32 @p0 s3, $0x3;
	s3 =	simm.s32 @p0 $0x1FC5;
	[bflag:$0x0] =	sbarrier.arrive $0xFFFF  }
0x96: {  	[hbm:s5], [sflag:s3] =	dma.local @p0 [spmem:s2], $0x1900  }
0x97: {  	s2 =	simm.s32 @p0 $0x5  }
0x98: {  	_ =	swait.ge @p0 [sflag:s2], $0x1900  }
0x99: {  	s3 =	sshll.u32 @!p0 s1, $0x6;
	[sflag:s2] =	ssyncset.done @p0 $0x0  }
0x9a: {  	[sflag:s2] =	ssyncadd.s32 @p0 $0xFFFFE700;
	s2 =	sor.u32 @!p0 $0x1C05, s3;
	s3 =	sshrl.u32 @!p0 s4, $0x3  }
0x9b: {  	[hbm:s6], [sflag:s2] =	dma.local @!p0 [spmem:s3], $0x2800  }
0x9c: {  	s2 =	simm.s32 @!p0 $0x5  }
0x9d: {  	_ =	swait.ge @!p0 [sflag:s2], $0x2800  }
0x9e: {  	[sflag:s2] =	ssyncset.done @!p0 $0x0  }
0x9f: {  	[sflag:s2] =	ssyncadd.s32 @!p0 $0xFFFFD800  }
0xa0: {  	_ =	sfence.sel $0x180000  }
0xa1: {  	[bflag:$0x0] =	sbarrier.arrive $0xFFFF  }
0xa2: {  	p0 =	sne.s32 s1, $0x0;
	_ =	strace $0x9000004D  }
0xa3: {  	s0 =	sadd.s32 @!p0 $0x100000, s0;
	[bflag:$0x2] =	sbarrier.arrive $0xFFFF  }
0xa4: {  	[sflag:s0] =	ssyncadd.tile.s32 @!p0 $0x1;
	_ =	shalt  }
.Lfunc_end2:
_tile_overlayer_lowered:
.L_overlay_start_2:
0xa5: {  	(tag) =	ssettag $0x2  }
0xa6: {  	s0 =	rddreg [dreg:$0x0];
	s2 =	stileid.u32  }
0xa7: {  	s1 =	rddreg [dreg:$0x1];
	p0 =	sne.s32 s2, $0x0  }
0xa8: {  	s3 =	rddreg [dreg:$0x2];
	[bflag:$0x3] =	sbarrier.arrive $0xFFFF;
	s2 =	simm.s32 @!p0 $0x1C05  }
0xa9: {  	[timem:s3], [sflag:s2] =	dma.local @!p0 [hbm:s0], s1  }
0xaa: {  	s0 =	simm.s32 @!p0 $0x5  }
0xab: {  	_ =	swait.ge @!p0 [sflag:s0], s1  }
0xac: {  	s1 =	ssub.s32 @!p0 $0x0, s1;
	[sflag:s0] =	ssyncset.done @!p0 $0x0  }
0xad: {  	[sflag:s0] =	ssyncadd.s32 @!p0 s1  }
0xae: {  	[bflag:$0x3] =	sbarrier.arrive $0xFFFF  }
0xaf: {  	_ =	shalt  }

// kernel: kernel.14.cloned.1.call-start
scs
__scs_entry_jumppad:
0x0: {  	(pc) =	sbr.rel $0x88, $3  }
0x1: {  	(tag) =	ssettag $0x0;
	lr =	simm.s32 $0x1  }
0x2: {  	[smem:$0x3F83] =	sst lr;
	_ =	strace $0xD0000000  }
0x3: {  	_ = 	snop  }
0x4: {  	_ = 	snop  }
0x5: {  	_ = 	snop  }
0x6: {  	_ = 	snop  }
0x7: {  	_ = 	snop  }
__scs_overlays_trampoline_lowered:
0x8: {  	[smem:$0x3F92] =	sst s0  }
0x9: {  	[smem:$0x3F93] =	sst s1  }
0xa: {  	[smem:$0x3F94] =	sst s2  }
0xb: {  	[smem:$0x3F95] =	sst s3  }
0xc: {  	[smem:$0x3F96] =	sst s4  }
0xd: {  	[smem:$0x3F97] =	sst s5  }
0xe: {  	[smem:$0x3F98] =	sst s6  }
0xf: {  	[smem:$0x3F99] =	sst s7  }
0x10: {  	[smem:$0x3F9A] =	sst s8  }
0x11: {  	[smem:$0x3F9B] =	sst s9;
	s0 =	simm.s32 @!p0 $0x0  }
0x12: {  	s1 =	sld [smem:$0x3F81];
	s0 =	simm.s32 @p0 $0x1  }
0x13: {  	[smem:$0x3F9C] =	sst s0;
	s0 =	simm.s32 @!p1 $0x0  }
0x14: {  	s2 =	sld [smem:$0x3F80];
	s0 =	simm.s32 @p1 $0x1  }
0x15: {  	[smem:$0x3F9D] =	sst s0;
	s0 =	simm.s32 @!p2 $0x0  }
0x16: {  	s3 =	sld [smem:$0x3FDB];
	s0 =	simm.s32 @p2 $0x1  }
0x17: {  	s4 =	simm.s32 $0x1BF5;
	[smem:$0x3F9F] =	sst s0  }
0x18: {  	s0 =	sld [smem:$0x3F82];
	_ =	swait.ge [sflag:s4], $0x0  }
0x19: {  	s7 =	sld [smem:$0x3F83]  }
0x1a: {  	s8 =	sadd.s32 $0xFFFFE003, lr  }
0x1b: {  	s9 =	sadd.s32 $0xFFFFFEF7, lr;
	s5 =	simm.s32 $0xFFFFFFFF;
	p2 =	slt.u32 s8, $0xFFFFF086  }
0x1c: {  	p1 =	slt.u32 s9, $0xF7A;
	s5 =	simm.s32 @!p2 $0x0  }
0x1d: {  	s5 =	simm.s32 @p1 $0x1;
	p0 =	seq.s32 s7, s2  }
0x1e: {  	s7 =	smul.u32 @!p0 $0xF7A, s2;
	p2 =	seq.s32 @!p0 s5, $0x0  }
0x1f: {  	s9 =	smul.u32 $0xF7A, s1;
	s8 =	simm.s32 @!p0 $0x1BF5;
	p2 =	por !p2, p0  }
0x20: {  	[sflag:s8] =	ssyncset.s32 @!p0 $0xFFFFF086;
	s6 =	sadd.s32 @!p0 s3, s7;
	s7 =	simm.s32 @!p0 $0x108  }
0x21: {  	s3 =	sadd.s32 s3, s9;
	s6 =	sadd.s32 @!p0 $0x88, s6;
	s7 =	simm.s32 @p2 $0x1082  }
0x22: {  	[simem:s7], [sflag:s8] =	dma.local @!p0 [hbm:s6], $0xF7A  }
0x23: {  	s9 =	sor.u32 $0xD0000000, s2;
	s6 =	simm.s32 $0x108;
	_ =	swait.ge @!p0 [sflag:s8], $0x0  }
0x24: {  	s3 =	sadd.s32 $0x88, s3;
	s6 =	simm.s32 @!p1 $0x1082;
	[sflag:s4] =	ssyncset.s32 $0xFFFFF086  }
0x25: {  	[simem:s6], [sflag:s4] =	dma.local [hbm:s3], $0xF7A  }
0x26: {  	[smem:$0x3F83] =	sst s1;
	(tag) =	ssettag s2;
	_ =	strace s9  }
0x27: {  	s1 =	sld [smem:$0x3F93]  }
0x28: {  	s2 =	sld [smem:$0x3F94]  }
0x29: {  	s4 =	sld [smem:$0x3F96]  }
0x2a: {  	p0 =	seq.s32 s5, $0x0;
	s5 =	sld [smem:$0x3F97]  }
0x2b: {  	s6 =	sld [smem:$0x3F98]  }
0x2c: {  	s7 =	sld [smem:$0x3F99]  }
0x2d: {  	s3 =	simm.s32 $0x108;
	s8 =	sld [smem:$0x3F9A]  }
0x2e: {  	s3 =	simm.s32 @!p0 $0x1082;
	s9 =	sld [smem:$0x3F9B]  }
0x2f: {  	lr =	sadd.s32 s0, s3;
	s0 =	sld [smem:$0x3F92]  }
0x30: {  	s3 =	sld [smem:$0x3F95]  }
0x31: {  	[smem:$0x3F9E] =	sst s10  }
0x32: {  	s10 =	sld [smem:$0x3F9C];
	_ =	sdelay $0x3  }
0x33: {  	p0 =	seq.s32 s10, $0x1;
	s10 =	sld [smem:$0x3F9E];
	_ =	sdelay $0x3  }
0x34: {  	[smem:$0x3F9E] =	sst s10  }
0x35: {  	s10 =	sld [smem:$0x3F9D];
	_ =	sdelay $0x3  }
0x36: {  	p1 =	seq.s32 s10, $0x1;
	s10 =	sld [smem:$0x3F9E];
	_ =	sdelay $0x3  }
0x37: {  	[smem:$0x3F9E] =	sst s10  }
0x38: {  	s10 =	sld [smem:$0x3F9F]  }
0x39: {  	_ = 	snop;
	(pc) =	sbr.ind lr, $3  }
0x3a: {  	_ = 	snop  }
0x3b: {  	_ = 	snop  }
0x3c: {  	p2 =	seq.s32 s10, $0x1;
	s10 =	sld [smem:$0x3F9E]  }
0x3d: {  	_ =	shalt  }
0x3e: {  	_ =	shalt  }
0x3f: {  	_ =	shalt  }
0x40: {  	_ =	shalt  }
0x41: {  	_ =	shalt  }
0x42: {  	_ =	shalt  }
0x43: {  	_ =	shalt  }
0x44: {  	_ =	shalt  }
0x45: {  	_ =	shalt  }
0x46: {  	_ =	shalt  }
0x47: {  	_ =	shalt  }
0x48: {  	_ =	shalt  }
0x49: {  	_ =	shalt  }
0x4a: {  	_ =	shalt  }
0x4b: {  	_ =	shalt  }
0x4c: {  	_ =	shalt  }
0x4d: {  	_ =	shalt  }
0x4e: {  	_ =	shalt  }
0x4f: {  	_ =	shalt  }
0x50: {  	_ =	shalt  }
0x51: {  	_ =	shalt  }
0x52: {  	_ =	shalt  }
0x53: {  	_ =	shalt  }
0x54: {  	_ =	shalt  }
0x55: {  	_ =	shalt  }
0x56: {  	_ =	shalt  }
0x57: {  	_ =	shalt  }
0x58: {  	_ =	shalt  }
0x59: {  	_ =	shalt  }
0x5a: {  	_ =	shalt  }
0x5b: {  	_ =	shalt  }
0x5c: {  	_ =	shalt  }
0x5d: {  	_ =	shalt  }
0x5e: {  	_ =	shalt  }
0x5f: {  	_ =	shalt  }
0x60: {  	_ =	shalt  }
0x61: {  	_ =	shalt  }
0x62: {  	_ =	shalt  }
0x63: {  	_ =	shalt  }
0x64: {  	_ =	shalt  }
0x65: {  	_ =	shalt  }
0x66: {  	_ =	shalt  }
0x67: {  	_ =	shalt  }
0x68: {  	_ =	shalt  }
0x69: {  	_ =	shalt  }
0x6a: {  	_ =	shalt  }
0x6b: {  	_ =	shalt  }
0x6c: {  	_ =	shalt  }
0x6d: {  	_ =	shalt  }
0x6e: {  	_ =	shalt  }
0x6f: {  	_ =	shalt  }
0x70: {  	_ =	shalt  }
0x71: {  	_ =	shalt  }
0x72: {  	_ =	shalt  }
0x73: {  	_ =	shalt  }
0x74: {  	_ =	shalt  }
0x75: {  	_ =	shalt  }
0x76: {  	_ =	shalt  }
0x77: {  	_ =	shalt  }
0x78: {  	_ =	shalt  }
0x79: {  	_ =	shalt  }
0x7a: {  	_ =	shalt  }
0x7b: {  	_ =	shalt  }
0x7c: {  	_ =	shalt  }
0x7d: {  	_ =	shalt  }
0x7e: {  	_ =	shalt  }
0x7f: {  	_ =	shalt  }
0x80: {  	_ =	shalt  }
0x81: {  	_ =	shalt  }
0x82: {  	_ =	shalt  }
0x83: {  	_ =	shalt  }
0x84: {  	_ =	shalt  }
0x85: {  	_ =	shalt  }
0x86: {  	_ =	shalt  }
0x87: {  	_ =	shalt  }
.Lfunc_end0:
.L_simem_size_0:
called_computation.2_lowered:
.L_overlay_start_0:
0x88: {  	s0 =	sld [smem:$0x3FD9]  }
0x89: {  	s1 =	sld [smem:$0x3FFE];
	_ =	sdelay $0x3  }
0x8a: {  	s0 =	sadd.s32 s1, s0  }
0x8b: {  	[smem:$0x3FAA] =	sst s0  }
0x8c: {  	_ = 	snop  }
0x8d: {  	(tm) =	ssettm $0x1  }
0x8e: {  	s15 =	sld [smem:$0x3FFB];
	_ =	sdelay $0x3  }
0x8f: {  	_ =	strace s15  }
0x90: {  	s0 =	sld [smem:$0x3FFC];
	_ =	sdelay $0x3  }
0x91: {  	_ =	strace s0  }
0x92: {  	s0 =	sld [smem:$0x3FFD];
	_ =	sdelay $0x3  }
0x93: {  	_ =	strace s0  }
0x94: {  	_ =	strace $0x8FFFFFFF  }
0x95: {  	s16 =	sld [smem:$0x3FDB];
	_ =	sdelay $0x1  }
0x96: {  	s17 =	simm.s32 $_scs_section_size  }
0x97: {  	s2 =	simm.s32 $_size__tile_overlayer_lowered;
	s3 =	simm.s32 $_tile_overlayer_lowered  }
0x98: {  	s20 =	simm.s32 $0x1BFF;
	s19 =	sshll.u32 s3, $0x1;
	s0 =	sadd.s32 s17, s16  }
0x99: {  	s4 =	simm.s32 $0x0;
	s18 =	sshll.u32 s2, $0x1;
	s2 =	sadd.s32 s19, s0  }
0x9a: {  	[timem:s4], [sflag:s20] =	dma.local [hbm:s2], s18  }
0x9b: {  	_ =	swait.ge [sflag:s20], s18  }
0x9c: {  	s1 =	ssub.s32 $0x0, s18;
	[sflag:s20] =	ssyncset.done $0x0  }
0x9d: {  	[sflag:s20] =	ssyncadd.s32 s1;
	_ =	sdelay $0x1  }
0x9e: {  	s21 =	simm.s32 $0x1B8B  }
0x9f: {  	_ =	swait.ge [sflag:s21], $0x1  }
0xa0: {  	[sflag:s21] =	ssyncset.done $0x0  }
0xa1: {  	s23 =	simm.s32 $0x1B8E;
	s22 =	sld [smem:$0x3FFE];
	[sflag:s21] =	ssyncadd.s32 $0xFFFFFFFF  }
0xa2: {  	s24 =	simm.s32 $execute0_lowered;
	[smem:$0x3FD2] =	sst s23  }
0xa3: {  	s2 =	sshll.u32 s24, $0x1;
	_ =	strace $0x80000049;
	[dreg:$0x1] =	wrdreg $0xFFFFFFFF  }
0xa4: {  	s25 =	simm.s32 $_size_execute0_lowered;
	s0 =	sadd.s32 s0, s2;
	[dreg:$0x0] =	wrdreg $0x0  }
0xa5: {  	s2 =	sshll.u32 s25, $0x1;
	[dreg:$0x2] =	wrdreg s0  }
0xa6: {  	[dreg:$0x3] =	wrdreg s2  }
0xa7: {  	[dreg:$0x4] =	wrdreg $0xC0  }
0xa8: {  	_ =	task [dreg:s4], $0x5FFFF  }
0xa9: {  	[dreg:$0x1] =	wrdreg $0xFFFFFFFF  }
0xaa: {  	[dreg:$0x0] =	wrdreg $0x60  }
0xab: {  	[dreg:$0x2] =	wrdreg s22  }
0xac: {  	[dreg:$0x3] =	wrdreg $0x79000  }
0xad: {  	[dreg:$0x4] =	wrdreg $0xA  }
0xae: {  	_ =	task.clear_ibuf [dreg:s4], $0x5FFFF;
	_ =	strace $0x90000049  }
0xaf: {  	s26 =	simm.s32 $0xA;
	_ =	strace $0x8000004B  }
0xb0: {  	_ =	swait.ge [sflag:s26], $0x1  }
0xb1: {  	[sflag:s26] =	ssyncadd.s32 $0xFFFFFFFF  }
0xb2: {  	_ =	strace $0x9000004B  }
0xb3: {  	_ =	sfence  }
0xb4: {  	s28 =	sld [smem:$0x0];
	_ =	sdelay $0x1  }
0xb5: {  	s29 =	srdreg.scid  }
0xb6: {  	s30 =	sshll.u32 s29, $0xD;
	s31 =	sshrl.u32 s29, $0x2  }
0xb7: {  	s1 =	sand.u32 $0x1, s29;
	s2 =	sand.u32 $0x4000, s30;
	s0 =	sadd.s32 s31, s28  }
0xb8: {  	s1 =	sor.u32 s2, s1;
	s0 =	sshll.u32 s0, $0x11  }
0xb9: {  	s0 =	sor.u32 s0, s1  }
0xba: {  	s0 =	sadd.s32 $0x8F2B, s0  }
0xbb: {  	[sflag:s0] =	ssyncadd.remote.s32 $0x1  }
0xbc: {  	_ =	sfence.sel $0xFFFF  }
0xbd: {  	[dreg:$0x0] =	wrdreg $0xFFFFFFFF;
	(pc) =	sbr.abs _section_cstart, $3  }
0xbe: {  	[dreg:$0x1] =	wrdreg $0xFFFFFFFF  }
0xbf: {  	_ =	task.clear_ibuf [dreg:s4], $0x2FFFF;
	_ =	strace $0x9FFFFFFF  }
0xc0: {  	(tm) =	ssettm $0x7FFFFFFF  }
0xc1: {  	_ =	shalt  }
tec
execute0_lowered:
.L_overlay_start_1:
0x0: {  	(tag) =	ssettag $0x1  }
0x1: {  	s1 =	rddreg [dreg:$0x0]  }
0x2: {  	s2 =	rddreg [dreg:$0x1]  }
0x3: {  	s0 =	rddreg [dreg:$0x2];
	s3 =	simm.s32 $0x0  }
0x4: {  	[smem:$0x7FF] =	sst s3;
	s6 =	sadd.s32 $0xF0DA00, s1  }
0x5: {  	s7 =	sadd.s32 $0xF800, s1;
	s4 =	sand.u32 $0xFE00, s3;
	s5 =	sadd.s32 $0x19600, s1  }
0x6: {  	s8 =	sand.u32 $0x70, s3;
	s1 =	stileid.u32;
	s9 =	sshrl.u32 s4, $0x2  }
0x7: {  	v0 =	vimm.f32 $0.0e+00;
	_ =	strace $0x8000004A;
	s4 =	simm.s32 $0x40;
	s8 =	sor.u32 s8, s9  }
.LBB2_1:
0x8: {  	p0 =	sne.s32 s4, $0x9FC0  }
0x9: {  	[tilespmem:s8+$0x5100] =	vst v0;
	s3 =	sadd.s32 $0x10, s3;
	s8 =	smov.u32 s4;
	s4 =	sadd.s32 $0x40, s4  }
.Ltmp0:
0xa: {  	(pc) =	sbr.rel @p0 .LBB2_1-.Ltmp0, $4  }
0xb: {  	_ = 	snop  }
0xc: {  	s8 =	sand.u32 $0xFE00, s8  }
0xd: {  	s9 =	sand.u32 $0x70, s3;
	s8 =	sshrl.u32 s8, $0x2  }
0xe: {  	s8 =	sor.u32 s9, s8  }
0xf: {  	p0 =	seq.s32 s1, $0xF  }
0x10: {  	[tilespmem:s8+$0x5100] =	vst v0;
	s3 =	sadd.s32 $0x12C000, s2;
	s4 =	simm.s32 @p0 $0x5100;
	s8 =	simm.s32 @p0 $0x5  }
0x11: {  	[spmem:s3] =	stream.linear.scatter @p0 [tilespmem:s4], [sflag:$0x5], $0x2800, $0x38;
	[tilespmem:$0x1B180] =	vst v63  }
0x12: {  	_ =	swait.ge @p0 [sflag:s8], $0x2800  }
0x13: {  	[sflag:s8] =	ssyncset.done @p0 $0x0  }
0x14: {  	s9 =	sadd.s32 @p0 $0x12E800, s2;
	[sflag:s8] =	ssyncadd.s32 @p0 $0xFFFFD800  }
0x15: {  	[spmem:s9] =	stream.linear.scatter @p0 [tilespmem:s4], [sflag:$0x5], $0x2800, $0x38;
	[tilespmem:$0x1B180] =	vst v63  }
0x16: {  	_ =	swait.ge @p0 [sflag:s8], $0x2800  }
0x17: {  	[sflag:s8] =	ssyncset.done @p0 $0x0  }
0x18: {  	s9 =	sadd.s32 @p0 $0x131000, s2;
	[sflag:s8] =	ssyncadd.s32 @p0 $0xFFFFD800  }
0x19: {  	[spmem:s9] =	stream.linear.scatter @p0 [tilespmem:s4], [sflag:$0x5], $0x2800, $0x38;
	[tilespmem:$0x1B180] =	vst v63  }
0x1a: {  	_ =	swait.ge @p0 [sflag:s8], $0x2800  }
0x1b: {  	[sflag:s8] =	ssyncset.done @p0 $0x0  }
0x1c: {  	s9 =	sadd.s32 @p0 $0x133800, s2;
	[sflag:s8] =	ssyncadd.s32 @p0 $0xFFFFD800  }
0x1d: {  	[spmem:s9] =	stream.linear.scatter @p0 [tilespmem:s4], [sflag:$0x5], $0x2800, $0x38;
	[tilespmem:$0x1B180] =	vst v63  }
0x1e: {  	s24 =	smul.u32 $0x50000, s1;
	_ =	swait.ge @p0 [sflag:s8], $0x2800  }
0x1f: {  	[sflag:s8] =	ssyncset.done @p0 $0x0  }
0x20: {  	s10 =	sadd.s32 @p0 $0x136000, s2;
	s9 =	sshrl.u32 s24, $0x2;
	[sflag:s8] =	ssyncadd.s32 @p0 $0xFFFFD800  }
0x21: {  	[spmem:s10] =	stream.linear.scatter @p0 [tilespmem:s4], [sflag:$0x5], $0x2800, $0x38;
	[tilespmem:$0x1B180] =	vst v63  }
0x22: {  	s8 =	simm.s32 @!p0 $0x5100;
	s4 =	sadd.s32 s9, s2;
	s9 =	simm.s32 @!p0 $0x5  }
0x23: {  	[spmem:s4] =	stream.linear.scatter @!p0 [tilespmem:s8], [sflag:$0x5], $0x2800, $0x38;
	[tilespmem:$0x1B180] =	vst v63  }
0x24: {  	_ =	swait.ge @!p0 [sflag:s9], $0x2800  }
0x25: {  	[sflag:s9] =	ssyncset.done @!p0 $0x0  }
0x26: {  	s10 =	sadd.s32 @!p0 $0x2800, s4;
	[sflag:s9] =	ssyncadd.s32 @!p0 $0xFFFFD800  }
0x27: {  	[spmem:s10] =	stream.linear.scatter @!p0 [tilespmem:s8], [sflag:$0x5], $0x2800, $0x38;
	[tilespmem:$0x1B180] =	vst v63  }
0x28: {  	_ =	swait.ge @!p0 [sflag:s9], $0x2800  }
0x29: {  	[sflag:s9] =	ssyncset.done @!p0 $0x0  }
0x2a: {  	s10 =	sadd.s32 @!p0 $0x5000, s4;
	[sflag:s9] =	ssyncadd.s32 @!p0 $0xFFFFD800  }
0x2b: {  	[spmem:s10] =	stream.linear.scatter @!p0 [tilespmem:s8], [sflag:$0x5], $0x2800, $0x38;
	[tilespmem:$0x1B180] =	vst v63  }
0x2c: {  	_ =	swait.ge @!p0 [sflag:s9], $0x2800  }
0x2d: {  	[sflag:s9] =	ssyncset.done @!p0 $0x0  }
0x2e: {  	s10 =	sadd.s32 @!p0 $0x7800, s4;
	[sflag:s9] =	ssyncadd.s32 @!p0 $0xFFFFD800  }
0x2f: {  	[spmem:s10] =	stream.linear.scatter @!p0 [tilespmem:s8], [sflag:$0x5], $0x2800, $0x38;
	[tilespmem:$0x1B180] =	vst v63  }
0x30: {  	_ =	swait.ge @!p0 [sflag:s9], $0x2800  }
0x31: {  	[sflag:s9] =	ssyncset.done @!p0 $0x0  }
0x32: {  	s10 =	sadd.s32 @!p0 $0xA000, s4;
	[sflag:s9] =	ssyncadd.s32 @!p0 $0xFFFFD800  }
0x33: {  	[spmem:s10] =	stream.linear.scatter @!p0 [tilespmem:s8], [sflag:$0x5], $0x2800, $0x38;
	[tilespmem:$0x1B180] =	vst v63  }
0x34: {  	_ =	swait.ge @!p0 [sflag:s9], $0x2800  }
0x35: {  	[sflag:s9] =	ssyncset.done @!p0 $0x0  }
0x36: {  	s10 =	sadd.s32 @!p0 $0xC800, s4;
	[sflag:s9] =	ssyncadd.s32 @!p0 $0xFFFFD800  }
0x37: {  	[spmem:s10] =	stream.linear.scatter @!p0 [tilespmem:s8], [sflag:$0x5], $0x2800, $0x38;
	[tilespmem:$0x1B180] =	vst v63  }
0x38: {  	_ =	swait.ge @!p0 [sflag:s9], $0x2800  }
0x39: {  	[sflag:s9] =	ssyncset.done @!p0 $0x0  }
0x3a: {  	s10 =	sadd.s32 @!p0 $0xF000, s4;
	[sflag:s9] =	ssyncadd.s32 @!p0 $0xFFFFD800  }
0x3b: {  	[spmem:s10] =	stream.linear.scatter @!p0 [tilespmem:s8], [sflag:$0x5], $0x2800, $0x38;
	[tilespmem:$0x1B180] =	vst v63  }
0x3c: {  	_ =	swait.ge @!p0 [sflag:s9], $0x2800  }
0x3d: {  	s25 =	smul.u32 $0x4E20, s1;
	[sflag:s9] =	ssyncset.done @!p0 $0x0  }
0x3e: {  	s26 =	simm.s32 $0x5;
	s11 =	sadd.s32 @!p0 $0x11800, s4;
	[sflag:s9] =	ssyncadd.s32 @!p0 $0xFFFFD800  }
0x3f: {  	[spmem:s11] =	stream.linear.scatter @!p0 [tilespmem:s8], [sflag:$0x5], $0x2800, $0x38;
	[tilespmem:$0x1B180] =	vst v63  }
0x40: {  	s18 =	smul.u32 $0x9C400, s1;
	s13 =	sadd.s32 $0x80, s6;
	_ =	swait.ge [sflag:s26], $0x2800  }
0x41: {  	s28 =	sshrl.u32 s25, $0x3;
	s14 =	sadd.s32 $0x50, s25;
	[sflag:s26] =	ssyncset.done $0x0  }
0x42: {  	s12 =	sadd.s32 s18, s13;
	s15 =	sshrl.u32 s14, $0x3;
	[sflag:s26] =	ssyncadd.s32 $0xFFFFD800  }
0x43: {  	s9 =	sadd.s32 s7, s28;
	s8 =	simm.s32 $0x0;
	[bflag:$0x0] =	sbarrier.arrive $0xFFFF  }
0x44: {  	[tilespmem:s8], [sflag:$0x1] =	stream.linear.gather [hbm4b:s9+s8], $0x50, $0x38;
	[tilespmem:$0x1B180] =	vst v63  }
0x45: {  	s10 =	simm.s32 $0x800;
	s11 =	simm.s32 $0x100;
	s9 =	simm.s32 $0x400  }
0x46: {  	[tilespmem:s11], [sflag:$0x1] =	stream.strided.gather [hbm4b:s12+s9], $0x2800, s10, s9, $0x38;
	[tilespmem:$0x1B180] =	vst v63  }
0x47: {  	s14 =	sshll.u32 s14, $0x5;
	s15 =	sadd.s32 s7, s15;
	s12 =	simm.s32 $0x80  }
0x48: {  	[tilespmem:s12], [sflag:$0x2] =	stream.linear.gather [hbm4b:s15+s8], $0x50, $0x38;
	[tilespmem:$0x1B180] =	vst v63  }
0x49: {  	s14 =	sadd.s32 s14, s13;
	s13 =	simm.s32 $0x2900  }
0x4a: {  	[tilespmem:s13], [sflag:$0x2] =	stream.strided.gather [hbm4b:s14+s9], $0x2800, s10, s9, $0x38;
	[tilespmem:$0x1B180] =	vst v63  }
0x4b: {  	s14 =	simm.s32 $0x1  }
0x4c: {  	_ =	swait.ge [sflag:s14], $0x50  }
0x4d: {  	[sflag:s14] =	ssyncset.done $0x0  }
0x4e: {  	[sflag:s14] =	ssyncadd.s32 $0xFFFFFFB0  }
0x4f: {  	_ =	swait.ge [sflag:s14], $0x2800  }
0x50: {  	[sflag:s14] =	ssyncset.done $0x0  }
0x51: {  	s16 =	simm.s32 $0x2;
	s15 =	simm.s32 $0x50;
	[sflag:s14] =	ssyncadd.s32 $0xFFFFD800  }
0x52: {  	[spmem:s2] =	stream.indirect.scatter.add.f32 [tilespmem:s11], [sflag:$0x3], $0x80, s8, s15, $0xb8;
	[tilespmem:$0x1B180] =	vst v63  }
0x53: {  	_ =	swait.ge [sflag:s16], $0x50  }
0x54: {  	[sflag:s16] =	ssyncset.done $0x0  }
0x55: {  	[sflag:s16] =	ssyncadd.s32 $0xFFFFFFB0  }
0x56: {  	_ =	swait.ge [sflag:s16], $0x2800  }
0x57: {  	[sflag:s16] =	ssyncset.done $0x0  }
0x58: {  	s19 =	smul.u32 $0x9C4, s1;
	s17 =	simm.s32 $0x3;
	[sflag:s16] =	ssyncadd.s32 $0xFFFFD800  }
0x59: {  	[spmem:s2] =	stream.indirect.scatter.add.f32 [tilespmem:s13], [sflag:$0x4], $0x80, s12, s15, $0xb8;
	[tilespmem:$0x1B180] =	vst v63  }
0x5a: {  	s19 =	sadd.s32 s19, s7;
	_ =	swait.ge [sflag:s17], $0x2800  }
0x5b: {  	s20 =	sadd.s32 $0x1E, s19;
	s7 =	sadd.s32 s18, s6;
	[sflag:s17] =	ssyncset.done $0x0  }
0x5c: {  	s29 =	sadd.s32 $0xFFFFFFF6, s20;
	s21 =	sadd.s32 $0x0, s7;
	[sflag:s17] =	ssyncadd.s32 $0xFFFFD800  }
0x5d: {  	[tilespmem:s8], [sflag:$0x1] =	stream.linear.gather [hbm4b:s29+s8], $0x50, $0x38;
	[tilespmem:$0x1B180] =	vst v63  }
0x5e: {  	s18 =	simm.s32 $0x4;
	s30 =	sadd.s32 $0x1480, s21  }
0x5f: {  	[tilespmem:s11], [sflag:$0x1] =	stream.strided.gather [hbm4b:s30+s9], $0x2800, s10, s9, $0x38;
	[tilespmem:$0x1B180] =	vst v63  }
0x60: {  	s31 =	smul.u32 $0x2800, s1;
	_ =	swait.ge [sflag:s18], $0x2800  }
0x61: {  	[sflag:s18] =	ssyncset.done $0x0  }
0x62: {  	s19 =	simm.s32 $0x1400;
	s6 =	sadd.s32 s5, s31;
	[sflag:s18] =	ssyncadd.s32 $0xFFFFD800  }
0x63: {  	[tilespmem:s12], [sflag:$0x2] =	stream.linear.gather [hbm4b:s20+s8], $0x50, $0x38;
	[tilespmem:$0x1B180] =	vst v63  }
0x64: {  	s5 =	sadd.s32 $0x25800, s5;
	s21 =	sadd.s32 $0x1E80, s21;
	s20 =	sadd.s32 $0x14, s20  }
.LBB2_3:
0x65: {  	[tilespmem:s13], [sflag:$0x2] =	stream.strided.gather [hbm4b:s21+s9], $0x2800, s10, s9, $0x38;
	[tilespmem:$0x1B180] =	vst v63  }
0x66: {  	s21 =	smov.u32 s19  }
0x67: {  	p1 =	sne.s32 s19, $0x99C00;
	s19 =	sadd.s32 $0x1400, s19;
	_ =	swait.ge [sflag:s14], $0x50  }
0x68: {  	[sflag:s14] =	ssyncset.done $0x0  }
0x69: {  	[sflag:s14] =	ssyncadd.s32 $0xFFFFFFB0  }
0x6a: {  	_ =	swait.ge [sflag:s14], $0x2800  }
0x6b: {  	[sflag:s14] =	ssyncset.done $0x0  }
0x6c: {  	[sflag:s14] =	ssyncadd.s32 $0xFFFFD800  }
0x6d: {  	[spmem:s2] =	stream.indirect.scatter.add.f32 [tilespmem:s11], [sflag:$0x3], $0x80, s8, s15, $0xb8;
	[tilespmem:$0x1B180] =	vst v63  }
0x6e: {  	_ =	swait.ge [sflag:s16], $0x50  }
0x6f: {  	[sflag:s16] =	ssyncset.done $0x0  }
0x70: {  	[sflag:s16] =	ssyncadd.s32 $0xFFFFFFB0  }
0x71: {  	_ =	swait.ge [sflag:s16], $0x2800  }
0x72: {  	[sflag:s16] =	ssyncset.done $0x0  }
0x73: {  	[sflag:s16] =	ssyncadd.s32 $0xFFFFD800  }
0x74: {  	[spmem:s2] =	stream.indirect.scatter.add.f32 [tilespmem:s13], [sflag:$0x4], $0x80, s12, s15, $0xb8;
	[tilespmem:$0x1B180] =	vst v63  }
0x75: {  	_ =	swait.ge [sflag:s17], $0x2800  }
0x76: {  	[sflag:s17] =	ssyncset.done $0x0  }
0x77: {  	s22 =	sadd.s32 $0xFFFFFFF6, s20;
	s21 =	sadd.s32 s21, s7;
	[sflag:s17] =	ssyncadd.s32 $0xFFFFD800  }
0x78: {  	[tilespmem:s8], [sflag:$0x1] =	stream.linear.gather [hbm4b:s22+s8], $0x50, $0x38;
	[tilespmem:$0x1B180] =	vst v63  }
0x79: {  	s22 =	sadd.s32 $0x1480, s21  }
0x7a: {  	[tilespmem:s11], [sflag:$0x1] =	stream.strided.gather [hbm4b:s22+s9], $0x2800, s10, s9, $0x38;
	[tilespmem:$0x1B180] =	vst v63  }
.Ltmp1:
0x7b: {  	_ =	swait.ge [sflag:s18], $0x2800;
	(pc) =	sbr.rel @p1 .LBB2_3-.Ltmp1, $4  }
0x7c: {  	[sflag:s18] =	ssyncset.done $0x0  }
0x7d: {  	[sflag:s18] =	ssyncadd.s32 $0xFFFFD800  }
0x7e: {  	[tilespmem:s12], [sflag:$0x2] =	stream.linear.gather [hbm4b:s20+s8], $0x50, $0x38;
	[tilespmem:$0x1B180] =	vst v63  }
0x7f: {  	s21 =	sadd.s32 $0x1E80, s21;
	s20 =	sadd.s32 $0x14, s20  }
0x80: {  	[tilespmem:s13], [sflag:$0x2] =	stream.strided.gather [hbm4b:s21+s9], $0x2800, s10, s9, $0x38;
	[tilespmem:$0x1B180] =	vst v63  }
0x81: {  	s7 =	simm.s32 $0x1  }
0x82: {  	_ =	swait.ge [sflag:s7], $0x50  }
0x83: {  	[sflag:s7] =	ssyncset.done $0x0  }
0x84: {  	[sflag:s7] =	ssyncadd.s32 $0xFFFFFFB0  }
0x85: {  	_ =	swait.ge [sflag:s7], $0x2800  }
0x86: {  	s24 =	simm.s32 $0x50;
	s8 =	simm.s32 $0x0;
	[sflag:s7] =	ssyncset.done $0x0  }
0x87: {  	s25 =	simm.s32 $0x100;
	s26 =	simm.s32 $0x2;
	[sflag:s7] =	ssyncadd.s32 $0xFFFFD800  }
0x88: {  	[spmem:s2] =	stream.indirect.scatter.add.f32 [tilespmem:s25], [sflag:$0x3], $0x80, s8, s24, $0xb8;
	[tilespmem:$0x1B180] =	vst v63  }
0x89: {  	_ =	swait.ge [sflag:s26], $0x50  }
0x8a: {  	[sflag:s26] =	ssyncset.done $0x0  }
0x8b: {  	[sflag:s26] =	ssyncadd.s32 $0xFFFFFFB0  }
0x8c: {  	_ =	swait.ge [sflag:s26], $0x2800  }
0x8d: {  	s28 =	simm.s32 $0x80;
	[sflag:s26] =	ssyncset.done $0x0  }
0x8e: {  	s29 =	simm.s32 $0x2900;
	s30 =	simm.s32 $0x3;
	[sflag:s26] =	ssyncadd.s32 $0xFFFFD800  }
0x8f: {  	[spmem:s2] =	stream.indirect.scatter.add.f32 [tilespmem:s29], [sflag:$0x4], $0x80, s28, s24, $0xb8;
	[tilespmem:$0x1B180] =	vst v63  }
0x90: {  	_ =	swait.ge [sflag:s30], $0x2800  }
0x91: {  	[sflag:s30] =	ssyncset.done $0x0  }
0x92: {  	s31 =	simm.s32 $0x4;
	[sflag:s30] =	ssyncadd.s32 $0xFFFFD800  }
0x93: {  	_ =	swait.ge [sflag:s31], $0x2800  }
0x94: {  	[sflag:s31] =	ssyncset.done $0x0  }
0x95: {  	[sflag:s31] =	ssyncadd.s32 $0xFFFFD800  }
0x96: {  	s2 =	sshrl.u32 @p0 s3, $0x3;
	s3 =	simm.s32 @p0 $0x1FC5;
	[bflag:$0x0] =	sbarrier.arrive $0xFFFF  }
0x97: {  	[hbm:s5], [sflag:s3] =	dma.local @p0 [spmem:s2], $0x1900  }
0x98: {  	s2 =	simm.s32 @p0 $0x5  }
0x99: {  	_ =	swait.ge @p0 [sflag:s2], $0x1900  }
0x9a: {  	s3 =	sshll.u32 @!p0 s1, $0x6;
	[sflag:s2] =	ssyncset.done @p0 $0x0  }
0x9b: {  	[sflag:s2] =	ssyncadd.s32 @p0 $0xFFFFE700;
	s2 =	sor.u32 @!p0 $0x1C05, s3;
	s3 =	sshrl.u32 @!p0 s4, $0x3  }
0x9c: {  	[hbm:s6], [sflag:s2] =	dma.local @!p0 [spmem:s3], $0x2800  }
0x9d: {  	s2 =	simm.s32 @!p0 $0x5  }
0x9e: {  	_ =	swait.ge @!p0 [sflag:s2], $0x2800  }
0x9f: {  	[sflag:s2] =	ssyncset.done @!p0 $0x0  }
0xa0: {  	[sflag:s2] =	ssyncadd.s32 @!p0 $0xFFFFD800  }
0xa1: {  	_ =	sfence.sel $0x180000  }
0xa2: {  	[bflag:$0x0] =	sbarrier.arrive $0xFFFF  }
0xa3: {  	p0 =	sne.s32 s1, $0x0;
	_ =	strace $0x9000004A  }
0xa4: {  	s0 =	sadd.s32 @!p0 $0x100000, s0;
	[bflag:$0x2] =	sbarrier.arrive $0xFFFF  }
0xa5: {  	[sflag:s0] =	ssyncadd.tile.s32 @!p0 $0x1;
	_ =	shalt  }
.Lfunc_end2:
_tile_overlayer_lowered:
.L_overlay_start_2:
0xa6: {  	(tag) =	ssettag $0x2  }
0xa7: {  	s0 =	rddreg [dreg:$0x0];
	s2 =	stileid.u32  }
0xa8: {  	s1 =	rddreg [dreg:$0x1];
	p0 =	sne.s32 s2, $0x0  }
0xa9: {  	s3 =	rddreg [dreg:$0x2];
	[bflag:$0x3] =	sbarrier.arrive $0xFFFF;
	s2 =	simm.s32 @!p0 $0x1C05  }
0xaa: {  	[timem:s3], [sflag:s2] =	dma.local @!p0 [hbm:s0], s1  }
0xab: {  	s0 =	simm.s32 @!p0 $0x5  }
0xac: {  	_ =	swait.ge @!p0 [sflag:s0], s1  }
0xad: {  	s1 =	ssub.s32 @!p0 $0x0, s1;
	[sflag:s0] =	ssyncset.done @!p0 $0x0  }
0xae: {  	[sflag:s0] =	ssyncadd.s32 @!p0 s1  }
0xaf: {  	[bflag:$0x3] =	sbarrier.arrive $0xFFFF  }
0xb0: {  	_ =	shalt  }

// kernel: kernel.8.cloned.1.call-start
scs
__scs_entry_jumppad:
0x0: {  	(pc) =	sbr.rel $0x88, $3  }
0x1: {  	(tag) =	ssettag $0x0;
	lr =	simm.s32 $0x1  }
0x2: {  	[smem:$0x3F83] =	sst lr;
	_ =	strace $0xD0000000  }
0x3: {  	_ = 	snop  }
0x4: {  	_ = 	snop  }
0x5: {  	_ = 	snop  }
0x6: {  	_ = 	snop  }
0x7: {  	_ = 	snop  }
__scs_overlays_trampoline_lowered:
0x8: {  	[smem:$0x3F92] =	sst s0  }
0x9: {  	[smem:$0x3F93] =	sst s1  }
0xa: {  	[smem:$0x3F94] =	sst s2  }
0xb: {  	[smem:$0x3F95] =	sst s3  }
0xc: {  	[smem:$0x3F96] =	sst s4  }
0xd: {  	[smem:$0x3F97] =	sst s5  }
0xe: {  	[smem:$0x3F98] =	sst s6  }
0xf: {  	[smem:$0x3F99] =	sst s7  }
0x10: {  	[smem:$0x3F9A] =	sst s8  }
0x11: {  	[smem:$0x3F9B] =	sst s9;
	s0 =	simm.s32 @!p0 $0x0  }
0x12: {  	s1 =	sld [smem:$0x3F81];
	s0 =	simm.s32 @p0 $0x1  }
0x13: {  	[smem:$0x3F9C] =	sst s0;
	s0 =	simm.s32 @!p1 $0x0  }
0x14: {  	s2 =	sld [smem:$0x3F80];
	s0 =	simm.s32 @p1 $0x1  }
0x15: {  	[smem:$0x3F9D] =	sst s0;
	s0 =	simm.s32 @!p2 $0x0  }
0x16: {  	s3 =	sld [smem:$0x3FDB];
	s0 =	simm.s32 @p2 $0x1  }
0x17: {  	s4 =	simm.s32 $0x1BF5;
	[smem:$0x3F9F] =	sst s0  }
0x18: {  	s0 =	sld [smem:$0x3F82];
	_ =	swait.ge [sflag:s4], $0x0  }
0x19: {  	s7 =	sld [smem:$0x3F83]  }
0x1a: {  	s8 =	sadd.s32 $0xFFFFE003, lr  }
0x1b: {  	s9 =	sadd.s32 $0xFFFFFEF7, lr;
	s5 =	simm.s32 $0xFFFFFFFF;
	p2 =	slt.u32 s8, $0xFFFFF086  }
0x1c: {  	p1 =	slt.u32 s9, $0xF7A;
	s5 =	simm.s32 @!p2 $0x0  }
0x1d: {  	s5 =	simm.s32 @p1 $0x1;
	p0 =	seq.s32 s7, s2  }
0x1e: {  	s7 =	smul.u32 @!p0 $0xF7A, s2;
	p2 =	seq.s32 @!p0 s5, $0x0  }
0x1f: {  	s9 =	smul.u32 $0xF7A, s1;
	s8 =	simm.s32 @!p0 $0x1BF5;
	p2 =	por !p2, p0  }
0x20: {  	[sflag:s8] =	ssyncset.s32 @!p0 $0xFFFFF086;
	s6 =	sadd.s32 @!p0 s3, s7;
	s7 =	simm.s32 @!p0 $0x108  }
0x21: {  	s3 =	sadd.s32 s3, s9;
	s6 =	sadd.s32 @!p0 $0x88, s6;
	s7 =	simm.s32 @p2 $0x1082  }
0x22: {  	[simem:s7], [sflag:s8] =	dma.local @!p0 [hbm:s6], $0xF7A  }
0x23: {  	s9 =	sor.u32 $0xD0000000, s2;
	s6 =	simm.s32 $0x108;
	_ =	swait.ge @!p0 [sflag:s8], $0x0  }
0x24: {  	s3 =	sadd.s32 $0x88, s3;
	s6 =	simm.s32 @!p1 $0x1082;
	[sflag:s4] =	ssyncset.s32 $0xFFFFF086  }
0x25: {  	[simem:s6], [sflag:s4] =	dma.local [hbm:s3], $0xF7A  }
0x26: {  	[smem:$0x3F83] =	sst s1;
	(tag) =	ssettag s2;
	_ =	strace s9  }
0x27: {  	s1 =	sld [smem:$0x3F93]  }
0x28: {  	s2 =	sld [smem:$0x3F94]  }
0x29: {  	s4 =	sld [smem:$0x3F96]  }
0x2a: {  	p0 =	seq.s32 s5, $0x0;
	s5 =	sld [smem:$0x3F97]  }
0x2b: {  	s6 =	sld [smem:$0x3F98]  }
0x2c: {  	s7 =	sld [smem:$0x3F99]  }
0x2d: {  	s3 =	simm.s32 $0x108;
	s8 =	sld [smem:$0x3F9A]  }
0x2e: {  	s3 =	simm.s32 @!p0 $0x1082;
	s9 =	sld [smem:$0x3F9B]  }
0x2f: {  	lr =	sadd.s32 s0, s3;
	s0 =	sld [smem:$0x3F92]  }
0x30: {  	s3 =	sld [smem:$0x3F95]  }
0x31: {  	[smem:$0x3F9E] =	sst s10  }
0x32: {  	s10 =	sld [smem:$0x3F9C];
	_ =	sdelay $0x3  }
0x33: {  	p0 =	seq.s32 s10, $0x1;
	s10 =	sld [smem:$0x3F9E];
	_ =	sdelay $0x3  }
0x34: {  	[smem:$0x3F9E] =	sst s10  }
0x35: {  	s10 =	sld [smem:$0x3F9D];
	_ =	sdelay $0x3  }
0x36: {  	p1 =	seq.s32 s10, $0x1;
	s10 =	sld [smem:$0x3F9E];
	_ =	sdelay $0x3  }
0x37: {  	[smem:$0x3F9E] =	sst s10  }
0x38: {  	s10 =	sld [smem:$0x3F9F]  }
0x39: {  	_ = 	snop;
	(pc) =	sbr.ind lr, $3  }
0x3a: {  	_ = 	snop  }
0x3b: {  	_ = 	snop  }
0x3c: {  	p2 =	seq.s32 s10, $0x1;
	s10 =	sld [smem:$0x3F9E]  }
0x3d: {  	_ =	shalt  }
0x3e: {  	_ =	shalt  }
0x3f: {  	_ =	shalt  }
0x40: {  	_ =	shalt  }
0x41: {  	_ =	shalt  }
0x42: {  	_ =	shalt  }
0x43: {  	_ =	shalt  }
0x44: {  	_ =	shalt  }
0x45: {  	_ =	shalt  }
0x46: {  	_ =	shalt  }
0x47: {  	_ =	shalt  }
0x48: {  	_ =	shalt  }
0x49: {  	_ =	shalt  }
0x4a: {  	_ =	shalt  }
0x4b: {  	_ =	shalt  }
0x4c: {  	_ =	shalt  }
0x4d: {  	_ =	shalt  }
0x4e: {  	_ =	shalt  }
0x4f: {  	_ =	shalt  }
0x50: {  	_ =	shalt  }
0x51: {  	_ =	shalt  }
0x52: {  	_ =	shalt  }
0x53: {  	_ =	shalt  }
0x54: {  	_ =	shalt  }
0x55: {  	_ =	shalt  }
0x56: {  	_ =	shalt  }
0x57: {  	_ =	shalt  }
0x58: {  	_ =	shalt  }
0x59: {  	_ =	shalt  }
0x5a: {  	_ =	shalt  }
0x5b: {  	_ =	shalt  }
0x5c: {  	_ =	shalt  }
0x5d: {  	_ =	shalt  }
0x5e: {  	_ =	shalt  }
0x5f: {  	_ =	shalt  }
0x60: {  	_ =	shalt  }
0x61: {  	_ =	shalt  }
0x62: {  	_ =	shalt  }
0x63: {  	_ =	shalt  }
0x64: {  	_ =	shalt  }
0x65: {  	_ =	shalt  }
0x66: {  	_ =	shalt  }
0x67: {  	_ =	shalt  }
0x68: {  	_ =	shalt  }
0x69: {  	_ =	shalt  }
0x6a: {  	_ =	shalt  }
0x6b: {  	_ =	shalt  }
0x6c: {  	_ =	shalt  }
0x6d: {  	_ =	shalt  }
0x6e: {  	_ =	shalt  }
0x6f: {  	_ =	shalt  }
0x70: {  	_ =	shalt  }
0x71: {  	_ =	shalt  }
0x72: {  	_ =	shalt  }
0x73: {  	_ =	shalt  }
0x74: {  	_ =	shalt  }
0x75: {  	_ =	shalt  }
0x76: {  	_ =	shalt  }
0x77: {  	_ =	shalt  }
0x78: {  	_ =	shalt  }
0x79: {  	_ =	shalt  }
0x7a: {  	_ =	shalt  }
0x7b: {  	_ =	shalt  }
0x7c: {  	_ =	shalt  }
0x7d: {  	_ =	shalt  }
0x7e: {  	_ =	shalt  }
0x7f: {  	_ =	shalt  }
0x80: {  	_ =	shalt  }
0x81: {  	_ =	shalt  }
0x82: {  	_ =	shalt  }
0x83: {  	_ =	shalt  }
0x84: {  	_ =	shalt  }
0x85: {  	_ =	shalt  }
0x86: {  	_ =	shalt  }
0x87: {  	_ =	shalt  }
.Lfunc_end0:
.L_simem_size_0:
called_computation_lowered:
.L_overlay_start_0:
0x88: {  	s2 =	sld [smem:$0x3FD9]  }
0x89: {  	s3 =	sld [smem:$0x3FFE];
	_ =	sdelay $0x1  }
0x8a: {  	s1 =	srdreg.scid  }
0x8b: {  	s0 =	sand.u32 $0x1, s1  }
0x8c: {  	s16 =	sshll.u32 s0, $0xA;
	s2 =	sadd.s32 s3, s2  }
0x8d: {  	s2 =	sadd.s32 s2, s16  }
0x8e: {  	[smem:$0x3FAA] =	sst s2  }
0x8f: {  	_ = 	snop  }
0x90: {  	(tm) =	ssettm $0x1  }
0x91: {  	s17 =	sld [smem:$0x3FFB];
	_ =	sdelay $0x3  }
0x92: {  	_ =	strace s17  }
0x93: {  	s2 =	sld [smem:$0x3FFC];
	_ =	sdelay $0x3  }
0x94: {  	_ =	strace s2  }
0x95: {  	s2 =	sld [smem:$0x3FFD];
	_ =	sdelay $0x3  }
0x96: {  	_ =	strace s2  }
0x97: {  	_ =	strace $0x8FFFFFFF  }
0x98: {  	s18 =	sld [smem:$0x3FDB];
	_ =	sdelay $0x1  }
0x99: {  	s19 =	simm.s32 $_scs_section_size  }
0x9a: {  	s4 =	simm.s32 $_size__tile_overlayer_lowered;
	s5 =	simm.s32 $_tile_overlayer_lowered  }
0x9b: {  	s22 =	simm.s32 $0x1BFF;
	s21 =	sshll.u32 s5, $0x1;
	s2 =	sadd.s32 s19, s18  }
0x9c: {  	s6 =	simm.s32 $0x0;
	s20 =	sshll.u32 s4, $0x1;
	s4 =	sadd.s32 s21, s2  }
0x9d: {  	[timem:s6], [sflag:s22] =	dma.local [hbm:s4], s20  }
0x9e: {  	_ =	swait.ge [sflag:s22], s20  }
0x9f: {  	s3 =	ssub.s32 $0x0, s20;
	[sflag:s22] =	ssyncset.done $0x0  }
0xa0: {  	[sflag:s22] =	ssyncadd.s32 s3;
	_ =	sdelay $0x1  }
0xa1: {  	s23 =	simm.s32 $0x1B8B  }
0xa2: {  	_ =	swait.ge [sflag:s23], $0x1  }
0xa3: {  	[sflag:s23] =	ssyncset.done $0x0  }
0xa4: {  	s25 =	simm.s32 $0x1B8E;
	s24 =	sld [smem:$0x3FFE];
	[sflag:s23] =	ssyncadd.s32 $0xFFFFFFFF  }
0xa5: {  	s26 =	simm.s32 $execute0_lowered;
	[smem:$0x3FD2] =	sst s25  }
0xa6: {  	s4 =	sshll.u32 s26, $0x1;
	_ =	strace $0x80000046;
	[dreg:$0x1] =	wrdreg $0xFFFFFFFF  }
0xa7: {  	s28 =	simm.s32 $_size_execute0_lowered;
	s2 =	sadd.s32 s2, s4;
	[dreg:$0x0] =	wrdreg $0x0  }
0xa8: {  	s4 =	sshll.u32 s28, $0x1;
	[dreg:$0x2] =	wrdreg s2  }
0xa9: {  	[dreg:$0x3] =	wrdreg s4  }
0xaa: {  	[dreg:$0x4] =	wrdreg $0xC0  }
0xab: {  	_ =	task [dreg:s6], $0x5FFFF  }
0xac: {  	[dreg:$0x1] =	wrdreg $0xFFFFFFFF  }
0xad: {  	[dreg:$0x0] =	wrdreg $0x60  }
0xae: {  	[dreg:$0x2] =	wrdreg s24  }
0xaf: {  	[dreg:$0x3] =	wrdreg $0x9  }
0xb0: {  	_ =	task.clear_ibuf [dreg:s6], $0x4FFFF;
	_ =	strace $0x90000046  }
0xb1: {  	s29 =	simm.s32 $0x9;
	_ =	strace $0x80000048  }
0xb2: {  	_ =	swait.ge [sflag:s29], $0x1  }
0xb3: {  	[sflag:s29] =	ssyncadd.s32 $0xFFFFFFFF  }
0xb4: {  	_ =	strace $0x90000048  }
0xb5: {  	_ =	sfence  }
0xb6: {  	s30 =	sld [smem:$0x0];
	_ =	sdelay $0x2  }
0xb7: {  	s31 =	sshll.u32 s1, $0xD;
	s1 =	sshrl.u32 s1, $0x2  }
0xb8: {  	s3 =	sand.u32 $0x4000, s31;
	s1 =	sadd.s32 s1, s30  }
0xb9: {  	s0 =	sor.u32 s3, s0;
	s1 =	sshll.u32 s1, $0x11  }
0xba: {  	s0 =	sor.u32 s1, s0  }
0xbb: {  	s0 =	sadd.s32 $0x8F2B, s0  }
0xbc: {  	[sflag:s0] =	ssyncadd.remote.s32 $0x1  }
0xbd: {  	_ =	sfence.sel $0xFFFF  }
0xbe: {  	[dreg:$0x0] =	wrdreg $0xFFFFFFFF;
	(pc) =	sbr.abs _section_cstart, $3  }
0xbf: {  	[dreg:$0x1] =	wrdreg $0xFFFFFFFF  }
0xc0: {  	_ =	task.clear_ibuf [dreg:s6], $0x2FFFF;
	_ =	strace $0x9FFFFFFF  }
0xc1: {  	(tm) =	ssettm $0x7FFFFFFF  }
tec
execute0_lowered:
.L_overlay_start_1:
0x0: {  	(tag) =	ssettag $0x1  }
0x1: {  	s0 =	srdreg.scid  }
0x2: {  	s10 =	stileid.u32;
	s1 =	rddreg [dreg:$0x0]  }
0x3: {  	s2 =	simm.s32 $0x0;
	s13 =	simm.s32 $0x9;
	s15 =	simm.s32 $0x50  }
0x4: {  	s16 =	simm.s32 $0x4F00;
	s17 =	simm.s32 $0x7700;
	s18 =	simm.s32 $0x9F00  }
0x5: {  	s20 =	simm.s32 $0xC700;
	s21 =	simm.s32 $0x1;
	s28 =	simm.s32 $0x3  }
0x6: {  	s29 =	simm.s32 $0x5;
	s30 =	simm.s32 $0x4;
	s31 =	simm.s32 $0x6  }
0x7: {  	s19 =	simm.s32 $0x0;
	s0 =	sand.u32 $0x1, s0;
	s3 =	sshll.u32 s10, $0x1  }
0x8: {  	[smem:$0x7FF] =	sst s2;
	s4 =	sadd.s32 $0x40800, s1;
	s8 =	sadd.s32 $0x67A00, s1  }
0x9: {  	s23 =	smul.u32 $0x4E200, s10;
	s5 =	sor.u32 s0, s3;
	_ =	strace $0x80000047  }
0xa: {  	s3 =	sadd.s32 $0x19600, s1;
	s7 =	ssub.s32 $0x2, s0;
	s10 =	smul.u32 $0x27100, s0  }
0xb: {  	s0 =	simm.s32 $0x8;
	s6 =	smul.u32 $0x2710, s5;
	s9 =	sshrl.u32 s7, $0x1  }
0xc: {  	s5 =	smul.u32 $0x138800, s5;
	s26 =	sadd.s32 s23, s8;
	s7 =	ssub.s32 s7, s9  }
0xd: {  	[dreg:$0x7] =	wrdreg s26;
	s26 =	simm.s32 $0x16700;
	s6 =	sshrl.u32 s6, $0x3  }
0xe: {  	s5 =	sshrl.u32 s5, $0x3;
	s25 =	smax.u32 s7, $0x1;
	s6 =	sadd.s32 s6, s1  }
0xf: {  	s5 =	sadd.s32 $0x26C00, s5;
	[dreg:$0x6] =	wrdreg s25;
	s22 =	sadd.s32 $0x5A00, s6  }
.Ltmp0:
0x10: {  	s6 =	sadd.s32 $0xF800, s6;
	[dreg:$0x2] =	wrdreg s22;
	(pc) =	sbr.rel .LBB2_1-.Ltmp0, $4  }
0x11: {  	s1 =	sadd.s32 $0x549A00, s1;
	s24 =	sadd.s32 s8, s5;
	[dreg:$0x3] =	wrdreg s6  }
0x12: {  	s25 =	simm.s32 $0x13F00;
	s5 =	sadd.s32 s1, s5;
	[dreg:$0x4] =	wrdreg s24  }
0x13: {  	[dreg:$0x5] =	wrdreg s5;
	s5 =	sadd.s32 s23, s1;
	s22 =	simm.s32 $0xEF00  }
0x14: {  	s23 =	simm.s32 $0x11700;
	s24 =	simm.s32 $0x2;
	s1 =	simm.s32 $0x7  }
.LBB2_4:
0x15: {  	_ =	swait.ge [sflag:s21], $0x2800  }
0x16: {  	[sflag:s21] =	ssyncset.done $0x0  }
0x17: {  	[sflag:s21] =	ssyncadd.s32 $0xFFFFD800  }
0x18: {  	_ =	swait.ge [sflag:s21], $0x2800  }
0x19: {  	[sflag:s21] =	ssyncset.done $0x0  }
0x1a: {  	s6 =	rddreg [dreg:$0x4];
	[sflag:s21] =	ssyncadd.s32 $0xFFFFD800  }
0x1b: {  	[hbm4b:s6+s2] =	stream.linear.scatter [tilespmem:s16], [sflag:$0x5], $0x2800, $0x38;
	[tilespmem:$0x18F00] =	vst v63  }
0x1c: {  	s12 =	rddreg [dreg:$0x5]  }
0x1d: {  	[hbm4b:s12+s2] =	stream.linear.scatter [tilespmem:s17], [sflag:$0x5], $0x2800, $0x38;
	[tilespmem:$0x18F00] =	vst v63  }
0x1e: {  	_ =	swait.ge [sflag:s1], $0x2800  }
0x1f: {  	[sflag:s1] =	ssyncset.done $0x0  }
0x20: {  	[sflag:s1] =	ssyncadd.s32 $0xFFFFD800  }
0x21: {  	_ =	swait.ge [sflag:s1], $0x2800  }
0x22: {  	[sflag:s1] =	ssyncset.done $0x0  }
0x23: {  	[sflag:s1] =	ssyncadd.s32 $0xFFFFD800  }
0x24: {  	_ =	swait.ge [sflag:s0], $0x2800  }
0x25: {  	[sflag:s0] =	ssyncset.done $0x0  }
0x26: {  	[sflag:s0] =	ssyncadd.s32 $0xFFFFD800  }
0x27: {  	_ =	swait.ge [sflag:s0], $0x2800  }
0x28: {  	[sflag:s0] =	ssyncset.done $0x0  }
0x29: {  	[sflag:s0] =	ssyncadd.s32 $0xFFFFD800  }
0x2a: {  	_ =	swait.ge [sflag:s29], $0x2800  }
0x2b: {  	[sflag:s29] =	ssyncset.done $0x0  }
0x2c: {  	[sflag:s29] =	ssyncadd.s32 $0xFFFFD800  }
0x2d: {  	_ =	swait.ge [sflag:s29], $0x2800  }
0x2e: {  	s19 =	sadd.s32 $0x1, s19;
	s14 =	rddreg [dreg:$0x6]  }
0x2f: {  	p0 =	sne.s32 s19, s14  }
.Ltmp1:
0x30: {  	_ = 	snop;
	(pc) =	sbr.rel @!p0 .LBB2_5-.Ltmp1, $3  }
0x31: {  	_ =	sdelay $0x1  }
0x32: {  	[sflag:s29] =	ssyncset.done $0x0  }
0x33: {  	[sflag:s29] =	ssyncadd.s32 $0xFFFFD800  }
.LBB2_1:
0x34: {  	s6 =	rddreg [dreg:$0x2]  }
0x35: {  	[tilespmem:s2], [sflag:$0x9] =	stream.linear.gather [hbm4b:s6+s2], $0x2710, $0x38;
	[tilespmem:$0x18F00] =	vst v63  }
0x36: {  	_ =	swait.ge [sflag:s13], $0x2710  }
0x37: {  	[sflag:s13] =	ssyncset.done $0x0  }
0x38: {  	s7 =	simm.s32 $0x2780;
	s12 =	rddreg [dreg:$0x3];
	[sflag:s13] =	ssyncadd.s32 $0xFFFFD8F0  }
0x39: {  	[tilespmem:s7], [sflag:$0x9] =	stream.linear.gather [hbm4b:s12+s2], $0x2710, $0x38;
	[tilespmem:$0x18F00] =	vst v63  }
0x3a: {  	_ =	swait.ge [sflag:s13], $0x2710  }
0x3b: {  	[sflag:s13] =	ssyncset.done $0x0  }
0x3c: {  	[sflag:s13] =	ssyncadd.s32 $0xFFFFD8F0  }
0x3d: {  	[tilespmem:s16], [sflag:$0x1] =	stream.indirect.gather [hbm4b:s3+s15], $0x80, s2, s15, $0xb8;
	[tilespmem:$0x18F00] =	vst v63  }
0x3e: {  	_ = 	snop  }
0x3f: {  	[tilespmem:s17], [sflag:$0x1] =	stream.indirect.gather [hbm4b:s4+s15], $0x80, s7, s15, $0xb8;
	[tilespmem:$0x18F00] =	vst v63  }
0x40: {  	s14 =	simm.s32 $0x27D0  }
0x41: {  	[tilespmem:s18], [sflag:$0x2] =	stream.indirect.gather [hbm4b:s3+s15], $0x80, s15, s15, $0xb8;
	[tilespmem:$0x18F00] =	vst v63  }
0x42: {  	s12 =	smov.u32 s5;
	s11 =	rddreg [dreg:$0x7];
	s7 =	simm.s32 $0x0  }
0x43: {  	[tilespmem:s20], [sflag:$0x2] =	stream.indirect.gather [hbm4b:s4+s15], $0x80, s14, s15, $0xb8;
	[tilespmem:$0x18F00] =	vst v63  }
.LBB2_2:
0x44: {  	_ =	swait.ge [sflag:s21], $0x2800  }
0x45: {  	[sflag:s21] =	ssyncset.done $0x0  }
0x46: {  	[sflag:s21] =	ssyncadd.s32 $0xFFFFD800  }
0x47: {  	_ =	swait.ge [sflag:s21], $0x2800  }
0x48: {  	[sflag:s21] =	ssyncset.done $0x0  }
0x49: {  	s9 =	sadd.s32 s11, s10;
	p0 =	seq.s32 s7, $0x0;
	[sflag:s21] =	ssyncadd.s32 $0xFFFFD800  }
0x4a: {  	[hbm4b:s9+s2] =	stream.linear.scatter [tilespmem:s16], [sflag:$0x5], $0x2800, $0x38;
	[tilespmem:$0x18F00] =	vst v63  }
0x4b: {  	s14 =	sadd.s32 s12, s10;
	s6 =	simm.s32 @!p0 $0x7  }
0x4c: {  	[hbm4b:s14+s2] =	stream.linear.scatter [tilespmem:s17], [sflag:$0x5], $0x2800, $0x38;
	[tilespmem:$0x18F00] =	vst v63  }
0x4d: {  	_ =	swait.ge @!p0 [sflag:s6], $0x2800  }
0x4e: {  	[sflag:s6] =	ssyncset.done @!p0 $0x0  }
0x4f: {  	[sflag:s6] =	ssyncadd.s32 @!p0 $0xFFFFD800  }
0x50: {  	_ =	swait.ge @!p0 [sflag:s6], $0x2800  }
0x51: {  	s8 =	sshra.s32 s7, $0x2;
	[sflag:s6] =	ssyncset.done @!p0 $0x0  }
0x52: {  	[sflag:s6] =	ssyncadd.s32 @!p0 $0xFFFFD800;
	s6 =	sadd.s32 $0xA0, s8  }
0x53: {  	[tilespmem:s22], [sflag:$0x3] =	stream.indirect.gather [hbm4b:s3+s15], $0x80, s6, s15, $0xb8;
	[tilespmem:$0x18F00] =	vst v63  }
0x54: {  	s6 =	sadd.s32 $0x2820, s8  }
0x55: {  	[tilespmem:s23], [sflag:$0x3] =	stream.indirect.gather [hbm4b:s4+s15], $0x80, s6, s15, $0xb8;
	[tilespmem:$0x18F00] =	vst v63  }
0x56: {  	_ =	swait.ge [sflag:s24], $0x2800  }
0x57: {  	[sflag:s24] =	ssyncset.done $0x0  }
0x58: {  	[sflag:s24] =	ssyncadd.s32 $0xFFFFD800  }
0x59: {  	_ =	swait.ge [sflag:s24], $0x2800  }
0x5a: {  	[sflag:s24] =	ssyncset.done $0x0  }
0x5b: {  	s6 =	sadd.s32 $0x500, s9;
	[sflag:s24] =	ssyncadd.s32 $0xFFFFD800  }
0x5c: {  	[hbm4b:s6+s2] =	stream.linear.scatter [tilespmem:s18], [sflag:$0x6], $0x2800, $0x38;
	[tilespmem:$0x18F00] =	vst v63  }
0x5d: {  	s6 =	sadd.s32 $0x500, s14  }
0x5e: {  	[hbm4b:s6+s2] =	stream.linear.scatter [tilespmem:s20], [sflag:$0x6], $0x2800, $0x38;
	[tilespmem:$0x18F00] =	vst v63  }
0x5f: {  	s6 =	simm.s32 @!p0 $0x8  }
0x60: {  	_ =	swait.ge @!p0 [sflag:s6], $0x2800  }
0x61: {  	[sflag:s6] =	ssyncset.done @!p0 $0x0  }
0x62: {  	[sflag:s6] =	ssyncadd.s32 @!p0 $0xFFFFD800  }
0x63: {  	_ =	swait.ge @!p0 [sflag:s6], $0x2800  }
0x64: {  	[sflag:s6] =	ssyncset.done @!p0 $0x0  }
0x65: {  	[sflag:s6] =	ssyncadd.s32 @!p0 $0xFFFFD800;
	s6 =	sadd.s32 $0xF0, s8  }
0x66: {  	[tilespmem:s25], [sflag:$0x4] =	stream.indirect.gather [hbm4b:s3+s15], $0x80, s6, s15, $0xb8;
	[tilespmem:$0x18F00] =	vst v63  }
0x67: {  	s6 =	sadd.s32 $0x2870, s8  }
0x68: {  	[tilespmem:s26], [sflag:$0x4] =	stream.indirect.gather [hbm4b:s4+s15], $0x80, s6, s15, $0xb8;
	[tilespmem:$0x18F00] =	vst v63  }
0x69: {  	_ =	swait.ge [sflag:s28], $0x2800  }
0x6a: {  	[sflag:s28] =	ssyncset.done $0x0  }
0x6b: {  	[sflag:s28] =	ssyncadd.s32 $0xFFFFD800  }
0x6c: {  	_ =	swait.ge [sflag:s28], $0x2800  }
0x6d: {  	[sflag:s28] =	ssyncset.done $0x0  }
0x6e: {  	s6 =	sadd.s32 $0xA00, s9;
	[sflag:s28] =	ssyncadd.s32 $0xFFFFD800  }
0x6f: {  	[hbm4b:s6+s2] =	stream.linear.scatter [tilespmem:s22], [sflag:$0x7], $0x2800, $0x38;
	[tilespmem:$0x18F00] =	vst v63  }
0x70: {  	s6 =	sadd.s32 $0xA00, s14  }
0x71: {  	[hbm4b:s6+s2] =	stream.linear.scatter [tilespmem:s23], [sflag:$0x7], $0x2800, $0x38;
	[tilespmem:$0x18F00] =	vst v63  }
0x72: {  	_ =	swait.ge [sflag:s29], $0x2800  }
0x73: {  	[sflag:s29] =	ssyncset.done $0x0  }
0x74: {  	[sflag:s29] =	ssyncadd.s32 $0xFFFFD800  }
0x75: {  	_ =	swait.ge [sflag:s29], $0x2800  }
0x76: {  	[sflag:s29] =	ssyncset.done $0x0  }
0x77: {  	s6 =	sadd.s32 $0x140, s8;
	[sflag:s29] =	ssyncadd.s32 $0xFFFFD800  }
0x78: {  	[tilespmem:s16], [sflag:$0x1] =	stream.indirect.gather [hbm4b:s3+s15], $0x80, s6, s15, $0xb8;
	[tilespmem:$0x18F00] =	vst v63  }
0x79: {  	s6 =	sadd.s32 $0x28C0, s8  }
0x7a: {  	[tilespmem:s17], [sflag:$0x1] =	stream.indirect.gather [hbm4b:s4+s15], $0x80, s6, s15, $0xb8;
	[tilespmem:$0x18F00] =	vst v63  }
0x7b: {  	_ =	swait.ge [sflag:s30], $0x2800  }
0x7c: {  	[sflag:s30] =	ssyncset.done $0x0  }
0x7d: {  	[sflag:s30] =	ssyncadd.s32 $0xFFFFD800  }
0x7e: {  	_ =	swait.ge [sflag:s30], $0x2800  }
0x7f: {  	[sflag:s30] =	ssyncset.done $0x0  }
0x80: {  	s9 =	sadd.s32 $0xF00, s9;
	[sflag:s30] =	ssyncadd.s32 $0xFFFFD800  }
0x81: {  	[hbm4b:s9+s2] =	stream.linear.scatter [tilespmem:s25], [sflag:$0x8], $0x2800, $0x38;
	[tilespmem:$0x18F00] =	vst v63  }
0x82: {  	s14 =	sadd.s32 $0xF00, s14  }
0x83: {  	[hbm4b:s14+s2] =	stream.linear.scatter [tilespmem:s26], [sflag:$0x8], $0x2800, $0x38;
	[tilespmem:$0x18F00] =	vst v63  }
0x84: {  	p0 =	seq.s32 s7, $0x9600;
	_ =	swait.ge [sflag:s31], $0x2800  }
.Ltmp2:
0x85: {  	[sflag:s31] =	ssyncset.done $0x0;
	(pc) =	sbr.rel @p0 .LBB2_4-.Ltmp2, $4  }
0x86: {  	[sflag:s31] =	ssyncadd.s32 $0xFFFFD800  }
0x87: {  	_ =	swait.ge [sflag:s31], $0x2800  }
0x88: {  	[sflag:s31] =	ssyncset.done $0x0  }
0x89: {  	[sflag:s31] =	ssyncadd.s32 $0xFFFFD800  }
.Ltmp3:
0x8a: {  	(pc) =	sbr.rel .LBB2_2-.Ltmp3, $4  }
0x8b: {  	s6 =	sadd.s32 $0x190, s8;
	s14 =	sadd.s32 $0x2910, s8  }
0x8c: {  	[tilespmem:s18], [sflag:$0x2] =	stream.indirect.gather [hbm4b:s3+s15], $0x80, s6, s15, $0xb8;
	[tilespmem:$0x18F00] =	vst v63  }
0x8d: {  	s7 =	sadd.s32 $0x500, s7;
	s11 =	sadd.s32 $0x1400, s11;
	s12 =	sadd.s32 $0x1400, s12  }
0x8e: {  	[tilespmem:s20], [sflag:$0x2] =	stream.indirect.gather [hbm4b:s4+s15], $0x80, s14, s15, $0xb8;
	[tilespmem:$0x18F00] =	vst v63  }
.LBB2_5:
0x8f: {  	_ =	sfence.sel $0x180000  }
0x90: {  	[bflag:$0x0] =	sbarrier.arrive $0xFFFF  }
0x91: {  	_ =	strace $0x90000047  }
0x92: {  	s0 =	stileid.u32;
	[bflag:$0x2] =	sbarrier.arrive $0xFFFF  }
0x93: {  	p0 =	sne.s32 s0, $0x0;
	s0 =	rddreg [dreg:$0x1]  }
0x94: {  	s0 =	sadd.s32 @!p0 $0x100000, s0  }
0x95: {  	[sflag:s0] =	ssyncadd.tile.s32 @!p0 $0x1;
	_ =	shalt  }
.Lfunc_end2:
_tile_overlayer_lowered:
.L_overlay_start_2:
0x96: {  	(tag) =	ssettag $0x2  }
0x97: {  	s0 =	rddreg [dreg:$0x0];
	s2 =	stileid.u32  }
0x98: {  	s1 =	rddreg [dreg:$0x1];
	p0 =	sne.s32 s2, $0x0  }
0x99: {  	s3 =	rddreg [dreg:$0x2];
	[bflag:$0x3] =	sbarrier.arrive $0xFFFF;
	s2 =	simm.s32 @!p0 $0x1C09  }
0x9a: {  	[timem:s3], [sflag:s2] =	dma.local @!p0 [hbm:s0], s1  }
0x9b: {  	s0 =	simm.s32 @!p0 $0x9  }
0x9c: {  	_ =	swait.ge @!p0 [sflag:s0], s1  }
0x9d: {  	s1 =	ssub.s32 @!p0 $0x0, s1;
	[sflag:s0] =	ssyncset.done @!p0 $0x0  }
0x9e: {  	[sflag:s0] =	ssyncadd.s32 @!p0 s1  }
0x9f: {  	[bflag:$0x3] =	sbarrier.arrive $0xFFFF  }
0xa0: {  	_ =	shalt  }

</sc_bundles>
